<compile_context>
chip_gen: v7x
topology: tpu7x:2x2x1
jax: 0.10.2.dev20260603
libtpu: 0.0.44.dev20260713+nightly
codegen_flags: <defaults>
</compile_context>

<pallas_src>
import functools

import jax
import jax.numpy as jnp
from jax import lax
from jax.experimental import pallas as pl
from jax.experimental.pallas import tpu as pltpu
from jax.experimental.pallas import tpu_sc as plsc

B = 16384
E = 32
H = 128
NM = 100000

NC = 2
NS = 16
NW = NC * NS
BPW = B // NW
L = 16
GS = 4
NG = BPW // GS


@functools.cache
def _make_user_gather():
    mesh = plsc.VectorSubcoreMesh(core_axis_name="c", subcore_axis_name="s")

    @functools.partial(
        pl.kernel,
        mesh=mesh,
        out_type=jax.ShapeDtypeStruct((B, E), jnp.float32),
        scratch_types=[
            pltpu.VMEM((BPW,), jnp.int32),
            pltpu.VMEM((NG * L,), jnp.int32),
            pltpu.VMEM((GS, E, H), jnp.float32),
            pltpu.VMEM((GS, E, H), jnp.float32),
            pltpu.VMEM((GS, E, H), jnp.float32),
            pltpu.VMEM((GS, E, H), jnp.float32),
            pltpu.VMEM((GS, E), jnp.float32),
            pltpu.VMEM((GS, E), jnp.float32),
            pltpu.VMEM((GS, E), jnp.float32),
            pltpu.VMEM((GS, E), jnp.float32),
            pltpu.SemaphoreType.DMA,
            pltpu.SemaphoreType.DMA,
            pltpu.SemaphoreType.DMA,
            pltpu.SemaphoreType.DMA,
            pltpu.SemaphoreType.DMA,
        ],
        compiler_params=pltpu.CompilerParams(needs_layout_passes=False),
    )
    def _gather(users, utabT, out, idx_v, idx2, bufA, bufB, bufC, bufD,
                stgA, stgB, stgC, stgD, semA, semB, semC, semD, wsem):
        wid = lax.axis_index("s") * NC + lax.axis_index("c")
        base = wid * BPW
        lane = lax.iota(jnp.int32, L)

        pltpu.sync_copy(users.at[pl.ds(base, BPW)], idx_v)

        dstpos = (lax.shift_right_logical(lane, 2) * L) + (lane & (GS - 1))

        def _spread(q, carry):
            vecs = idx_v[pl.ds(q * L, L)]
            plsc.store_scatter(idx2, [q * (4 * L) + dstpos], vecs)
            return carry

        lax.fori_loop(0, BPW // L, _spread, 0)

        def fire(g, buf, sem):
            vec = idx2[pl.ds(g * L, L)]
            for k in range(GS):
                i = vec[k]
                c128 = pl.multiple_of(i & ~(H - 1), H)
                pltpu.async_copy(utabT.at[:, pl.ds(c128, H)], buf.at[k], sem)

        def handle(g, buf, sem, stg):
            for k in range(GS):
                pltpu.make_async_copy(utabT.at[:, pl.ds(0, H)],
                                      buf.at[k], sem).wait()
            vec = idx2[pl.ds(g * L, L)]
            for k in range(GS):
                i = vec[k]
                remv = jnp.full((L,), i & (H - 1), jnp.int32)
                kv = jnp.full((L,), k, jnp.int32)
                v0 = plsc.load_gather(buf, [kv, lane, remv])
                v1 = plsc.load_gather(buf, [kv, lane + L, remv])
                stg[k, pl.ds(0, L)] = v0
                stg[k, pl.ds(L, L)] = v1
            pltpu.async_copy(stg, out.at[pl.ds(base + g * GS, GS)], wsem)

        lanes = ((bufA, semA, stgA), (bufB, semB, stgB),
                 (bufC, semC, stgC), (bufD, semD, stgD))
        NBUF = len(lanes)

        def _body(p, carry):
            for j, (buf, sem, stg) in enumerate(lanes):
                g = NBUF * p + j

                @pl.when(g >= NBUF)
                def _(stg=stg):
                    pltpu.make_async_copy(out.at[pl.ds(0, GS)], stg,
                                          wsem).wait()
                handle(g, buf, sem, stg)

                @pl.when(g + NBUF < NG)
                def _(g=g, buf=buf, sem=sem):
                    fire(g + NBUF, buf, sem)
            return carry

        for j, (buf, sem, _) in enumerate(lanes):
            fire(j, buf, sem)

        lax.fori_loop(0, NG // NBUF, _body, 0)
        for _, _, stg in lanes:
            pltpu.make_async_copy(out.at[pl.ds(0, GS)], stg, wsem).wait()

    return _gather


HB = B // 2
MPW = HB // NW
MCH = 128


@functools.cache
def _make_pm_gather():
    mesh = plsc.VectorSubcoreMesh(core_axis_name="c", subcore_axis_name="s")

    @functools.partial(
        pl.kernel,
        mesh=mesh,
        out_type=jax.ShapeDtypeStruct((HB, H), jnp.float32),
        scratch_types=[
            pltpu.VMEM((MPW,), jnp.int32),
            pltpu.VMEM((MPW, H), jnp.float32),
            pltpu.SemaphoreType.DMA,
        ],
        compiler_params=pltpu.CompilerParams(needs_layout_passes=False),
    )
    def _gather(movies_half, pm_tab, out, idx_v, rows_v, sem):
        wid = lax.axis_index("s") * NC + lax.axis_index("c")
        base = wid * MPW
        pltpu.sync_copy(movies_half.at[pl.ds(base, MPW)], idx_v)
        copies = [
            pltpu.async_copy(
                pm_tab.at[idx_v.at[pl.ds(j * MCH, MCH)]],
                rows_v.at[pl.ds(j * MCH, MCH)], sem)
            for j in range(MPW // MCH)
        ]
        for c in copies:
            c.wait()
        pltpu.sync_copy(rows_v, out.at[pl.ds(base, MPW)])

    return _gather


NMP = 102400
BLKM = 12800


def _proj_body(mT, w1m, o):
    o[...] = jax.lax.dot_general(
        mT[...], w1m[...], (((0,), (0,)), ((), ())),
        preferred_element_type=jnp.float32)


def _movie_proj(mtabT, w1m):
    return pl.pallas_call(
        _proj_body,
        grid=(NMP // BLKM,),
        in_specs=[
            pl.BlockSpec((E, BLKM), lambda i: (0, i)),
            pl.BlockSpec((E, H), lambda i: (0, 0)),
        ],
        out_specs=pl.BlockSpec((BLKM, H), lambda i: (i, 0)),
        out_shape=jax.ShapeDtypeStruct((NMP, H), jnp.float32),
    )(mtabT, w1m)


BLK = 2048


def _mlp_body(u, pm, w1u, b1, w2, b2, o):
    h = jnp.dot(u[...], w1u[...], preferred_element_type=jnp.float32)
    h = jnp.maximum(h + pm[...] + b1[...], 0.0)
    o[...] = jnp.dot(h, w2[...], preferred_element_type=jnp.float32) + b2[...]


def _mlp(u, pm, w1u, b1, w2, b2):
    n = u.shape[0]
    return pl.pallas_call(
        _mlp_body,
        grid=(n // BLK,),
        in_specs=[
            pl.BlockSpec((BLK, E), lambda i: (i, 0)),
            pl.BlockSpec((BLK, H), lambda i: (i, 0)),
            pl.BlockSpec((E, H), lambda i: (0, 0)),
            pl.BlockSpec((1, H), lambda i: (0, 0)),
            pl.BlockSpec((H, 1), lambda i: (0, 0)),
            pl.BlockSpec((1, 1), lambda i: (0, 0)),
        ],
        out_specs=pl.BlockSpec((BLK, 1), lambda i: (i, 0)),
        out_shape=jax.ShapeDtypeStruct((n, 1), jnp.float32),
    )(u, pm, w1u, b1, w2, b2)


def kernel(users, movies, user_table, movie_table, W1, b1, W2, b2):
    u_emb = _make_user_gather()(users, user_table.T)
    mtabT = jnp.pad(movie_table.T, ((0, 0), (0, NMP - NM)))
    pm_tab = _movie_proj(mtabT, W1[E:])
    dep = (u_emb[0, 0] * 0.0).astype(jnp.int32)
    movies = movies + dep
    pm1 = _make_pm_gather()(movies[:HB], pm_tab)
    pm2 = _make_pm_gather()(movies[HB:], pm_tab)
    w1u = W1[:E]
    b1r = b1.reshape(1, H)
    b2r = b2.reshape(1, 1)
    o1 = _mlp(u_emb[:HB], pm1, w1u, b1r, W2, b2r)
    o2 = _mlp(u_emb[HB:], pm2, w1u, b1r, W2, b2r)
    return jnp.concatenate([o1, o2], axis=0)

# --- scband reference (transcript-rebuilt; emitter-appended) ---
"""Pipeline reference for scband-recommand-model-37950331027710 (READ-ONLY COPY).

The authoritative reference and input builder live on the scoring server;
editing this copy changes nothing except your own understanding.
"""

import jax, jax.numpy as jnp
import numpy as np

N_USERS = 1000000
N_MOVIES = 100000
BATCH = 16384
EMBED = 32


def setup_inputs(seed: int = 0) -> dict:
    key = jax.random.key(seed)
    ks = jax.random.split(key, 8)
    users = jax.random.randint(ks[0], (BATCH,), 0, N_USERS, dtype=jnp.int64 if jax.config.jax_enable_x64 else jnp.int32).astype(jnp.int32)
    movies = jax.random.randint(ks[1], (BATCH,), 0, N_MOVIES).astype(jnp.int32)
    user_table = jax.random.normal(ks[2], (N_USERS, EMBED), dtype=jnp.float32) * 0.02
    movie_table = jax.random.normal(ks[3], (N_MOVIES, EMBED), dtype=jnp.float32) * 0.02
    W1 = jax.random.normal(ks[4], (2 * EMBED, 128), dtype=jnp.float32) * (1.0 / np.sqrt(2 * EMBED))
    b1 = jnp.zeros((128,), dtype=jnp.float32)
    W2 = jax.random.normal(ks[5], (128, 1), dtype=jnp.float32) * (1.0 / np.sqrt(128))
    b2 = jnp.zeros((1,), dtype=jnp.float32)
    return {"users": users, "movies": movies, "user_table": user_table, "movie_table": movie_table, "W1": W1, "b1": b1, "W2": W2, "b2": b2}


def reference(users, movies, user_table, movie_table, W1, b1, W2, b2):
    user_embeds = jnp.take(user_table, users, axis=0)
    movie_embeds = jnp.take(movie_table, movies, axis=0)
    h = jnp.concatenate([user_embeds, movie_embeds], axis=1)
    h = jax.nn.relu(h @ W1 + b1)
    out = h @ W2 + b2
    return out

if __name__ == "__main__":
    import jax
    _d = setup_inputs()
    print(jax.jit(kernel)(*tuple(_d.values())))

</pallas_src>

<mosaic_0001>
#map = affine_map<(d0, d1) -> (0)>
#map1 = affine_map<(d0, d1) -> (0, 0)>
module attributes {stable_mosaic.version = 14 : i64} {
  func.func @_gather(%arg0: i32, %arg1: i32, %arg2: memref<8192xi32, #tpu.memory_space<hbm>>, %arg3: memref<102400x128xf32, #tpu.memory_space<hbm>>, %arg4: memref<8192x128xf32, #tpu.memory_space<hbm>>, %arg5: memref<256xi32, #tpu.memory_space<vmem>>, %arg6: memref<256x128xf32, #tpu.memory_space<vmem>>, %arg7: memref<!tpu.dma_semaphore, #tpu.memory_space<semaphore_mem>>) attributes {dimension_semantics = [#tpu.dimension_semantics<core_parallel>, #tpu.dimension_semantics<subcore_parallel>], iteration_bounds = array<i64: 2, 16>, scalar_prefetch = 0 : i64, scratch_operands = 3 : i64, tpu.core_type = #tpu.core_type<sc_vector_subcore>, window_params = [{transform_indices = #map}, {transform_indices = #map1}, {transform_indices = #map1}]} {
    %mul3A = arith.constant 2 : i32
    %mul3A_0 = arith.muli %arg1, %mul3A : i32
    %add3A = arith.addi %mul3A_0, %arg0 : i32
    %mul3A_1 = arith.constant 256 : i32
    %mul3A_2 = arith.muli %add3A, %mul3A_1 : i32
    "tpu.region"() ({
      %run_scoped3A = tpu.sem_alloc : memref<!tpu.dma_semaphore, #tpu.memory_space<semaphore_mem>>
      %dma_start3A_33 = tpu.memref_slice %arg2[%mul3A_2] : memref<8192xi32, #tpu.memory_space<hbm>> -> memref<256xi32, #tpu.memory_space<hbm>>
      %dma_start3A_34 = tpu.memref_slice %arg2[%mul3A_2] : memref<8192xi32, #tpu.memory_space<hbm>> -> memref<256xi32, #tpu.memory_space<hbm>>
      tpu.enqueue_dma source(%dma_start3A_34 : memref<256xi32, #tpu.memory_space<hbm>>) target(%arg5 : memref<256xi32, #tpu.memory_space<vmem>>) target_semaphore(%run_scoped3A : memref<!tpu.dma_semaphore, #tpu.memory_space<semaphore_mem>>)
      %dma_wait3A_35 = tpu.memref_slice %arg2[%mul3A_2] : memref<8192xi32, #tpu.memory_space<hbm>> -> memref<256xi32, #tpu.memory_space<hbm>>
      %dma_wait3A_36 = tpu.memref_slice %arg2[%mul3A_2] : memref<8192xi32, #tpu.memory_space<hbm>> -> memref<256xi32, #tpu.memory_space<hbm>>
      tpu.wait_dma2 semaphore(%run_scoped3A : memref<!tpu.dma_semaphore, #tpu.memory_space<semaphore_mem>>) src(%dma_wait3A_36 : memref<256xi32, #tpu.memory_space<hbm>>) dst(%arg5 : memref<256xi32, #tpu.memory_space<vmem>>)
      tpu.yield
    }) : () -> ()
    %dma_start3A = arith.constant 0 : i32
    %dma_start3A_3 = arith.constant 0 : i32
    %dma_start3A_4 = tpu.memref_slice %arg6[%dma_start3A, %dma_start3A_3] : memref<256x128xf32, #tpu.memory_space<vmem>> -> memref<128x128xf32, #tpu.memory_space<vmem>>
    %dma_start3A_5 = arith.constant 0 : i32
    %dma_start3A_6 = tpu.memref_slice %arg5[%dma_start3A_5] : memref<256xi32, #tpu.memory_space<vmem>> -> memref<128xi32, #tpu.memory_space<vmem>>
    %dma_start3A_7 = arith.constant 0 : i32
    %dma_start3A_8 = arith.constant 0 : i32
    %dma_start3A_9 = tpu.memref_slice %arg3[%dma_start3A_7, %dma_start3A_8] : memref<102400x128xf32, #tpu.memory_space<hbm>> -> memref<102400x128xf32, #tpu.memory_space<hbm>>
    tpu.enqueue_indirect_dma source(%dma_start3A_9 : memref<102400x128xf32, #tpu.memory_space<hbm>>) target(%dma_start3A_4 : memref<128x128xf32, #tpu.memory_space<vmem>>) offsets(%dma_start3A_6 : memref<128xi32, #tpu.memory_space<vmem>>) semaphore(%arg7 : memref<!tpu.dma_semaphore, #tpu.memory_space<semaphore_mem>>)
    %dma_start3A_10 = arith.constant 128 : i32
    %dma_start3A_11 = arith.constant 0 : i32
    %dma_start3A_12 = tpu.memref_slice %arg6[%dma_start3A_10, %dma_start3A_11] : memref<256x128xf32, #tpu.memory_space<vmem>> -> memref<128x128xf32, #tpu.memory_space<vmem>>
    %dma_start3A_13 = arith.constant 128 : i32
    %dma_start3A_14 = tpu.memref_slice %arg5[%dma_start3A_13] : memref<256xi32, #tpu.memory_space<vmem>> -> memref<128xi32, #tpu.memory_space<vmem>>
    %dma_start3A_15 = arith.constant 0 : i32
    %dma_start3A_16 = arith.constant 0 : i32
    %dma_start3A_17 = tpu.memref_slice %arg3[%dma_start3A_15, %dma_start3A_16] : memref<102400x128xf32, #tpu.memory_space<hbm>> -> memref<102400x128xf32, #tpu.memory_space<hbm>>
    tpu.enqueue_indirect_dma source(%dma_start3A_17 : memref<102400x128xf32, #tpu.memory_space<hbm>>) target(%dma_start3A_12 : memref<128x128xf32, #tpu.memory_space<vmem>>) offsets(%dma_start3A_14 : memref<128xi32, #tpu.memory_space<vmem>>) semaphore(%arg7 : memref<!tpu.dma_semaphore, #tpu.memory_space<semaphore_mem>>)
    %dma_wait3A = arith.constant 0 : i32
    %dma_wait3A_18 = arith.constant 0 : i32
    %dma_wait3A_19 = tpu.memref_slice %arg6[%dma_wait3A, %dma_wait3A_18] : memref<256x128xf32, #tpu.memory_space<vmem>> -> memref<128x128xf32, #tpu.memory_space<vmem>>
    %dma_wait3A_20 = arith.constant 0 : i32
    %dma_wait3A_21 = tpu.memref_slice %arg5[%dma_wait3A_20] : memref<256xi32, #tpu.memory_space<vmem>> -> memref<128xi32, #tpu.memory_space<vmem>>
    %dma_wait3A_22 = arith.constant 0 : i32
    %dma_wait3A_23 = arith.constant 0 : i32
    %dma_wait3A_24 = tpu.memref_slice %arg3[%dma_wait3A_22, %dma_wait3A_23] : memref<102400x128xf32, #tpu.memory_space<hbm>> -> memref<102400x128xf32, #tpu.memory_space<hbm>>
    tpu.wait_indirect_dma semaphore(%arg7 : memref<!tpu.dma_semaphore, #tpu.memory_space<semaphore_mem>>) src(%dma_wait3A_24 : memref<102400x128xf32, #tpu.memory_space<hbm>>) dst(%dma_wait3A_19 : memref<128x128xf32, #tpu.memory_space<vmem>>)
    %dma_wait3A_25 = arith.constant 128 : i32
    %dma_wait3A_26 = arith.constant 0 : i32
    %dma_wait3A_27 = tpu.memref_slice %arg6[%dma_wait3A_25, %dma_wait3A_26] : memref<256x128xf32, #tpu.memory_space<vmem>> -> memref<128x128xf32, #tpu.memory_space<vmem>>
    %dma_wait3A_28 = arith.constant 128 : i32
    %dma_wait3A_29 = tpu.memref_slice %arg5[%dma_wait3A_28] : memref<256xi32, #tpu.memory_space<vmem>> -> memref<128xi32, #tpu.memory_space<vmem>>
    %dma_wait3A_30 = arith.constant 0 : i32
    %dma_wait3A_31 = arith.constant 0 : i32
    %dma_wait3A_32 = tpu.memref_slice %arg3[%dma_wait3A_30, %dma_wait3A_31] : memref<102400x128xf32, #tpu.memory_space<hbm>> -> memref<102400x128xf32, #tpu.memory_space<hbm>>
    tpu.wait_indirect_dma semaphore(%arg7 : memref<!tpu.dma_semaphore, #tpu.memory_space<semaphore_mem>>) src(%dma_wait3A_32 : memref<102400x128xf32, #tpu.memory_space<hbm>>) dst(%dma_wait3A_27 : memref<128x128xf32, #tpu.memory_space<vmem>>)
    "tpu.region"() ({
      %run_scoped3A = tpu.sem_alloc : memref<!tpu.dma_semaphore, #tpu.memory_space<semaphore_mem>>
      %dma_start3A_33 = arith.constant 0 : i32
      %dma_start3A_34 = tpu.memref_slice %arg4[%mul3A_2, %dma_start3A_33] : memref<8192x128xf32, #tpu.memory_space<hbm>> -> memref<256x128xf32, #tpu.memory_space<hbm>>
      %dma_start3A_35 = arith.constant 0 : i32
      %dma_start3A_36 = tpu.memref_slice %arg4[%mul3A_2, %dma_start3A_35] : memref<8192x128xf32, #tpu.memory_space<hbm>> -> memref<256x128xf32, #tpu.memory_space<hbm>>
      tpu.enqueue_dma source(%arg6 : memref<256x128xf32, #tpu.memory_space<vmem>>) target(%dma_start3A_36 : memref<256x128xf32, #tpu.memory_space<hbm>>) target_semaphore(%run_scoped3A : memref<!tpu.dma_semaphore, #tpu.memory_space<semaphore_mem>>)
      %dma_wait3A_37 = arith.constant 0 : i32
      %dma_wait3A_38 = tpu.memref_slice %arg4[%mul3A_2, %dma_wait3A_37] : memref<8192x128xf32, #tpu.memory_space<hbm>> -> memref<256x128xf32, #tpu.memory_space<hbm>>
      %dma_wait3A_39 = arith.constant 0 : i32
      %dma_wait3A_40 = tpu.memref_slice %arg4[%mul3A_2, %dma_wait3A_39] : memref<8192x128xf32, #tpu.memory_space<hbm>> -> memref<256x128xf32, #tpu.memory_space<hbm>>
      tpu.wait_dma2 semaphore(%run_scoped3A : memref<!tpu.dma_semaphore, #tpu.memory_space<semaphore_mem>>) src(%arg6 : memref<256x128xf32, #tpu.memory_space<vmem>>) dst(%dma_wait3A_40 : memref<256x128xf32, #tpu.memory_space<hbm>>)
      tpu.yield
    }) : () -> ()
    return
  }
}

#map = affine_map<(d0, d1) -> (0)>
#map1 = affine_map<(d0, d1) -> (0, 0)>
module attributes {stable_mosaic.version = 14 : i64} {
  func.func @_gather(%arg0: i32, %arg1: i32, %arg2: memref<8192xi32, #tpu.memory_space<hbm>>, %arg3: memref<102400x128xf32, #tpu.memory_space<hbm>>, %arg4: memref<8192x128xf32, #tpu.memory_space<hbm>>, %arg5: memref<256xi32, #tpu.memory_space<vmem>>, %arg6: memref<256x128xf32, #tpu.memory_space<vmem>>, %arg7: memref<!tpu.dma_semaphore, #tpu.memory_space<semaphore_mem>>) attributes {dimension_semantics = [#tpu.dimension_semantics<core_parallel>, #tpu.dimension_semantics<subcore_parallel>], iteration_bounds = array<i64: 2, 16>, scalar_prefetch = 0 : i64, scratch_operands = 3 : i64, tpu.core_type = #tpu.core_type<sc_vector_subcore>, window_params = [{transform_indices = #map}, {transform_indices = #map1}, {transform_indices = #map1}]} {
    %mul3A = arith.constant 2 : i32
    %mul3A_0 = arith.muli %arg1, %mul3A : i32
    %add3A = arith.addi %mul3A_0, %arg0 : i32
    %mul3A_1 = arith.constant 256 : i32
    %mul3A_2 = arith.muli %add3A, %mul3A_1 : i32
    "tpu.region"() ({
      %run_scoped3A = tpu.sem_alloc : memref<!tpu.dma_semaphore, #tpu.memory_space<semaphore_mem>>
      %dma_start3A_33 = tpu.memref_slice %arg2[%mul3A_2] : memref<8192xi32, #tpu.memory_space<hbm>> -> memref<256xi32, #tpu.memory_space<hbm>>
      %dma_start3A_34 = tpu.memref_slice %arg2[%mul3A_2] : memref<8192xi32, #tpu.memory_space<hbm>> -> memref<256xi32, #tpu.memory_space<hbm>>
      tpu.enqueue_dma source(%dma_start3A_34 : memref<256xi32, #tpu.memory_space<hbm>>) target(%arg5 : memref<256xi32, #tpu.memory_space<vmem>>) target_semaphore(%run_scoped3A : memref<!tpu.dma_semaphore, #tpu.memory_space<semaphore_mem>>)
      %dma_wait3A_35 = tpu.memref_slice %arg2[%mul3A_2] : memref<8192xi32, #tpu.memory_space<hbm>> -> memref<256xi32, #tpu.memory_space<hbm>>
      %dma_wait3A_36 = tpu.memref_slice %arg2[%mul3A_2] : memref<8192xi32, #tpu.memory_space<hbm>> -> memref<256xi32, #tpu.memory_space<hbm>>
      tpu.wait_dma2 semaphore(%run_scoped3A : memref<!tpu.dma_semaphore, #tpu.memory_space<semaphore_mem>>) src(%dma_wait3A_36 : memref<256xi32, #tpu.memory_space<hbm>>) dst(%arg5 : memref<256xi32, #tpu.memory_space<vmem>>)
      tpu.yield
    }) : () -> ()
    %dma_start3A = arith.constant 0 : i32
    %dma_start3A_3 = arith.constant 0 : i32
    %dma_start3A_4 = tpu.memref_slice %arg6[%dma_start3A, %dma_start3A_3] : memref<256x128xf32, #tpu.memory_space<vmem>> -> memref<128x128xf32, #tpu.memory_space<vmem>>
    %dma_start3A_5 = arith.constant 0 : i32
    %dma_start3A_6 = tpu.memref_slice %arg5[%dma_start3A_5] : memref<256xi32, #tpu.memory_space<vmem>> -> memref<128xi32, #tpu.memory_space<vmem>>
    %dma_start3A_7 = arith.constant 0 : i32
    %dma_start3A_8 = arith.constant 0 : i32
    %dma_start3A_9 = tpu.memref_slice %arg3[%dma_start3A_7, %dma_start3A_8] : memref<102400x128xf32, #tpu.memory_space<hbm>> -> memref<102400x128xf32, #tpu.memory_space<hbm>>
    tpu.enqueue_indirect_dma source(%dma_start3A_9 : memref<102400x128xf32, #tpu.memory_space<hbm>>) target(%dma_start3A_4 : memref<128x128xf32, #tpu.memory_space<vmem>>) offsets(%dma_start3A_6 : memref<128xi32, #tpu.memory_space<vmem>>) semaphore(%arg7 : memref<!tpu.dma_semaphore, #tpu.memory_space<semaphore_mem>>)
    %dma_start3A_10 = arith.constant 128 : i32
    %dma_start3A_11 = arith.constant 0 : i32
    %dma_start3A_12 = tpu.memref_slice %arg6[%dma_start3A_10, %dma_start3A_11] : memref<256x128xf32, #tpu.memory_space<vmem>> -> memref<128x128xf32, #tpu.memory_space<vmem>>
    %dma_start3A_13 = arith.constant 128 : i32
    %dma_start3A_14 = tpu.memref_slice %arg5[%dma_start3A_13] : memref<256xi32, #tpu.memory_space<vmem>> -> memref<128xi32, #tpu.memory_space<vmem>>
    %dma_start3A_15 = arith.constant 0 : i32
    %dma_start3A_16 = arith.constant 0 : i32
    %dma_start3A_17 = tpu.memref_slice %arg3[%dma_start3A_15, %dma_start3A_16] : memref<102400x128xf32, #tpu.memory_space<hbm>> -> memref<102400x128xf32, #tpu.memory_space<hbm>>
    tpu.enqueue_indirect_dma source(%dma_start3A_17 : memref<102400x128xf32, #tpu.memory_space<hbm>>) target(%dma_start3A_12 : memref<128x128xf32, #tpu.memory_space<vmem>>) offsets(%dma_start3A_14 : memref<128xi32, #tpu.memory_space<vmem>>) semaphore(%arg7 : memref<!tpu.dma_semaphore, #tpu.memory_space<semaphore_mem>>)
    %dma_wait3A = arith.constant 0 : i32
    %dma_wait3A_18 = arith.constant 0 : i32
    %dma_wait3A_19 = tpu.memref_slice %arg6[%dma_wait3A, %dma_wait3A_18] : memref<256x128xf32, #tpu.memory_space<vmem>> -> memref<128x128xf32, #tpu.memory_space<vmem>>
    %dma_wait3A_20 = arith.constant 0 : i32
    %dma_wait3A_21 = tpu.memref_slice %arg5[%dma_wait3A_20] : memref<256xi32, #tpu.memory_space<vmem>> -> memref<128xi32, #tpu.memory_space<vmem>>
    %dma_wait3A_22 = arith.constant 0 : i32
    %dma_wait3A_23 = arith.constant 0 : i32
    %dma_wait3A_24 = tpu.memref_slice %arg3[%dma_wait3A_22, %dma_wait3A_23] : memref<102400x128xf32, #tpu.memory_space<hbm>> -> memref<102400x128xf32, #tpu.memory_space<hbm>>
    tpu.wait_indirect_dma semaphore(%arg7 : memref<!tpu.dma_semaphore, #tpu.memory_space<semaphore_mem>>) src(%dma_wait3A_24 : memref<102400x128xf32, #tpu.memory_space<hbm>>) dst(%dma_wait3A_19 : memref<128x128xf32, #tpu.memory_space<vmem>>)
    %dma_wait3A_25 = arith.constant 128 : i32
    %dma_wait3A_26 = arith.constant 0 : i32
    %dma_wait3A_27 = tpu.memref_slice %arg6[%dma_wait3A_25, %dma_wait3A_26] : memref<256x128xf32, #tpu.memory_space<vmem>> -> memref<128x128xf32, #tpu.memory_space<vmem>>
    %dma_wait3A_28 = arith.constant 128 : i32
    %dma_wait3A_29 = tpu.memref_slice %arg5[%dma_wait3A_28] : memref<256xi32, #tpu.memory_space<vmem>> -> memref<128xi32, #tpu.memory_space<vmem>>
    %dma_wait3A_30 = arith.constant 0 : i32
    %dma_wait3A_31 = arith.constant 0 : i32
    %dma_wait3A_32 = tpu.memref_slice %arg3[%dma_wait3A_30, %dma_wait3A_31] : memref<102400x128xf32, #tpu.memory_space<hbm>> -> memref<102400x128xf32, #tpu.memory_space<hbm>>
    tpu.wait_indirect_dma semaphore(%arg7 : memref<!tpu.dma_semaphore, #tpu.memory_space<semaphore_mem>>) src(%dma_wait3A_32 : memref<102400x128xf32, #tpu.memory_space<hbm>>) dst(%dma_wait3A_27 : memref<128x128xf32, #tpu.memory_space<vmem>>)
    "tpu.region"() ({
      %run_scoped3A = tpu.sem_alloc : memref<!tpu.dma_semaphore, #tpu.memory_space<semaphore_mem>>
      %dma_start3A_33 = arith.constant 0 : i32
      %dma_start3A_34 = tpu.memref_slice %arg4[%mul3A_2, %dma_start3A_33] : memref<8192x128xf32, #tpu.memory_space<hbm>> -> memref<256x128xf32, #tpu.memory_space<hbm>>
      %dma_start3A_35 = arith.constant 0 : i32
      %dma_start3A_36 = tpu.memref_slice %arg4[%mul3A_2, %dma_start3A_35] : memref<8192x128xf32, #tpu.memory_space<hbm>> -> memref<256x128xf32, #tpu.memory_space<hbm>>
      tpu.enqueue_dma source(%arg6 : memref<256x128xf32, #tpu.memory_space<vmem>>) target(%dma_start3A_36 : memref<256x128xf32, #tpu.memory_space<hbm>>) target_semaphore(%run_scoped3A : memref<!tpu.dma_semaphore, #tpu.memory_space<semaphore_mem>>)
      %dma_wait3A_37 = arith.constant 0 : i32
      %dma_wait3A_38 = tpu.memref_slice %arg4[%mul3A_2, %dma_wait3A_37] : memref<8192x128xf32, #tpu.memory_space<hbm>> -> memref<256x128xf32, #tpu.memory_space<hbm>>
      %dma_wait3A_39 = arith.constant 0 : i32
      %dma_wait3A_40 = tpu.memref_slice %arg4[%mul3A_2, %dma_wait3A_39] : memref<8192x128xf32, #tpu.memory_space<hbm>> -> memref<256x128xf32, #tpu.memory_space<hbm>>
      tpu.wait_dma2 semaphore(%run_scoped3A : memref<!tpu.dma_semaphore, #tpu.memory_space<semaphore_mem>>) src(%arg6 : memref<256x128xf32, #tpu.memory_space<vmem>>) dst(%dma_wait3A_40 : memref<256x128xf32, #tpu.memory_space<hbm>>)
      tpu.yield
    }) : () -> ()
    return
  }
}

#map = affine_map<(d0, d1) -> (0)>
#map1 = affine_map<(d0, d1) -> (0, 0)>
module attributes {stable_mosaic.version = 14 : i64} {
  func.func @_gather(%arg0: i32, %arg1: i32, %arg2: memref<16384xi32, #tpu.memory_space<hbm>>, %arg3: memref<32x1000000xf32, #tpu.memory_space<hbm>>, %arg4: memref<16384x32xf32, #tpu.memory_space<hbm>>, %arg5: memref<512xi32, #tpu.memory_space<vmem>>, %arg6: memref<2048xi32, #tpu.memory_space<vmem>>, %arg7: memref<4x32x128xf32, #tpu.memory_space<vmem>>, %arg8: memref<4x32x128xf32, #tpu.memory_space<vmem>>, %arg9: memref<4x32x128xf32, #tpu.memory_space<vmem>>, %arg10: memref<4x32x128xf32, #tpu.memory_space<vmem>>, %arg11: memref<4x32xf32, #tpu.memory_space<vmem>>, %arg12: memref<4x32xf32, #tpu.memory_space<vmem>>, %arg13: memref<4x32xf32, #tpu.memory_space<vmem>>, %arg14: memref<4x32xf32, #tpu.memory_space<vmem>>, %arg15: memref<!tpu.dma_semaphore, #tpu.memory_space<semaphore_mem>>, %arg16: memref<!tpu.dma_semaphore, #tpu.memory_space<semaphore_mem>>, %arg17: memref<!tpu.dma_semaphore, #tpu.memory_space<semaphore_mem>>, %arg18: memref<!tpu.dma_semaphore, #tpu.memory_space<semaphore_mem>>, %arg19: memref<!tpu.dma_semaphore, #tpu.memory_space<semaphore_mem>>) attributes {dimension_semantics = [#tpu.dimension_semantics<core_parallel>, #tpu.dimension_semantics<subcore_parallel>], iteration_bounds = array<i64: 2, 16>, scalar_prefetch = 0 : i64, scratch_operands = 15 : i64, tpu.core_type = #tpu.core_type<sc_vector_subcore>, window_params = [{transform_indices = #map}, {transform_indices = #map1}, {transform_indices = #map1}]} {
    %mul3A = arith.constant 2 : i32
    %mul3A_0 = arith.muli %arg1, %mul3A : i32
    %add3A = arith.addi %mul3A_0, %arg0 : i32
    %mul3A_1 = arith.constant 512 : i32
    %mul3A_2 = arith.muli %add3A, %mul3A_1 : i32
    %iota3A = tpu.iota {dimensions = array<i32: 0>} : vector<16xi32>
    "tpu.region"() ({
      %run_scoped3A = tpu.sem_alloc : memref<!tpu.dma_semaphore, #tpu.memory_space<semaphore_mem>>
      %dma_start3A_336 = tpu.memref_slice %arg2[%mul3A_2] : memref<16384xi32, #tpu.memory_space<hbm>> -> memref<512xi32, #tpu.memory_space<hbm>>
      %dma_start3A_337 = tpu.memref_slice %arg2[%mul3A_2] : memref<16384xi32, #tpu.memory_space<hbm>> -> memref<512xi32, #tpu.memory_space<hbm>>
      tpu.enqueue_dma source(%dma_start3A_337 : memref<512xi32, #tpu.memory_space<hbm>>) target(%arg5 : memref<512xi32, #tpu.memory_space<vmem>>) target_semaphore(%run_scoped3A : memref<!tpu.dma_semaphore, #tpu.memory_space<semaphore_mem>>)
      %dma_wait3A_338 = tpu.memref_slice %arg2[%mul3A_2] : memref<16384xi32, #tpu.memory_space<hbm>> -> memref<512xi32, #tpu.memory_space<hbm>>
      %dma_wait3A_339 = tpu.memref_slice %arg2[%mul3A_2] : memref<16384xi32, #tpu.memory_space<hbm>> -> memref<512xi32, #tpu.memory_space<hbm>>
      tpu.wait_dma2 semaphore(%run_scoped3A : memref<!tpu.dma_semaphore, #tpu.memory_space<semaphore_mem>>) src(%dma_wait3A_339 : memref<512xi32, #tpu.memory_space<hbm>>) dst(%arg5 : memref<512xi32, #tpu.memory_space<vmem>>)
      tpu.yield
    }) : () -> ()
    %shift_right_logical3A = arith.constant 2 : i32
    %shift_right_logical3A_3 = vector.broadcast %shift_right_logical3A : i32 to vector<16xi32>
    %shift_right_logical3A_4 = arith.shrui %iota3A, %shift_right_logical3A_3 : vector<16xi32>
    %mul3A_5 = arith.constant 16 : i32
    %mul3A_6 = vector.broadcast %mul3A_5 : i32 to vector<16xi32>
    %mul3A_7 = arith.muli %shift_right_logical3A_4, %mul3A_6 : vector<16xi32>
    %and3A = arith.constant 3 : i32
    %and3A_8 = vector.broadcast %and3A : i32 to vector<16xi32>
    %and3A_9 = arith.andi %iota3A, %and3A_8 : vector<16xi32>
    %add3A_10 = arith.addi %mul3A_7, %and3A_9 : vector<16xi32>
    %scan3A = arith.constant 0 : i32
    %scan3A_11 = arith.constant 0 : i32
    %scan3A_12 = arith.constant 32 : i32
    %scan3A_13 = arith.addi %scan3A_11, %scan3A_12 : i32
    %scan3A_14 = arith.constant 1 : i32
    scf.for %scan3A_336 = %scan3A_11 to %scan3A_13 step %scan3A_14  : i32 {
      %mul3A_337 = arith.constant 16 : i32
      %mul3A_338 = arith.muli %scan3A_336, %mul3A_337 : i32
      %get3A_339 = arith.index_cast %mul3A_338 : i32 to index
      %get3A_340 = tpu.vector_load %arg5[%get3A_339] {strides = array<i32>} : memref<512xi32, #tpu.memory_space<vmem>>, vector<16xi32>,
      %mul3A_341 = arith.constant 64 : i32
      %mul3A_342 = arith.muli %scan3A_336, %mul3A_341 : i32
      %add3A_343 = vector.broadcast %mul3A_342 : i32 to vector<16xi32>
      %add3A_344 = arith.addi %add3A_343, %add3A_10 : vector<16xi32>
      tpu.vector_store_idx %arg6[%add3A_344], %get3A_340 : memref<2048xi32, #tpu.memory_space<vmem>>[vector<16xi32>], vector<16xi32>,
    }
    %scan3A_15 = arith.constant 32 : i32
    %get3A = arith.constant 0 : index
    %get3A_16 = tpu.vector_load %arg6[%get3A] {strides = array<i32>} : memref<2048xi32, #tpu.memory_space<vmem>>, vector<16xi32>,
    %slice3A = vector.extract_strided_slice %get3A_16 {offsets = [0], sizes = [1], strides = [1]} : vector<16xi32> to vector<1xi32>
    %squeeze3A = vector.extract %slice3A[0] : i32 from vector<1xi32>
    %and3A_17 = arith.constant -128 : i32
    %and3A_18 = arith.andi %squeeze3A, %and3A_17 : i32
    %multiple_of3A = tpu.assume_multiple %and3A_18, 128 : i32
    %dma_start3A = arith.constant 0 : i32
    %dma_start3A_19 = arith.constant 0 : i32
    %dma_start3A_20 = arith.constant 0 : i32
    %dma_start3A_21 = tpu.memref_slice %arg7[%dma_start3A, %dma_start3A_19, %dma_start3A_20] : memref<4x32x128xf32, #tpu.memory_space<vmem>> -> memref<1x32x128xf32, #tpu.memory_space<vmem>>
    %dma_start3A_22 = tpu.memref_squeeze %dma_start3A_21 : memref<1x32x128xf32, #tpu.memory_space<vmem>> -> memref<32x128xf32, #tpu.memory_space<vmem>>
    %dma_start3A_23 = arith.constant 0 : i32
    %dma_start3A_24 = tpu.memref_slice %arg3[%dma_start3A_23, %multiple_of3A] : memref<32x1000000xf32, #tpu.memory_space<hbm>> -> memref<32x128xf32, #tpu.memory_space<hbm>>
    %dma_start3A_25 = arith.constant 0 : i32
    %dma_start3A_26 = arith.constant 0 : i32
    %dma_start3A_27 = tpu.memref_slice %arg7[%dma_start3A, %dma_start3A_25, %dma_start3A_26] : memref<4x32x128xf32, #tpu.memory_space<vmem>> -> memref<1x32x128xf32, #tpu.memory_space<vmem>>
    %dma_start3A_28 = tpu.memref_squeeze %dma_start3A_27 : memref<1x32x128xf32, #tpu.memory_space<vmem>> -> memref<32x128xf32, #tpu.memory_space<vmem>>
    %dma_start3A_29 = arith.constant 0 : i32
    %dma_start3A_30 = tpu.memref_slice %arg3[%dma_start3A_29, %multiple_of3A] : memref<32x1000000xf32, #tpu.memory_space<hbm>> -> memref<32x128xf32, #tpu.memory_space<hbm>>
    tpu.enqueue_dma source(%dma_start3A_30 : memref<32x128xf32, #tpu.memory_space<hbm>>) target(%dma_start3A_28 : memref<32x128xf32, #tpu.memory_space<vmem>>) target_semaphore(%arg15 : memref<!tpu.dma_semaphore, #tpu.memory_space<semaphore_mem>>)
    %slice3A_31 = vector.extract_strided_slice %get3A_16 {offsets = [1], sizes = [1], strides = [1]} : vector<16xi32> to vector<1xi32>
    %squeeze3A_32 = vector.extract %slice3A_31[0] : i32 from vector<1xi32>
    %and3A_33 = arith.constant -128 : i32
    %and3A_34 = arith.andi %squeeze3A_32, %and3A_33 : i32
    %multiple_of3A_35 = tpu.assume_multiple %and3A_34, 128 : i32
    %dma_start3A_36 = arith.constant 1 : i32
    %dma_start3A_37 = arith.constant 0 : i32
    %dma_start3A_38 = arith.constant 0 : i32
    %dma_start3A_39 = tpu.memref_slice %arg7[%dma_start3A_36, %dma_start3A_37, %dma_start3A_38] : memref<4x32x128xf32, #tpu.memory_space<vmem>> -> memref<1x32x128xf32, #tpu.memory_space<vmem>>
    %dma_start3A_40 = tpu.memref_squeeze %dma_start3A_39 : memref<1x32x128xf32, #tpu.memory_space<vmem>> -> memref<32x128xf32, #tpu.memory_space<vmem>>
    %dma_start3A_41 = arith.constant 0 : i32
    %dma_start3A_42 = tpu.memref_slice %arg3[%dma_start3A_41, %multiple_of3A_35] : memref<32x1000000xf32, #tpu.memory_space<hbm>> -> memref<32x128xf32, #tpu.memory_space<hbm>>
    %dma_start3A_43 = arith.constant 0 : i32
    %dma_start3A_44 = arith.constant 0 : i32
    %dma_start3A_45 = tpu.memref_slice %arg7[%dma_start3A_36, %dma_start3A_43, %dma_start3A_44] : memref<4x32x128xf32, #tpu.memory_space<vmem>> -> memref<1x32x128xf32, #tpu.memory_space<vmem>>
    %dma_start3A_46 = tpu.memref_squeeze %dma_start3A_45 : memref<1x32x128xf32, #tpu.memory_space<vmem>> -> memref<32x128xf32, #tpu.memory_space<vmem>>
    %dma_start3A_47 = arith.constant 0 : i32
    %dma_start3A_48 = tpu.memref_slice %arg3[%dma_start3A_47, %multiple_of3A_35] : memref<32x1000000xf32, #tpu.memory_space<hbm>> -> memref<32x128xf32, #tpu.memory_space<hbm>>
    tpu.enqueue_dma source(%dma_start3A_48 : memref<32x128xf32, #tpu.memory_space<hbm>>) target(%dma_start3A_46 : memref<32x128xf32, #tpu.memory_space<vmem>>) target_semaphore(%arg15 : memref<!tpu.dma_semaphore, #tpu.memory_space<semaphore_mem>>)
    %slice3A_49 = vector.extract_strided_slice %get3A_16 {offsets = [2], sizes = [1], strides = [1]} : vector<16xi32> to vector<1xi32>
    %squeeze3A_50 = vector.extract %slice3A_49[0] : i32 from vector<1xi32>
    %and3A_51 = arith.constant -128 : i32
    %and3A_52 = arith.andi %squeeze3A_50, %and3A_51 : i32
    %multiple_of3A_53 = tpu.assume_multiple %and3A_52, 128 : i32
    %dma_start3A_54 = arith.constant 2 : i32
    %dma_start3A_55 = arith.constant 0 : i32
    %dma_start3A_56 = arith.constant 0 : i32
    %dma_start3A_57 = tpu.memref_slice %arg7[%dma_start3A_54, %dma_start3A_55, %dma_start3A_56] : memref<4x32x128xf32, #tpu.memory_space<vmem>> -> memref<1x32x128xf32, #tpu.memory_space<vmem>>
    %dma_start3A_58 = tpu.memref_squeeze %dma_start3A_57 : memref<1x32x128xf32, #tpu.memory_space<vmem>> -> memref<32x128xf32, #tpu.memory_space<vmem>>
    %dma_start3A_59 = arith.constant 0 : i32
    %dma_start3A_60 = tpu.memref_slice %arg3[%dma_start3A_59, %multiple_of3A_53] : memref<32x1000000xf32, #tpu.memory_space<hbm>> -> memref<32x128xf32, #tpu.memory_space<hbm>>
    %dma_start3A_61 = arith.constant 0 : i32
    %dma_start3A_62 = arith.constant 0 : i32
    %dma_start3A_63 = tpu.memref_slice %arg7[%dma_start3A_54, %dma_start3A_61, %dma_start3A_62] : memref<4x32x128xf32, #tpu.memory_space<vmem>> -> memref<1x32x128xf32, #tpu.memory_space<vmem>>
    %dma_start3A_64 = tpu.memref_squeeze %dma_start3A_63 : memref<1x32x128xf32, #tpu.memory_space<vmem>> -> memref<32x128xf32, #tpu.memory_space<vmem>>
    %dma_start3A_65 = arith.constant 0 : i32
    %dma_start3A_66 = tpu.memref_slice %arg3[%dma_start3A_65, %multiple_of3A_53] : memref<32x1000000xf32, #tpu.memory_space<hbm>> -> memref<32x128xf32, #tpu.memory_space<hbm>>
    tpu.enqueue_dma source(%dma_start3A_66 : memref<32x128xf32, #tpu.memory_space<hbm>>) target(%dma_start3A_64 : memref<32x128xf32, #tpu.memory_space<vmem>>) target_semaphore(%arg15 : memref<!tpu.dma_semaphore, #tpu.memory_space<semaphore_mem>>)
    %slice3A_67 = vector.extract_strided_slice %get3A_16 {offsets = [3], sizes = [1], strides = [1]} : vector<16xi32> to vector<1xi32>
    %squeeze3A_68 = vector.extract %slice3A_67[0] : i32 from vector<1xi32>
    %and3A_69 = arith.constant -128 : i32
    %and3A_70 = arith.andi %squeeze3A_68, %and3A_69 : i32
    %multiple_of3A_71 = tpu.assume_multiple %and3A_70, 128 : i32
    %dma_start3A_72 = arith.constant 3 : i32
    %dma_start3A_73 = arith.constant 0 : i32
    %dma_start3A_74 = arith.constant 0 : i32
    %dma_start3A_75 = tpu.memref_slice %arg7[%dma_start3A_72, %dma_start3A_73, %dma_start3A_74] : memref<4x32x128xf32, #tpu.memory_space<vmem>> -> memref<1x32x128xf32, #tpu.memory_space<vmem>>
    %dma_start3A_76 = tpu.memref_squeeze %dma_start3A_75 : memref<1x32x128xf32, #tpu.memory_space<vmem>> -> memref<32x128xf32, #tpu.memory_space<vmem>>
    %dma_start3A_77 = arith.constant 0 : i32
    %dma_start3A_78 = tpu.memref_slice %arg3[%dma_start3A_77, %multiple_of3A_71] : memref<32x1000000xf32, #tpu.memory_space<hbm>> -> memref<32x128xf32, #tpu.memory_space<hbm>>
    %dma_start3A_79 = arith.constant 0 : i32
    %dma_start3A_80 = arith.constant 0 : i32
    %dma_start3A_81 = tpu.memref_slice %arg7[%dma_start3A_72, %dma_start3A_79, %dma_start3A_80] : memref<4x32x128xf32, #tpu.memory_space<vmem>> -> memref<1x32x128xf32, #tpu.memory_space<vmem>>
    %dma_start3A_82 = tpu.memref_squeeze %dma_start3A_81 : memref<1x32x128xf32, #tpu.memory_space<vmem>> -> memref<32x128xf32, #tpu.memory_space<vmem>>
    %dma_start3A_83 = arith.constant 0 : i32
    %dma_start3A_84 = tpu.memref_slice %arg3[%dma_start3A_83, %multiple_of3A_71] : memref<32x1000000xf32, #tpu.memory_space<hbm>> -> memref<32x128xf32, #tpu.memory_space<hbm>>
    tpu.enqueue_dma source(%dma_start3A_84 : memref<32x128xf32, #tpu.memory_space<hbm>>) target(%dma_start3A_82 : memref<32x128xf32, #tpu.memory_space<vmem>>) target_semaphore(%arg15 : memref<!tpu.dma_semaphore, #tpu.memory_space<semaphore_mem>>)
    %get3A_85 = arith.constant 16 : index
    %get3A_86 = tpu.vector_load %arg6[%get3A_85] {strides = array<i32>} : memref<2048xi32, #tpu.memory_space<vmem>>, vector<16xi32>,
    %slice3A_87 = vector.extract_strided_slice %get3A_86 {offsets = [0], sizes = [1], strides = [1]} : vector<16xi32> to vector<1xi32>
    %squeeze3A_88 = vector.extract %slice3A_87[0] : i32 from vector<1xi32>
    %and3A_89 = arith.constant -128 : i32
    %and3A_90 = arith.andi %squeeze3A_88, %and3A_89 : i32
    %multiple_of3A_91 = tpu.assume_multiple %and3A_90, 128 : i32
    %dma_start3A_92 = arith.constant 0 : i32
    %dma_start3A_93 = arith.constant 0 : i32
    %dma_start3A_94 = arith.constant 0 : i32
    %dma_start3A_95 = tpu.memref_slice %arg8[%dma_start3A_92, %dma_start3A_93, %dma_start3A_94] : memref<4x32x128xf32, #tpu.memory_space<vmem>> -> memref<1x32x128xf32, #tpu.memory_space<vmem>>
    %dma_start3A_96 = tpu.memref_squeeze %dma_start3A_95 : memref<1x32x128xf32, #tpu.memory_space<vmem>> -> memref<32x128xf32, #tpu.memory_space<vmem>>
    %dma_start3A_97 = arith.constant 0 : i32
    %dma_start3A_98 = tpu.memref_slice %arg3[%dma_start3A_97, %multiple_of3A_91] : memref<32x1000000xf32, #tpu.memory_space<hbm>> -> memref<32x128xf32, #tpu.memory_space<hbm>>
    %dma_start3A_99 = arith.constant 0 : i32
    %dma_start3A_100 = arith.constant 0 : i32
    %dma_start3A_101 = tpu.memref_slice %arg8[%dma_start3A_92, %dma_start3A_99, %dma_start3A_100] : memref<4x32x128xf32, #tpu.memory_space<vmem>> -> memref<1x32x128xf32, #tpu.memory_space<vmem>>
    %dma_start3A_102 = tpu.memref_squeeze %dma_start3A_101 : memref<1x32x128xf32, #tpu.memory_space<vmem>> -> memref<32x128xf32, #tpu.memory_space<vmem>>
    %dma_start3A_103 = arith.constant 0 : i32
    %dma_start3A_104 = tpu.memref_slice %arg3[%dma_start3A_103, %multiple_of3A_91] : memref<32x1000000xf32, #tpu.memory_space<hbm>> -> memref<32x128xf32, #tpu.memory_space<hbm>>
    tpu.enqueue_dma source(%dma_start3A_104 : memref<32x128xf32, #tpu.memory_space<hbm>>) target(%dma_start3A_102 : memref<32x128xf32, #tpu.memory_space<vmem>>) target_semaphore(%arg16 : memref<!tpu.dma_semaphore, #tpu.memory_space<semaphore_mem>>)
    %slice3A_105 = vector.extract_strided_slice %get3A_86 {offsets = [1], sizes = [1], strides = [1]} : vector<16xi32> to vector<1xi32>
    %squeeze3A_106 = vector.extract %slice3A_105[0] : i32 from vector<1xi32>
    %and3A_107 = arith.constant -128 : i32
    %and3A_108 = arith.andi %squeeze3A_106, %and3A_107 : i32
    %multiple_of3A_109 = tpu.assume_multiple %and3A_108, 128 : i32
    %dma_start3A_110 = arith.constant 1 : i32
    %dma_start3A_111 = arith.constant 0 : i32
    %dma_start3A_112 = arith.constant 0 : i32
    %dma_start3A_113 = tpu.memref_slice %arg8[%dma_start3A_110, %dma_start3A_111, %dma_start3A_112] : memref<4x32x128xf32, #tpu.memory_space<vmem>> -> memref<1x32x128xf32, #tpu.memory_space<vmem>>
    %dma_start3A_114 = tpu.memref_squeeze %dma_start3A_113 : memref<1x32x128xf32, #tpu.memory_space<vmem>> -> memref<32x128xf32, #tpu.memory_space<vmem>>
    %dma_start3A_115 = arith.constant 0 : i32
    %dma_start3A_116 = tpu.memref_slice %arg3[%dma_start3A_115, %multiple_of3A_109] : memref<32x1000000xf32, #tpu.memory_space<hbm>> -> memref<32x128xf32, #tpu.memory_space<hbm>>
    %dma_start3A_117 = arith.constant 0 : i32
    %dma_start3A_118 = arith.constant 0 : i32
    %dma_start3A_119 = tpu.memref_slice %arg8[%dma_start3A_110, %dma_start3A_117, %dma_start3A_118] : memref<4x32x128xf32, #tpu.memory_space<vmem>> -> memref<1x32x128xf32, #tpu.memory_space<vmem>>
    %dma_start3A_120 = tpu.memref_squeeze %dma_start3A_119 : memref<1x32x128xf32, #tpu.memory_space<vmem>> -> memref<32x128xf32, #tpu.memory_space<vmem>>
    %dma_start3A_121 = arith.constant 0 : i32
    %dma_start3A_122 = tpu.memref_slice %arg3[%dma_start3A_121, %multiple_of3A_109] : memref<32x1000000xf32, #tpu.memory_space<hbm>> -> memref<32x128xf32, #tpu.memory_space<hbm>>
    tpu.enqueue_dma source(%dma_start3A_122 : memref<32x128xf32, #tpu.memory_space<hbm>>) target(%dma_start3A_120 : memref<32x128xf32, #tpu.memory_space<vmem>>) target_semaphore(%arg16 : memref<!tpu.dma_semaphore, #tpu.memory_space<semaphore_mem>>)
    %slice3A_123 = vector.extract_strided_slice %get3A_86 {offsets = [2], sizes = [1], strides = [1]} : vector<16xi32> to vector<1xi32>
    %squeeze3A_124 = vector.extract %slice3A_123[0] : i32 from vector<1xi32>
    %and3A_125 = arith.constant -128 : i32
    %and3A_126 = arith.andi %squeeze3A_124, %and3A_125 : i32
    %multiple_of3A_127 = tpu.assume_multiple %and3A_126, 128 : i32
    %dma_start3A_128 = arith.constant 2 : i32
    %dma_start3A_129 = arith.constant 0 : i32
    %dma_start3A_130 = arith.constant 0 : i32
    %dma_start3A_131 = tpu.memref_slice %arg8[%dma_start3A_128, %dma_start3A_129, %dma_start3A_130] : memref<4x32x128xf32, #tpu.memory_space<vmem>> -> memref<1x32x128xf32, #tpu.memory_space<vmem>>
    %dma_start3A_132 = tpu.memref_squeeze %dma_start3A_131 : memref<1x32x128xf32, #tpu.memory_space<vmem>> -> memref<32x128xf32, #tpu.memory_space<vmem>>
    %dma_start3A_133 = arith.constant 0 : i32
    %dma_start3A_134 = tpu.memref_slice %arg3[%dma_start3A_133, %multiple_of3A_127] : memref<32x1000000xf32, #tpu.memory_space<hbm>> -> memref<32x128xf32, #tpu.memory_space<hbm>>
    %dma_start3A_135 = arith.constant 0 : i32
    %dma_start3A_136 = arith.constant 0 : i32
    %dma_start3A_137 = tpu.memref_slice %arg8[%dma_start3A_128, %dma_start3A_135, %dma_start3A_136] : memref<4x32x128xf32, #tpu.memory_space<vmem>> -> memref<1x32x128xf32, #tpu.memory_space<vmem>>
    %dma_start3A_138 = tpu.memref_squeeze %dma_start3A_137 : memref<1x32x128xf32, #tpu.memory_space<vmem>> -> memref<32x128xf32, #tpu.memory_space<vmem>>
    %dma_start3A_139 = arith.constant 0 : i32
    %dma_start3A_140 = tpu.memref_slice %arg3[%dma_start3A_139, %multiple_of3A_127] : memref<32x1000000xf32, #tpu.memory_space<hbm>> -> memref<32x128xf32, #tpu.memory_space<hbm>>
    tpu.enqueue_dma source(%dma_start3A_140 : memref<32x128xf32, #tpu.memory_space<hbm>>) target(%dma_start3A_138 : memref<32x128xf32, #tpu.memory_space<vmem>>) target_semaphore(%arg16 : memref<!tpu.dma_semaphore, #tpu.memory_space<semaphore_mem>>)
    %slice3A_141 = vector.extract_strided_slice %get3A_86 {offsets = [3], sizes = [1], strides = [1]} : vector<16xi32> to vector<1xi32>
    %squeeze3A_142 = vector.extract %slice3A_141[0] : i32 from vector<1xi32>
    %and3A_143 = arith.constant -128 : i32
    %and3A_144 = arith.andi %squeeze3A_142, %and3A_143 : i32
    %multiple_of3A_145 = tpu.assume_multiple %and3A_144, 128 : i32
    %dma_start3A_146 = arith.constant 3 : i32
    %dma_start3A_147 = arith.constant 0 : i32
    %dma_start3A_148 = arith.constant 0 : i32
    %dma_start3A_149 = tpu.memref_slice %arg8[%dma_start3A_146, %dma_start3A_147, %dma_start3A_148] : memref<4x32x128xf32, #tpu.memory_space<vmem>> -> memref<1x32x128xf32, #tpu.memory_space<vmem>>
    %dma_start3A_150 = tpu.memref_squeeze %dma_start3A_149 : memref<1x32x128xf32, #tpu.memory_space<vmem>> -> memref<32x128xf32, #tpu.memory_space<vmem>>
    %dma_start3A_151 = arith.constant 0 : i32
    %dma_start3A_152 = tpu.memref_slice %arg3[%dma_start3A_151, %multiple_of3A_145] : memref<32x1000000xf32, #tpu.memory_space<hbm>> -> memref<32x128xf32, #tpu.memory_space<hbm>>
    %dma_start3A_153 = arith.constant 0 : i32
    %dma_start3A_154 = arith.constant 0 : i32
    %dma_start3A_155 = tpu.memref_slice %arg8[%dma_start3A_146, %dma_start3A_153, %dma_start3A_154] : memref<4x32x128xf32, #tpu.memory_space<vmem>> -> memref<1x32x128xf32, #tpu.memory_space<vmem>>
    %dma_start3A_156 = tpu.memref_squeeze %dma_start3A_155 : memref<1x32x128xf32, #tpu.memory_space<vmem>> -> memref<32x128xf32, #tpu.memory_space<vmem>>
    %dma_start3A_157 = arith.constant 0 : i32
    %dma_start3A_158 = tpu.memref_slice %arg3[%dma_start3A_157, %multiple_of3A_145] : memref<32x1000000xf32, #tpu.memory_space<hbm>> -> memref<32x128xf32, #tpu.memory_space<hbm>>
    tpu.enqueue_dma source(%dma_start3A_158 : memref<32x128xf32, #tpu.memory_space<hbm>>) target(%dma_start3A_156 : memref<32x128xf32, #tpu.memory_space<vmem>>) target_semaphore(%arg16 : memref<!tpu.dma_semaphore, #tpu.memory_space<semaphore_mem>>)
    %get3A_159 = arith.constant 32 : index
    %get3A_160 = tpu.vector_load %arg6[%get3A_159] {strides = array<i32>} : memref<2048xi32, #tpu.memory_space<vmem>>, vector<16xi32>,
    %slice3A_161 = vector.extract_strided_slice %get3A_160 {offsets = [0], sizes = [1], strides = [1]} : vector<16xi32> to vector<1xi32>
    %squeeze3A_162 = vector.extract %slice3A_161[0] : i32 from vector<1xi32>
    %and3A_163 = arith.constant -128 : i32
    %and3A_164 = arith.andi %squeeze3A_162, %and3A_163 : i32
    %multiple_of3A_165 = tpu.assume_multiple %and3A_164, 128 : i32
    %dma_start3A_166 = arith.constant 0 : i32
    %dma_start3A_167 = arith.constant 0 : i32
    %dma_start3A_168 = arith.constant 0 : i32
    %dma_start3A_169 = tpu.memref_slice %arg9[%dma_start3A_166, %dma_start3A_167, %dma_start3A_168] : memref<4x32x128xf32, #tpu.memory_space<vmem>> -> memref<1x32x128xf32, #tpu.memory_space<vmem>>
    %dma_start3A_170 = tpu.memref_squeeze %dma_start3A_169 : memref<1x32x128xf32, #tpu.memory_space<vmem>> -> memref<32x128xf32, #tpu.memory_space<vmem>>
    %dma_start3A_171 = arith.constant 0 : i32
    %dma_start3A_172 = tpu.memref_slice %arg3[%dma_start3A_171, %multiple_of3A_165] : memref<32x1000000xf32, #tpu.memory_space<hbm>> -> memref<32x128xf32, #tpu.memory_space<hbm>>
    %dma_start3A_173 = arith.constant 0 : i32
    %dma_start3A_174 = arith.constant 0 : i32
    %dma_start3A_175 = tpu.memref_slice %arg9[%dma_start3A_166, %dma_start3A_173, %dma_start3A_174] : memref<4x32x128xf32, #tpu.memory_space<vmem>> -> memref<1x32x128xf32, #tpu.memory_space<vmem>>
    %dma_start3A_176 = tpu.memref_squeeze %dma_start3A_175 : memref<1x32x128xf32, #tpu.memory_space<vmem>> -> memref<32x128xf32, #tpu.memory_space<vmem>>
    %dma_start3A_177 = arith.constant 0 : i32
    %dma_start3A_178 = tpu.memref_slice %arg3[%dma_start3A_177, %multiple_of3A_165] : memref<32x1000000xf32, #tpu.memory_space<hbm>> -> memref<32x128xf32, #tpu.memory_space<hbm>>
    tpu.enqueue_dma source(%dma_start3A_178 : memref<32x128xf32, #tpu.memory_space<hbm>>) target(%dma_start3A_176 : memref<32x128xf32, #tpu.memory_space<vmem>>) target_semaphore(%arg17 : memref<!tpu.dma_semaphore, #tpu.memory_space<semaphore_mem>>)
    %slice3A_179 = vector.extract_strided_slice %get3A_160 {offsets = [1], sizes = [1], strides = [1]} : vector<16xi32> to vector<1xi32>
    %squeeze3A_180 = vector.extract %slice3A_179[0] : i32 from vector<1xi32>
    %and3A_181 = arith.constant -128 : i32
    %and3A_182 = arith.andi %squeeze3A_180, %and3A_181 : i32
    %multiple_of3A_183 = tpu.assume_multiple %and3A_182, 128 : i32
    %dma_start3A_184 = arith.constant 1 : i32
    %dma_start3A_185 = arith.constant 0 : i32
    %dma_start3A_186 = arith.constant 0 : i32
    %dma_start3A_187 = tpu.memref_slice %arg9[%dma_start3A_184, %dma_start3A_185, %dma_start3A_186] : memref<4x32x128xf32, #tpu.memory_space<vmem>> -> memref<1x32x128xf32, #tpu.memory_space<vmem>>
    %dma_start3A_188 = tpu.memref_squeeze %dma_start3A_187 : memref<1x32x128xf32, #tpu.memory_space<vmem>> -> memref<32x128xf32, #tpu.memory_space<vmem>>
    %dma_start3A_189 = arith.constant 0 : i32
    %dma_start3A_190 = tpu.memref_slice %arg3[%dma_start3A_189, %multiple_of3A_183] : memref<32x1000000xf32, #tpu.memory_space<hbm>> -> memref<32x128xf32, #tpu.memory_space<hbm>>
    %dma_start3A_191 = arith.constant 0 : i32
    %dma_start3A_192 = arith.constant 0 : i32
    %dma_start3A_193 = tpu.memref_slice %arg9[%dma_start3A_184, %dma_start3A_191, %dma_start3A_192] : memref<4x32x128xf32, #tpu.memory_space<vmem>> -> memref<1x32x128xf32, #tpu.memory_space<vmem>>
    %dma_start3A_194 = tpu.memref_squeeze %dma_start3A_193 : memref<1x32x128xf32, #tpu.memory_space<vmem>> -> memref<32x128xf32, #tpu.memory_space<vmem>>
    %dma_start3A_195 = arith.constant 0 : i32
    %dma_start3A_196 = tpu.memref_slice %arg3[%dma_start3A_195, %multiple_of3A_183] : memref<32x1000000xf32, #tpu.memory_space<hbm>> -> memref<32x128xf32, #tpu.memory_space<hbm>>
    tpu.enqueue_dma source(%dma_start3A_196 : memref<32x128xf32, #tpu.memory_space<hbm>>) target(%dma_start3A_194 : memref<32x128xf32, #tpu.memory_space<vmem>>) target_semaphore(%arg17 : memref<!tpu.dma_semaphore, #tpu.memory_space<semaphore_mem>>)
    %slice3A_197 = vector.extract_strided_slice %get3A_160 {offsets = [2], sizes = [1], strides = [1]} : vector<16xi32> to vector<1xi32>
    %squeeze3A_198 = vector.extract %slice3A_197[0] : i32 from vector<1xi32>
    %and3A_199 = arith.constant -128 : i32
    %and3A_200 = arith.andi %squeeze3A_198, %and3A_199 : i32
    %multiple_of3A_201 = tpu.assume_multiple %and3A_200, 128 : i32
    %dma_start3A_202 = arith.constant 2 : i32
    %dma_start3A_203 = arith.constant 0 : i32
    %dma_start3A_204 = arith.constant 0 : i32
    %dma_start3A_205 = tpu.memref_slice %arg9[%dma_start3A_202, %dma_start3A_203, %dma_start3A_204] : memref<4x32x128xf32, #tpu.memory_space<vmem>> -> memref<1x32x128xf32, #tpu.memory_space<vmem>>
    %dma_start3A_206 = tpu.memref_squeeze %dma_start3A_205 : memref<1x32x128xf32, #tpu.memory_space<vmem>> -> memref<32x128xf32, #tpu.memory_space<vmem>>
    %dma_start3A_207 = arith.constant 0 : i32
    %dma_start3A_208 = tpu.memref_slice %arg3[%dma_start3A_207, %multiple_of3A_201] : memref<32x1000000xf32, #tpu.memory_space<hbm>> -> memref<32x128xf32, #tpu.memory_space<hbm>>
    %dma_start3A_209 = arith.constant 0 : i32
    %dma_start3A_210 = arith.constant 0 : i32
    %dma_start3A_211 = tpu.memref_slice %arg9[%dma_start3A_202, %dma_start3A_209, %dma_start3A_210] : memref<4x32x128xf32, #tpu.memory_space<vmem>> -> memref<1x32x128xf32, #tpu.memory_space<vmem>>
    %dma_start3A_212 = tpu.memref_squeeze %dma_start3A_211 : memref<1x32x128xf32, #tpu.memory_space<vmem>> -> memref<32x128xf32, #tpu.memory_space<vmem>>
    %dma_start3A_213 = arith.constant 0 : i32
    %dma_start3A_214 = tpu.memref_slice %arg3[%dma_start3A_213, %multiple_of3A_201] : memref<32x1000000xf32, #tpu.memory_space<hbm>> -> memref<32x128xf32, #tpu.memory_space<hbm>>
    tpu.enqueue_dma source(%dma_start3A_214 : memref<32x128xf32, #tpu.memory_space<hbm>>) target(%dma_start3A_212 : memref<32x128xf32, #tpu.memory_space<vmem>>) target_semaphore(%arg17 : memref<!tpu.dma_semaphore, #tpu.memory_space<semaphore_mem>>)
    %slice3A_215 = vector.extract_strided_slice %get3A_160 {offsets = [3], sizes = [1], strides = [1]} : vector<16xi32> to vector<1xi32>
    %squeeze3A_216 = vector.extract %slice3A_215[0] : i32 from vector<1xi32>
    %and3A_217 = arith.constant -128 : i32
    %and3A_218 = arith.andi %squeeze3A_216, %and3A_217 : i32
    %multiple_of3A_219 = tpu.assume_multiple %and3A_218, 128 : i32
    %dma_start3A_220 = arith.constant 3 : i32
    %dma_start3A_221 = arith.constant 0 : i32
    %dma_start3A_222 = arith.constant 0 : i32
    %dma_start3A_223 = tpu.memref_slice %arg9[%dma_start3A_220, %dma_start3A_221, %dma_start3A_222] : memref<4x32x128xf32, #tpu.memory_space<vmem>> -> memref<1x32x128xf32, #tpu.memory_space<vmem>>
    %dma_start3A_224 = tpu.memref_squeeze %dma_start3A_223 : memref<1x32x128xf32, #tpu.memory_space<vmem>> -> memref<32x128xf32, #tpu.memory_space<vmem>>
    %dma_start3A_225 = arith.constant 0 : i32
    %dma_start3A_226 = tpu.memref_slice %arg3[%dma_start3A_225, %multiple_of3A_219] : memref<32x1000000xf32, #tpu.memory_space<hbm>> -> memref<32x128xf32, #tpu.memory_space<hbm>>
    %dma_start3A_227 = arith.constant 0 : i32
    %dma_start3A_228 = arith.constant 0 : i32
    %dma_start3A_229 = tpu.memref_slice %arg9[%dma_start3A_220, %dma_start3A_227, %dma_start3A_228] : memref<4x32x128xf32, #tpu.memory_space<vmem>> -> memref<1x32x128xf32, #tpu.memory_space<vmem>>
    %dma_start3A_230 = tpu.memref_squeeze %dma_start3A_229 : memref<1x32x128xf32, #tpu.memory_space<vmem>> -> memref<32x128xf32, #tpu.memory_space<vmem>>
    %dma_start3A_231 = arith.constant 0 : i32
    %dma_start3A_232 = tpu.memref_slice %arg3[%dma_start3A_231, %multiple_of3A_219] : memref<32x1000000xf32, #tpu.memory_space<hbm>> -> memref<32x128xf32, #tpu.memory_space<hbm>>
    tpu.enqueue_dma source(%dma_start3A_232 : memref<32x128xf32, #tpu.memory_space<hbm>>) target(%dma_start3A_230 : memref<32x128xf32, #tpu.memory_space<vmem>>) target_semaphore(%arg17 : memref<!tpu.dma_semaphore, #tpu.memory_space<semaphore_mem>>)
    %get3A_233 = arith.constant 48 : index
    %get3A_234 = tpu.vector_load %arg6[%get3A_233] {strides = array<i32>} : memref<2048xi32, #tpu.memory_space<vmem>>, vector<16xi32>,
    %slice3A_235 = vector.extract_strided_slice %get3A_234 {offsets = [0], sizes = [1], strides = [1]} : vector<16xi32> to vector<1xi32>
    %squeeze3A_236 = vector.extract %slice3A_235[0] : i32 from vector<1xi32>
    %and3A_237 = arith.constant -128 : i32
    %and3A_238 = arith.andi %squeeze3A_236, %and3A_237 : i32
    %multiple_of3A_239 = tpu.assume_multiple %and3A_238, 128 : i32
    %dma_start3A_240 = arith.constant 0 : i32
    %dma_start3A_241 = arith.constant 0 : i32
    %dma_start3A_242 = arith.constant 0 : i32
    %dma_start3A_243 = tpu.memref_slice %arg10[%dma_start3A_240, %dma_start3A_241, %dma_start3A_242] : memref<4x32x128xf32, #tpu.memory_space<vmem>> -> memref<1x32x128xf32, #tpu.memory_space<vmem>>
    %dma_start3A_244 = tpu.memref_squeeze %dma_start3A_243 : memref<1x32x128xf32, #tpu.memory_space<vmem>> -> memref<32x128xf32, #tpu.memory_space<vmem>>
    %dma_start3A_245 = arith.constant 0 : i32
    %dma_start3A_246 = tpu.memref_slice %arg3[%dma_start3A_245, %multiple_of3A_239] : memref<32x1000000xf32, #tpu.memory_space<hbm>> -> memref<32x128xf32, #tpu.memory_space<hbm>>
    %dma_start3A_247 = arith.constant 0 : i32
    %dma_start3A_248 = arith.constant 0 : i32
    %dma_start3A_249 = tpu.memref_slice %arg10[%dma_start3A_240, %dma_start3A_247, %dma_start3A_248] : memref<4x32x128xf32, #tpu.memory_space<vmem>> -> memref<1x32x128xf32, #tpu.memory_space<vmem>>
    %dma_start3A_250 = tpu.memref_squeeze %dma_start3A_249 : memref<1x32x128xf32, #tpu.memory_space<vmem>> -> memref<32x128xf32, #tpu.memory_space<vmem>>
    %dma_start3A_251 = arith.constant 0 : i32
    %dma_start3A_252 = tpu.memref_slice %arg3[%dma_start3A_251, %multiple_of3A_239] : memref<32x1000000xf32, #tpu.memory_space<hbm>> -> memref<32x128xf32, #tpu.memory_space<hbm>>
    tpu.enqueue_dma source(%dma_start3A_252 : memref<32x128xf32, #tpu.memory_space<hbm>>) target(%dma_start3A_250 : memref<32x128xf32, #tpu.memory_space<vmem>>) target_semaphore(%arg18 : memref<!tpu.dma_semaphore, #tpu.memory_space<semaphore_mem>>)
    %slice3A_253 = vector.extract_strided_slice %get3A_234 {offsets = [1], sizes = [1], strides = [1]} : vector<16xi32> to vector<1xi32>
    %squeeze3A_254 = vector.extract %slice3A_253[0] : i32 from vector<1xi32>
    %and3A_255 = arith.constant -128 : i32
    %and3A_256 = arith.andi %squeeze3A_254, %and3A_255 : i32
    %multiple_of3A_257 = tpu.assume_multiple %and3A_256, 128 : i32
    %dma_start3A_258 = arith.constant 1 : i32
    %dma_start3A_259 = arith.constant 0 : i32
    %dma_start3A_260 = arith.constant 0 : i32
    %dma_start3A_261 = tpu.memref_slice %arg10[%dma_start3A_258, %dma_start3A_259, %dma_start3A_260] : memref<4x32x128xf32, #tpu.memory_space<vmem>> -> memref<1x32x128xf32, #tpu.memory_space<vmem>>
    %dma_start3A_262 = tpu.memref_squeeze %dma_start3A_261 : memref<1x32x128xf32, #tpu.memory_space<vmem>> -> memref<32x128xf32, #tpu.memory_space<vmem>>
    %dma_start3A_263 = arith.constant 0 : i32
    %dma_start3A_264 = tpu.memref_slice %arg3[%dma_start3A_263, %multiple_of3A_257] : memref<32x1000000xf32, #tpu.memory_space<hbm>> -> memref<32x128xf32, #tpu.memory_space<hbm>>
    %dma_start3A_265 = arith.constant 0 : i32
    %dma_start3A_266 = arith.constant 0 : i32
    %dma_start3A_267 = tpu.memref_slice %arg10[%dma_start3A_258, %dma_start3A_265, %dma_start3A_266] : memref<4x32x128xf32, #tpu.memory_space<vmem>> -> memref<1x32x128xf32, #tpu.memory_space<vmem>>
    %dma_start3A_268 = tpu.memref_squeeze %dma_start3A_267 : memref<1x32x128xf32, #tpu.memory_space<vmem>> -> memref<32x128xf32, #tpu.memory_space<vmem>>
    %dma_start3A_269 = arith.constant 0 : i32
    %dma_start3A_270 = tpu.memref_slice %arg3[%dma_start3A_269, %multiple_of3A_257] : memref<32x1000000xf32, #tpu.memory_space<hbm>> -> memref<32x128xf32, #tpu.memory_space<hbm>>
    tpu.enqueue_dma source(%dma_start3A_270 : memref<32x128xf32, #tpu.memory_space<hbm>>) target(%dma_start3A_268 : memref<32x128xf32, #tpu.memory_space<vmem>>) target_semaphore(%arg18 : memref<!tpu.dma_semaphore, #tpu.memory_space<semaphore_mem>>)
    %slice3A_271 = vector.extract_strided_slice %get3A_234 {offsets = [2], sizes = [1], strides = [1]} : vector<16xi32> to vector<1xi32>
    %squeeze3A_272 = vector.extract %slice3A_271[0] : i32 from vector<1xi32>
    %and3A_273 = arith.constant -128 : i32
    %and3A_274 = arith.andi %squeeze3A_272, %and3A_273 : i32
    %multiple_of3A_275 = tpu.assume_multiple %and3A_274, 128 : i32
    %dma_start3A_276 = arith.constant 2 : i32
    %dma_start3A_277 = arith.constant 0 : i32
    %dma_start3A_278 = arith.constant 0 : i32
    %dma_start3A_279 = tpu.memref_slice %arg10[%dma_start3A_276, %dma_start3A_277, %dma_start3A_278] : memref<4x32x128xf32, #tpu.memory_space<vmem>> -> memref<1x32x128xf32, #tpu.memory_space<vmem>>
    %dma_start3A_280 = tpu.memref_squeeze %dma_start3A_279 : memref<1x32x128xf32, #tpu.memory_space<vmem>> -> memref<32x128xf32, #tpu.memory_space<vmem>>
    %dma_start3A_281 = arith.constant 0 : i32
    %dma_start3A_282 = tpu.memref_slice %arg3[%dma_start3A_281, %multiple_of3A_275] : memref<32x1000000xf32, #tpu.memory_space<hbm>> -> memref<32x128xf32, #tpu.memory_space<hbm>>
    %dma_start3A_283 = arith.constant 0 : i32
    %dma_start3A_284 = arith.constant 0 : i32
    %dma_start3A_285 = tpu.memref_slice %arg10[%dma_start3A_276, %dma_start3A_283, %dma_start3A_284] : memref<4x32x128xf32, #tpu.memory_space<vmem>> -> memref<1x32x128xf32, #tpu.memory_space<vmem>>
    %dma_start3A_286 = tpu.memref_squeeze %dma_start3A_285 : memref<1x32x128xf32, #tpu.memory_space<vmem>> -> memref<32x128xf32, #tpu.memory_space<vmem>>
    %dma_start3A_287 = arith.constant 0 : i32
    %dma_start3A_288 = tpu.memref_slice %arg3[%dma_start3A_287, %multiple_of3A_275] : memref<32x1000000xf32, #tpu.memory_space<hbm>> -> memref<32x128xf32, #tpu.memory_space<hbm>>
    tpu.enqueue_dma source(%dma_start3A_288 : memref<32x128xf32, #tpu.memory_space<hbm>>) target(%dma_start3A_286 : memref<32x128xf32, #tpu.memory_space<vmem>>) target_semaphore(%arg18 : memref<!tpu.dma_semaphore, #tpu.memory_space<semaphore_mem>>)
    %slice3A_289 = vector.extract_strided_slice %get3A_234 {offsets = [3], sizes = [1], strides = [1]} : vector<16xi32> to vector<1xi32>
    %squeeze3A_290 = vector.extract %slice3A_289[0] : i32 from vector<1xi32>
    %and3A_291 = arith.constant -128 : i32
    %and3A_292 = arith.andi %squeeze3A_290, %and3A_291 : i32
    %multiple_of3A_293 = tpu.assume_multiple %and3A_292, 128 : i32
    %dma_start3A_294 = arith.constant 3 : i32
    %dma_start3A_295 = arith.constant 0 : i32
    %dma_start3A_296 = arith.constant 0 : i32
    %dma_start3A_297 = tpu.memref_slice %arg10[%dma_start3A_294, %dma_start3A_295, %dma_start3A_296] : memref<4x32x128xf32, #tpu.memory_space<vmem>> -> memref<1x32x128xf32, #tpu.memory_space<vmem>>
    %dma_start3A_298 = tpu.memref_squeeze %dma_start3A_297 : memref<1x32x128xf32, #tpu.memory_space<vmem>> -> memref<32x128xf32, #tpu.memory_space<vmem>>
    %dma_start3A_299 = arith.constant 0 : i32
    %dma_start3A_300 = tpu.memref_slice %arg3[%dma_start3A_299, %multiple_of3A_293] : memref<32x1000000xf32, #tpu.memory_space<hbm>> -> memref<32x128xf32, #tpu.memory_space<hbm>>
    %dma_start3A_301 = arith.constant 0 : i32
    %dma_start3A_302 = arith.constant 0 : i32
    %dma_start3A_303 = tpu.memref_slice %arg10[%dma_start3A_294, %dma_start3A_301, %dma_start3A_302] : memref<4x32x128xf32, #tpu.memory_space<vmem>> -> memref<1x32x128xf32, #tpu.memory_space<vmem>>
    %dma_start3A_304 = tpu.memref_squeeze %dma_start3A_303 : memref<1x32x128xf32, #tpu.memory_space<vmem>> -> memref<32x128xf32, #tpu.memory_space<vmem>>
    %dma_start3A_305 = arith.constant 0 : i32
    %dma_start3A_306 = tpu.memref_slice %arg3[%dma_start3A_305, %multiple_of3A_293] : memref<32x1000000xf32, #tpu.memory_space<hbm>> -> memref<32x128xf32, #tpu.memory_space<hbm>>
    tpu.enqueue_dma source(%dma_start3A_306 : memref<32x128xf32, #tpu.memory_space<hbm>>) target(%dma_start3A_304 : memref<32x128xf32, #tpu.memory_space<vmem>>) target_semaphore(%arg18 : memref<!tpu.dma_semaphore, #tpu.memory_space<semaphore_mem>>)
    %scan3A_307 = arith.constant 0 : i32
    %scan3A_308 = arith.constant 0 : i32
    %scan3A_309 = arith.constant 32 : i32
    %scan3A_310 = arith.addi %scan3A_308, %scan3A_309 : i32
    %scan3A_311 = arith.constant 1 : i32
    scf.for %scan3A_336 = %scan3A_308 to %scan3A_310 step %scan3A_311  : i32 {
      %mul3A_337 = arith.constant 4 : i32
      %mul3A_338 = arith.muli %mul3A_337, %scan3A_336 : i32
      %add3A_339 = arith.constant 0 : i32
      %add3A_340 = arith.addi %mul3A_338, %add3A_339 : i32
      %ge3A = arith.constant 4 : i32
      %ge3A_341 = arith.cmpi sge, %add3A_340, %ge3A : i32
      %convert_element_type3A = arith.extui %ge3A_341 : i1 to i32
      %cond3A = arith.constant 0 : i32
      %cond3A_342 = arith.cmpi ne, %convert_element_type3A, %cond3A : i32
      scf.if %cond3A_342 {
        %dma_wait3A_998 = arith.constant 0 : i32
        %dma_wait3A_999 = arith.constant 0 : i32
        %dma_wait3A_1000 = tpu.memref_slice %arg4[%dma_wait3A_998, %dma_wait3A_999] : memref<16384x32xf32, #tpu.memory_space<hbm>> -> memref<4x32xf32, #tpu.memory_space<hbm>>
        %dma_wait3A_1001 = arith.constant 0 : i32
        %dma_wait3A_1002 = arith.constant 0 : i32
        %dma_wait3A_1003 = tpu.memref_slice %arg4[%dma_wait3A_1001, %dma_wait3A_1002] : memref<16384x32xf32, #tpu.memory_space<hbm>> -> memref<4x32xf32, #tpu.memory_space<hbm>>
        tpu.wait_dma2 semaphore(%arg19 : memref<!tpu.dma_semaphore, #tpu.memory_space<semaphore_mem>>) src(%dma_wait3A_1003 : memref<4x32xf32, #tpu.memory_space<hbm>>) dst(%arg11 : memref<4x32xf32, #tpu.memory_space<vmem>>)
      } else {
      }
      %dma_wait3A_343 = arith.constant 0 : i32
      %dma_wait3A_344 = arith.constant 0 : i32
      %dma_wait3A_345 = arith.constant 0 : i32
      %dma_wait3A_346 = tpu.memref_slice %arg7[%dma_wait3A_343, %dma_wait3A_344, %dma_wait3A_345] : memref<4x32x128xf32, #tpu.memory_space<vmem>> -> memref<1x32x128xf32, #tpu.memory_space<vmem>>
      %dma_wait3A_347 = tpu.memref_squeeze %dma_wait3A_346 : memref<1x32x128xf32, #tpu.memory_space<vmem>> -> memref<32x128xf32, #tpu.memory_space<vmem>>
      %dma_wait3A_348 = arith.constant 0 : i32
      %dma_wait3A_349 = arith.constant 0 : i32
      %dma_wait3A_350 = tpu.memref_slice %arg3[%dma_wait3A_348, %dma_wait3A_349] : memref<32x1000000xf32, #tpu.memory_space<hbm>> -> memref<32x128xf32, #tpu.memory_space<hbm>>
      %dma_wait3A_351 = arith.constant 0 : i32
      %dma_wait3A_352 = arith.constant 0 : i32
      %dma_wait3A_353 = tpu.memref_slice %arg7[%dma_wait3A_343, %dma_wait3A_351, %dma_wait3A_352] : memref<4x32x128xf32, #tpu.memory_space<vmem>> -> memref<1x32x128xf32, #tpu.memory_space<vmem>>
      %dma_wait3A_354 = tpu.memref_squeeze %dma_wait3A_353 : memref<1x32x128xf32, #tpu.memory_space<vmem>> -> memref<32x128xf32, #tpu.memory_space<vmem>>
      %dma_wait3A_355 = arith.constant 0 : i32
      %dma_wait3A_356 = arith.constant 0 : i32
      %dma_wait3A_357 = tpu.memref_slice %arg3[%dma_wait3A_355, %dma_wait3A_356] : memref<32x1000000xf32, #tpu.memory_space<hbm>> -> memref<32x128xf32, #tpu.memory_space<hbm>>
      tpu.wait_dma2 semaphore(%arg15 : memref<!tpu.dma_semaphore, #tpu.memory_space<semaphore_mem>>) src(%dma_wait3A_357 : memref<32x128xf32, #tpu.memory_space<hbm>>) dst(%dma_wait3A_354 : memref<32x128xf32, #tpu.memory_space<vmem>>)
      %dma_wait3A_358 = arith.constant 1 : i32
      %dma_wait3A_359 = arith.constant 0 : i32
      %dma_wait3A_360 = arith.constant 0 : i32
      %dma_wait3A_361 = tpu.memref_slice %arg7[%dma_wait3A_358, %dma_wait3A_359, %dma_wait3A_360] : memref<4x32x128xf32, #tpu.memory_space<vmem>> -> memref<1x32x128xf32, #tpu.memory_space<vmem>>
      %dma_wait3A_362 = tpu.memref_squeeze %dma_wait3A_361 : memref<1x32x128xf32, #tpu.memory_space<vmem>> -> memref<32x128xf32, #tpu.memory_space<vmem>>
      %dma_wait3A_363 = arith.constant 0 : i32
      %dma_wait3A_364 = arith.constant 0 : i32
      %dma_wait3A_365 = tpu.memref_slice %arg3[%dma_wait3A_363, %dma_wait3A_364] : memref<32x1000000xf32, #tpu.memory_space<hbm>> -> memref<32x128xf32, #tpu.memory_space<hbm>>
      %dma_wait3A_366 = arith.constant 0 : i32
      %dma_wait3A_367 = arith.constant 0 : i32
      %dma_wait3A_368 = tpu.memref_slice %arg7[%dma_wait3A_358, %dma_wait3A_366, %dma_wait3A_367] : memref<4x32x128xf32, #tpu.memory_space<vmem>> -> memref<1x32x128xf32, #tpu.memory_space<vmem>>
      %dma_wait3A_369 = tpu.memref_squeeze %dma_wait3A_368 : memref<1x32x128xf32, #tpu.memory_space<vmem>> -> memref<32x128xf32, #tpu.memory_space<vmem>>
      %dma_wait3A_370 = arith.constant 0 : i32
      %dma_wait3A_371 = arith.constant 0 : i32
      %dma_wait3A_372 = tpu.memref_slice %arg3[%dma_wait3A_370, %dma_wait3A_371] : memref<32x1000000xf32, #tpu.memory_space<hbm>> -> memref<32x128xf32, #tpu.memory_space<hbm>>
      tpu.wait_dma2 semaphore(%arg15 : memref<!tpu.dma_semaphore, #tpu.memory_space<semaphore_mem>>) src(%dma_wait3A_372 : memref<32x128xf32, #tpu.memory_space<hbm>>) dst(%dma_wait3A_369 : memref<32x128xf32, #tpu.memory_space<vmem>>)
      %dma_wait3A_373 = arith.constant 2 : i32
      %dma_wait3A_374 = arith.constant 0 : i32
      %dma_wait3A_375 = arith.constant 0 : i32
      %dma_wait3A_376 = tpu.memref_slice %arg7[%dma_wait3A_373, %dma_wait3A_374, %dma_wait3A_375] : memref<4x32x128xf32, #tpu.memory_space<vmem>> -> memref<1x32x128xf32, #tpu.memory_space<vmem>>
      %dma_wait3A_377 = tpu.memref_squeeze %dma_wait3A_376 : memref<1x32x128xf32, #tpu.memory_space<vmem>> -> memref<32x128xf32, #tpu.memory_space<vmem>>
      %dma_wait3A_378 = arith.constant 0 : i32
      %dma_wait3A_379 = arith.constant 0 : i32
      %dma_wait3A_380 = tpu.memref_slice %arg3[%dma_wait3A_378, %dma_wait3A_379] : memref<32x1000000xf32, #tpu.memory_space<hbm>> -> memref<32x128xf32, #tpu.memory_space<hbm>>
      %dma_wait3A_381 = arith.constant 0 : i32
      %dma_wait3A_382 = arith.constant 0 : i32
      %dma_wait3A_383 = tpu.memref_slice %arg7[%dma_wait3A_373, %dma_wait3A_381, %dma_wait3A_382] : memref<4x32x128xf32, #tpu.memory_space<vmem>> -> memref<1x32x128xf32, #tpu.memory_space<vmem>>
      %dma_wait3A_384 = tpu.memref_squeeze %dma_wait3A_383 : memref<1x32x128xf32, #tpu.memory_space<vmem>> -> memref<32x128xf32, #tpu.memory_space<vmem>>
      %dma_wait3A_385 = arith.constant 0 : i32
      %dma_wait3A_386 = arith.constant 0 : i32
      %dma_wait3A_387 = tpu.memref_slice %arg3[%dma_wait3A_385, %dma_wait3A_386] : memref<32x1000000xf32, #tpu.memory_space<hbm>> -> memref<32x128xf32, #tpu.memory_space<hbm>>
      tpu.wait_dma2 semaphore(%arg15 : memref<!tpu.dma_semaphore, #tpu.memory_space<semaphore_mem>>) src(%dma_wait3A_387 : memref<32x128xf32, #tpu.memory_space<hbm>>) dst(%dma_wait3A_384 : memref<32x128xf32, #tpu.memory_space<vmem>>)
      %dma_wait3A_388 = arith.constant 3 : i32
      %dma_wait3A_389 = arith.constant 0 : i32
      %dma_wait3A_390 = arith.constant 0 : i32
      %dma_wait3A_391 = tpu.memref_slice %arg7[%dma_wait3A_388, %dma_wait3A_389, %dma_wait3A_390] : memref<4x32x128xf32, #tpu.memory_space<vmem>> -> memref<1x32x128xf32, #tpu.memory_space<vmem>>
      %dma_wait3A_392 = tpu.memref_squeeze %dma_wait3A_391 : memref<1x32x128xf32, #tpu.memory_space<vmem>> -> memref<32x128xf32, #tpu.memory_space<vmem>>
      %dma_wait3A_393 = arith.constant 0 : i32
      %dma_wait3A_394 = arith.constant 0 : i32
      %dma_wait3A_395 = tpu.memref_slice %arg3[%dma_wait3A_393, %dma_wait3A_394] : memref<32x1000000xf32, #tpu.memory_space<hbm>> -> memref<32x128xf32, #tpu.memory_space<hbm>>
      %dma_wait3A_396 = arith.constant 0 : i32
      %dma_wait3A_397 = arith.constant 0 : i32
      %dma_wait3A_398 = tpu.memref_slice %arg7[%dma_wait3A_388, %dma_wait3A_396, %dma_wait3A_397] : memref<4x32x128xf32, #tpu.memory_space<vmem>> -> memref<1x32x128xf32, #tpu.memory_space<vmem>>
      %dma_wait3A_399 = tpu.memref_squeeze %dma_wait3A_398 : memref<1x32x128xf32, #tpu.memory_space<vmem>> -> memref<32x128xf32, #tpu.memory_space<vmem>>
      %dma_wait3A_400 = arith.constant 0 : i32
      %dma_wait3A_401 = arith.constant 0 : i32
      %dma_wait3A_402 = tpu.memref_slice %arg3[%dma_wait3A_400, %dma_wait3A_401] : memref<32x1000000xf32, #tpu.memory_space<hbm>> -> memref<32x128xf32, #tpu.memory_space<hbm>>
      tpu.wait_dma2 semaphore(%arg15 : memref<!tpu.dma_semaphore, #tpu.memory_space<semaphore_mem>>) src(%dma_wait3A_402 : memref<32x128xf32, #tpu.memory_space<hbm>>) dst(%dma_wait3A_399 : memref<32x128xf32, #tpu.memory_space<vmem>>)
      %mul3A_403 = arith.constant 16 : i32
      %mul3A_404 = arith.muli %add3A_340, %mul3A_403 : i32
      %get3A_405 = arith.index_cast %mul3A_404 : i32 to index
      %get3A_406 = tpu.vector_load %arg6[%get3A_405] {strides = array<i32>} : memref<2048xi32, #tpu.memory_space<vmem>>, vector<16xi32>,
      %slice3A_407 = vector.extract_strided_slice %get3A_406 {offsets = [0], sizes = [1], strides = [1]} : vector<16xi32> to vector<1xi32>
      %squeeze3A_408 = vector.extract %slice3A_407[0] : i32 from vector<1xi32>
      %and3A_409 = arith.constant 127 : i32
      %and3A_410 = arith.andi %squeeze3A_408, %and3A_409 : i32
      %broadcast_in_dim3A = vector.broadcast %and3A_410 : i32 to vector<16xi32>
      %broadcast_in_dim3A_411 = arith.constant 0 : i32
      %broadcast_in_dim3A_412 = vector.broadcast %broadcast_in_dim3A_411 : i32 to vector<16xi32>
      %gather3A = tpu.vector_load_idx %arg7[%broadcast_in_dim3A_412, %iota3A, %broadcast_in_dim3A] : memref<4x32x128xf32, #tpu.memory_space<vmem>>[vector<16xi32>, vector<16xi32>, vector<16xi32>], vector<16xf32>,
      %add3A_413 = arith.constant 16 : i32
      %add3A_414 = vector.broadcast %add3A_413 : i32 to vector<16xi32>
      %add3A_415 = arith.addi %iota3A, %add3A_414 : vector<16xi32>
      %gather3A_416 = tpu.vector_load_idx %arg7[%broadcast_in_dim3A_412, %add3A_415, %broadcast_in_dim3A] : memref<4x32x128xf32, #tpu.memory_space<vmem>>[vector<16xi32>, vector<16xi32>, vector<16xi32>], vector<16xf32>,
      %swap3A = arith.constant 0 : i32
      %swap3A_417 = arith.index_cast %swap3A : i32 to index
      %swap3A_418 = arith.constant 0 : index
      %swap3A_419 = tpu.vector_load %arg11[%swap3A_417, %swap3A_418] {strides = array<i32>} : memref<4x32xf32, #tpu.memory_space<vmem>>, vector<16xf32>,
      tpu.vector_store %arg11[%swap3A_417, %swap3A_418], %gather3A {strides = array<i32>} : memref<4x32xf32, #tpu.memory_space<vmem>>, vector<16xf32>,
      %swap3A_420 = arith.constant 0 : i32
      %swap3A_421 = arith.index_cast %swap3A_420 : i32 to index
      %swap3A_422 = arith.constant 16 : index
      %swap3A_423 = tpu.vector_load %arg11[%swap3A_421, %swap3A_422] {strides = array<i32>} : memref<4x32xf32, #tpu.memory_space<vmem>>, vector<16xf32>,
      tpu.vector_store %arg11[%swap3A_421, %swap3A_422], %gather3A_416 {strides = array<i32>} : memref<4x32xf32, #tpu.memory_space<vmem>>, vector<16xf32>,
      %slice3A_424 = vector.extract_strided_slice %get3A_406 {offsets = [1], sizes = [1], strides = [1]} : vector<16xi32> to vector<1xi32>
      %squeeze3A_425 = vector.extract %slice3A_424[0] : i32 from vector<1xi32>
      %and3A_426 = arith.constant 127 : i32
      %and3A_427 = arith.andi %squeeze3A_425, %and3A_426 : i32
      %broadcast_in_dim3A_428 = vector.broadcast %and3A_427 : i32 to vector<16xi32>
      %broadcast_in_dim3A_429 = arith.constant 1 : i32
      %broadcast_in_dim3A_430 = vector.broadcast %broadcast_in_dim3A_429 : i32 to vector<16xi32>
      %gather3A_431 = tpu.vector_load_idx %arg7[%broadcast_in_dim3A_430, %iota3A, %broadcast_in_dim3A_428] : memref<4x32x128xf32, #tpu.memory_space<vmem>>[vector<16xi32>, vector<16xi32>, vector<16xi32>], vector<16xf32>,
      %add3A_432 = arith.constant 16 : i32
      %add3A_433 = vector.broadcast %add3A_432 : i32 to vector<16xi32>
      %add3A_434 = arith.addi %iota3A, %add3A_433 : vector<16xi32>
      %gather3A_435 = tpu.vector_load_idx %arg7[%broadcast_in_dim3A_430, %add3A_434, %broadcast_in_dim3A_428] : memref<4x32x128xf32, #tpu.memory_space<vmem>>[vector<16xi32>, vector<16xi32>, vector<16xi32>], vector<16xf32>,
      %swap3A_436 = arith.constant 1 : i32
      %swap3A_437 = arith.index_cast %swap3A_436 : i32 to index
      %swap3A_438 = arith.constant 0 : index
      %swap3A_439 = tpu.vector_load %arg11[%swap3A_437, %swap3A_438] {strides = array<i32>} : memref<4x32xf32, #tpu.memory_space<vmem>>, vector<16xf32>,
      tpu.vector_store %arg11[%swap3A_437, %swap3A_438], %gather3A_431 {strides = array<i32>} : memref<4x32xf32, #tpu.memory_space<vmem>>, vector<16xf32>,
      %swap3A_440 = arith.constant 1 : i32
      %swap3A_441 = arith.index_cast %swap3A_440 : i32 to index
      %swap3A_442 = arith.constant 16 : index
      %swap3A_443 = tpu.vector_load %arg11[%swap3A_441, %swap3A_442] {strides = array<i32>} : memref<4x32xf32, #tpu.memory_space<vmem>>, vector<16xf32>,
      tpu.vector_store %arg11[%swap3A_441, %swap3A_442], %gather3A_435 {strides = array<i32>} : memref<4x32xf32, #tpu.memory_space<vmem>>, vector<16xf32>,
      %slice3A_444 = vector.extract_strided_slice %get3A_406 {offsets = [2], sizes = [1], strides = [1]} : vector<16xi32> to vector<1xi32>
      %squeeze3A_445 = vector.extract %slice3A_444[0] : i32 from vector<1xi32>
      %and3A_446 = arith.constant 127 : i32
      %and3A_447 = arith.andi %squeeze3A_445, %and3A_446 : i32
      %broadcast_in_dim3A_448 = vector.broadcast %and3A_447 : i32 to vector<16xi32>
      %broadcast_in_dim3A_449 = arith.constant 2 : i32
      %broadcast_in_dim3A_450 = vector.broadcast %broadcast_in_dim3A_449 : i32 to vector<16xi32>
      %gather3A_451 = tpu.vector_load_idx %arg7[%broadcast_in_dim3A_450, %iota3A, %broadcast_in_dim3A_448] : memref<4x32x128xf32, #tpu.memory_space<vmem>>[vector<16xi32>, vector<16xi32>, vector<16xi32>], vector<16xf32>,
      %add3A_452 = arith.constant 16 : i32
      %add3A_453 = vector.broadcast %add3A_452 : i32 to vector<16xi32>
      %add3A_454 = arith.addi %iota3A, %add3A_453 : vector<16xi32>
      %gather3A_455 = tpu.vector_load_idx %arg7[%broadcast_in_dim3A_450, %add3A_454, %broadcast_in_dim3A_448] : memref<4x32x128xf32, #tpu.memory_space<vmem>>[vector<16xi32>, vector<16xi32>, vector<16xi32>], vector<16xf32>,
      %swap3A_456 = arith.constant 2 : i32
      %swap3A_457 = arith.index_cast %swap3A_456 : i32 to index
      %swap3A_458 = arith.constant 0 : index
      %swap3A_459 = tpu.vector_load %arg11[%swap3A_457, %swap3A_458] {strides = array<i32>} : memref<4x32xf32, #tpu.memory_space<vmem>>, vector<16xf32>,
      tpu.vector_store %arg11[%swap3A_457, %swap3A_458], %gather3A_451 {strides = array<i32>} : memref<4x32xf32, #tpu.memory_space<vmem>>, vector<16xf32>,
      %swap3A_460 = arith.constant 2 : i32
      %swap3A_461 = arith.index_cast %swap3A_460 : i32 to index
      %swap3A_462 = arith.constant 16 : index
      %swap3A_463 = tpu.vector_load %arg11[%swap3A_461, %swap3A_462] {strides = array<i32>} : memref<4x32xf32, #tpu.memory_space<vmem>>, vector<16xf32>,
      tpu.vector_store %arg11[%swap3A_461, %swap3A_462], %gather3A_455 {strides = array<i32>} : memref<4x32xf32, #tpu.memory_space<vmem>>, vector<16xf32>,
      %slice3A_464 = vector.extract_strided_slice %get3A_406 {offsets = [3], sizes = [1], strides = [1]} : vector<16xi32> to vector<1xi32>
      %squeeze3A_465 = vector.extract %slice3A_464[0] : i32 from vector<1xi32>
      %and3A_466 = arith.constant 127 : i32
      %and3A_467 = arith.andi %squeeze3A_465, %and3A_466 : i32
      %broadcast_in_dim3A_468 = vector.broadcast %and3A_467 : i32 to vector<16xi32>
      %broadcast_in_dim3A_469 = arith.constant 3 : i32
      %broadcast_in_dim3A_470 = vector.broadcast %broadcast_in_dim3A_469 : i32 to vector<16xi32>
      %gather3A_471 = tpu.vector_load_idx %arg7[%broadcast_in_dim3A_470, %iota3A, %broadcast_in_dim3A_468] : memref<4x32x128xf32, #tpu.memory_space<vmem>>[vector<16xi32>, vector<16xi32>, vector<16xi32>], vector<16xf32>,
      %add3A_472 = arith.constant 16 : i32
      %add3A_473 = vector.broadcast %add3A_472 : i32 to vector<16xi32>
      %add3A_474 = arith.addi %iota3A, %add3A_473 : vector<16xi32>
      %gather3A_475 = tpu.vector_load_idx %arg7[%broadcast_in_dim3A_470, %add3A_474, %broadcast_in_dim3A_468] : memref<4x32x128xf32, #tpu.memory_space<vmem>>[vector<16xi32>, vector<16xi32>, vector<16xi32>], vector<16xf32>,
      %swap3A_476 = arith.constant 3 : i32
      %swap3A_477 = arith.index_cast %swap3A_476 : i32 to index
      %swap3A_478 = arith.constant 0 : index
      %swap3A_479 = tpu.vector_load %arg11[%swap3A_477, %swap3A_478] {strides = array<i32>} : memref<4x32xf32, #tpu.memory_space<vmem>>, vector<16xf32>,
      tpu.vector_store %arg11[%swap3A_477, %swap3A_478], %gather3A_471 {strides = array<i32>} : memref<4x32xf32, #tpu.memory_space<vmem>>, vector<16xf32>,
      %swap3A_480 = arith.constant 3 : i32
      %swap3A_481 = arith.index_cast %swap3A_480 : i32 to index
      %swap3A_482 = arith.constant 16 : index
      %swap3A_483 = tpu.vector_load %arg11[%swap3A_481, %swap3A_482] {strides = array<i32>} : memref<4x32xf32, #tpu.memory_space<vmem>>, vector<16xf32>,
      tpu.vector_store %arg11[%swap3A_481, %swap3A_482], %gather3A_475 {strides = array<i32>} : memref<4x32xf32, #tpu.memory_space<vmem>>, vector<16xf32>,
      %mul3A_484 = arith.constant 4 : i32
      %mul3A_485 = arith.muli %add3A_340, %mul3A_484 : i32
      %add3A_486 = arith.addi %mul3A_2, %mul3A_485 : i32
      %dma_start3A_487 = arith.constant 0 : i32
      %dma_start3A_488 = tpu.memref_slice %arg4[%add3A_486, %dma_start3A_487] : memref<16384x32xf32, #tpu.memory_space<hbm>> -> memref<4x32xf32, #tpu.memory_space<hbm>>
      %dma_start3A_489 = arith.constant 0 : i32
      %dma_start3A_490 = tpu.memref_slice %arg4[%add3A_486, %dma_start3A_489] : memref<16384x32xf32, #tpu.memory_space<hbm>> -> memref<4x32xf32, #tpu.memory_space<hbm>>
      tpu.enqueue_dma source(%arg11 : memref<4x32xf32, #tpu.memory_space<vmem>>) target(%dma_start3A_490 : memref<4x32xf32, #tpu.memory_space<hbm>>) target_semaphore(%arg19 : memref<!tpu.dma_semaphore, #tpu.memory_space<semaphore_mem>>)
      %add3A_491 = arith.constant 4 : i32
      %add3A_492 = arith.addi %add3A_340, %add3A_491 : i32
      %lt3A = arith.constant 128 : i32
      %lt3A_493 = arith.cmpi slt, %add3A_492, %lt3A : i32
      %convert_element_type3A_494 = arith.extui %lt3A_493 : i1 to i32
      %cond3A_495 = arith.constant 0 : i32
      %cond3A_496 = arith.cmpi ne, %convert_element_type3A_494, %cond3A_495 : i32
      scf.if %cond3A_496 {
        %add3A_998 = arith.constant 4 : i32
        %add3A_999 = arith.addi %add3A_340, %add3A_998 : i32
        %mul3A_1000 = arith.constant 16 : i32
        %mul3A_1001 = arith.muli %add3A_999, %mul3A_1000 : i32
        %get3A_1002 = arith.index_cast %mul3A_1001 : i32 to index
        %get3A_1003 = tpu.vector_load %arg6[%get3A_1002] {strides = array<i32>} : memref<2048xi32, #tpu.memory_space<vmem>>, vector<16xi32>,
        %slice3A_1004 = vector.extract_strided_slice %get3A_1003 {offsets = [0], sizes = [1], strides = [1]} : vector<16xi32> to vector<1xi32>
        %squeeze3A_1005 = vector.extract %slice3A_1004[0] : i32 from vector<1xi32>
        %and3A_1006 = arith.constant -128 : i32
        %and3A_1007 = arith.andi %squeeze3A_1005, %and3A_1006 : i32
        %multiple_of3A_1008 = tpu.assume_multiple %and3A_1007, 128 : i32
        %dma_start3A_1009 = arith.constant 0 : i32
        %dma_start3A_1010 = arith.constant 0 : i32
        %dma_start3A_1011 = arith.constant 0 : i32
        %dma_start3A_1012 = tpu.memref_slice %arg7[%dma_start3A_1009, %dma_start3A_1010, %dma_start3A_1011] : memref<4x32x128xf32, #tpu.memory_space<vmem>> -> memref<1x32x128xf32, #tpu.memory_space<vmem>>
        %dma_start3A_1013 = tpu.memref_squeeze %dma_start3A_1012 : memref<1x32x128xf32, #tpu.memory_space<vmem>> -> memref<32x128xf32, #tpu.memory_space<vmem>>
        %dma_start3A_1014 = arith.constant 0 : i32
        %dma_start3A_1015 = tpu.memref_slice %arg3[%dma_start3A_1014, %multiple_of3A_1008] : memref<32x1000000xf32, #tpu.memory_space<hbm>> -> memref<32x128xf32, #tpu.memory_space<hbm>>
        %dma_start3A_1016 = arith.constant 0 : i32
        %dma_start3A_1017 = arith.constant 0 : i32
        %dma_start3A_1018 = tpu.memref_slice %arg7[%dma_start3A_1009, %dma_start3A_1016, %dma_start3A_1017] : memref<4x32x128xf32, #tpu.memory_space<vmem>> -> memref<1x32x128xf32, #tpu.memory_space<vmem>>
        %dma_start3A_1019 = tpu.memref_squeeze %dma_start3A_1018 : memref<1x32x128xf32, #tpu.memory_space<vmem>> -> memref<32x128xf32, #tpu.memory_space<vmem>>
        %dma_start3A_1020 = arith.constant 0 : i32
        %dma_start3A_1021 = tpu.memref_slice %arg3[%dma_start3A_1020, %multiple_of3A_1008] : memref<32x1000000xf32, #tpu.memory_space<hbm>> -> memref<32x128xf32, #tpu.memory_space<hbm>>
        tpu.enqueue_dma source(%dma_start3A_1021 : memref<32x128xf32, #tpu.memory_space<hbm>>) target(%dma_start3A_1019 : memref<32x128xf32, #tpu.memory_space<vmem>>) target_semaphore(%arg15 : memref<!tpu.dma_semaphore, #tpu.memory_space<semaphore_mem>>)
        %slice3A_1022 = vector.extract_strided_slice %get3A_1003 {offsets = [1], sizes = [1], strides = [1]} : vector<16xi32> to vector<1xi32>
        %squeeze3A_1023 = vector.extract %slice3A_1022[0] : i32 from vector<1xi32>
        %and3A_1024 = arith.constant -128 : i32
        %and3A_1025 = arith.andi %squeeze3A_1023, %and3A_1024 : i32
        %multiple_of3A_1026 = tpu.assume_multiple %and3A_1025, 128 : i32
        %dma_start3A_1027 = arith.constant 1 : i32
        %dma_start3A_1028 = arith.constant 0 : i32
        %dma_start3A_1029 = arith.constant 0 : i32
        %dma_start3A_1030 = tpu.memref_slice %arg7[%dma_start3A_1027, %dma_start3A_1028, %dma_start3A_1029] : memref<4x32x128xf32, #tpu.memory_space<vmem>> -> memref<1x32x128xf32, #tpu.memory_space<vmem>>
        %dma_start3A_1031 = tpu.memref_squeeze %dma_start3A_1030 : memref<1x32x128xf32, #tpu.memory_space<vmem>> -> memref<32x128xf32, #tpu.memory_space<vmem>>
        %dma_start3A_1032 = arith.constant 0 : i32
        %dma_start3A_1033 = tpu.memref_slice %arg3[%dma_start3A_1032, %multiple_of3A_1026] : memref<32x1000000xf32, #tpu.memory_space<hbm>> -> memref<32x128xf32, #tpu.memory_space<hbm>>
        %dma_start3A_1034 = arith.constant 0 : i32
        %dma_start3A_1035 = arith.constant 0 : i32
        %dma_start3A_1036 = tpu.memref_slice %arg7[%dma_start3A_1027, %dma_start3A_1034, %dma_start3A_1035] : memref<4x32x128xf32, #tpu.memory_space<vmem>> -> memref<1x32x128xf32, #tpu.memory_space<vmem>>
        %dma_start3A_1037 = tpu.memref_squeeze %dma_start3A_1036 : memref<1x32x128xf32, #tpu.memory_space<vmem>> -> memref<32x128xf32, #tpu.memory_space<vmem>>
        %dma_start3A_1038 = arith.constant 0 : i32
        %dma_start3A_1039 = tpu.memref_slice %arg3[%dma_start3A_1038, %multiple_of3A_1026] : memref<32x1000000xf32, #tpu.memory_space<hbm>> -> memref<32x128xf32, #tpu.memory_space<hbm>>
        tpu.enqueue_dma source(%dma_start3A_1039 : memref<32x128xf32, #tpu.memory_space<hbm>>) target(%dma_start3A_1037 : memref<32x128xf32, #tpu.memory_space<vmem>>) target_semaphore(%arg15 : memref<!tpu.dma_semaphore, #tpu.memory_space<semaphore_mem>>)
        %slice3A_1040 = vector.extract_strided_slice %get3A_1003 {offsets = [2], sizes = [1], strides = [1]} : vector<16xi32> to vector<1xi32>
        %squeeze3A_1041 = vector.extract %slice3A_1040[0] : i32 from vector<1xi32>
        %and3A_1042 = arith.constant -128 : i32
        %and3A_1043 = arith.andi %squeeze3A_1041, %and3A_1042 : i32
        %multiple_of3A_1044 = tpu.assume_multiple %and3A_1043, 128 : i32
        %dma_start3A_1045 = arith.constant 2 : i32
        %dma_start3A_1046 = arith.constant 0 : i32
        %dma_start3A_1047 = arith.constant 0 : i32
        %dma_start3A_1048 = tpu.memref_slice %arg7[%dma_start3A_1045, %dma_start3A_1046, %dma_start3A_1047] : memref<4x32x128xf32, #tpu.memory_space<vmem>> -> memref<1x32x128xf32, #tpu.memory_space<vmem>>
        %dma_start3A_1049 = tpu.memref_squeeze %dma_start3A_1048 : memref<1x32x128xf32, #tpu.memory_space<vmem>> -> memref<32x128xf32, #tpu.memory_space<vmem>>
        %dma_start3A_1050 = arith.constant 0 : i32
        %dma_start3A_1051 = tpu.memref_slice %arg3[%dma_start3A_1050, %multiple_of3A_1044] : memref<32x1000000xf32, #tpu.memory_space<hbm>> -> memref<32x128xf32, #tpu.memory_space<hbm>>
        %dma_start3A_1052 = arith.constant 0 : i32
        %dma_start3A_1053 = arith.constant 0 : i32
        %dma_start3A_1054 = tpu.memref_slice %arg7[%dma_start3A_1045, %dma_start3A_1052, %dma_start3A_1053] : memref<4x32x128xf32, #tpu.memory_space<vmem>> -> memref<1x32x128xf32, #tpu.memory_space<vmem>>
        %dma_start3A_1055 = tpu.memref_squeeze %dma_start3A_1054 : memref<1x32x128xf32, #tpu.memory_space<vmem>> -> memref<32x128xf32, #tpu.memory_space<vmem>>
        %dma_start3A_1056 = arith.constant 0 : i32
        %dma_start3A_1057 = tpu.memref_slice %arg3[%dma_start3A_1056, %multiple_of3A_1044] : memref<32x1000000xf32, #tpu.memory_space<hbm>> -> memref<32x128xf32, #tpu.memory_space<hbm>>
        tpu.enqueue_dma source(%dma_start3A_1057 : memref<32x128xf32, #tpu.memory_space<hbm>>) target(%dma_start3A_1055 : memref<32x128xf32, #tpu.memory_space<vmem>>) target_semaphore(%arg15 : memref<!tpu.dma_semaphore, #tpu.memory_space<semaphore_mem>>)
        %slice3A_1058 = vector.extract_strided_slice %get3A_1003 {offsets = [3], sizes = [1], strides = [1]} : vector<16xi32> to vector<1xi32>
        %squeeze3A_1059 = vector.extract %slice3A_1058[0] : i32 from vector<1xi32>
        %and3A_1060 = arith.constant -128 : i32
        %and3A_1061 = arith.andi %squeeze3A_1059, %and3A_1060 : i32
        %multiple_of3A_1062 = tpu.assume_multiple %and3A_1061, 128 : i32
        %dma_start3A_1063 = arith.constant 3 : i32
        %dma_start3A_1064 = arith.constant 0 : i32
        %dma_start3A_1065 = arith.constant 0 : i32
        %dma_start3A_1066 = tpu.memref_slice %arg7[%dma_start3A_1063, %dma_start3A_1064, %dma_start3A_1065] : memref<4x32x128xf32, #tpu.memory_space<vmem>> -> memref<1x32x128xf32, #tpu.memory_space<vmem>>
        %dma_start3A_1067 = tpu.memref_squeeze %dma_start3A_1066 : memref<1x32x128xf32, #tpu.memory_space<vmem>> -> memref<32x128xf32, #tpu.memory_space<vmem>>
        %dma_start3A_1068 = arith.constant 0 : i32
        %dma_start3A_1069 = tpu.memref_slice %arg3[%dma_start3A_1068, %multiple_of3A_1062] : memref<32x1000000xf32, #tpu.memory_space<hbm>> -> memref<32x128xf32, #tpu.memory_space<hbm>>
        %dma_start3A_1070 = arith.constant 0 : i32
        %dma_start3A_1071 = arith.constant 0 : i32
        %dma_start3A_1072 = tpu.memref_slice %arg7[%dma_start3A_1063, %dma_start3A_1070, %dma_start3A_1071] : memref<4x32x128xf32, #tpu.memory_space<vmem>> -> memref<1x32x128xf32, #tpu.memory_space<vmem>>
        %dma_start3A_1073 = tpu.memref_squeeze %dma_start3A_1072 : memref<1x32x128xf32, #tpu.memory_space<vmem>> -> memref<32x128xf32, #tpu.memory_space<vmem>>
        %dma_start3A_1074 = arith.constant 0 : i32
        %dma_start3A_1075 = tpu.memref_slice %arg3[%dma_start3A_1074, %multiple_of3A_1062] : memref<32x1000000xf32, #tpu.memory_space<hbm>> -> memref<32x128xf32, #tpu.memory_space<hbm>>
        tpu.enqueue_dma source(%dma_start3A_1075 : memref<32x128xf32, #tpu.memory_space<hbm>>) target(%dma_start3A_1073 : memref<32x128xf32, #tpu.memory_space<vmem>>) target_semaphore(%arg15 : memref<!tpu.dma_semaphore, #tpu.memory_space<semaphore_mem>>)
      } else {
      }
      %mul3A_497 = arith.constant 4 : i32
      %mul3A_498 = arith.muli %mul3A_497, %scan3A_336 : i32
      %add3A_499 = arith.constant 1 : i32
      %add3A_500 = arith.addi %mul3A_498, %add3A_499 : i32
      %ge3A_501 = arith.constant 4 : i32
      %ge3A_502 = arith.cmpi sge, %add3A_500, %ge3A_501 : i32
      %convert_element_type3A_503 = arith.extui %ge3A_502 : i1 to i32
      %cond3A_504 = arith.constant 0 : i32
      %cond3A_505 = arith.cmpi ne, %convert_element_type3A_503, %cond3A_504 : i32
      scf.if %cond3A_505 {
        %dma_wait3A_998 = arith.constant 0 : i32
        %dma_wait3A_999 = arith.constant 0 : i32
        %dma_wait3A_1000 = tpu.memref_slice %arg4[%dma_wait3A_998, %dma_wait3A_999] : memref<16384x32xf32, #tpu.memory_space<hbm>> -> memref<4x32xf32, #tpu.memory_space<hbm>>
        %dma_wait3A_1001 = arith.constant 0 : i32
        %dma_wait3A_1002 = arith.constant 0 : i32
        %dma_wait3A_1003 = tpu.memref_slice %arg4[%dma_wait3A_1001, %dma_wait3A_1002] : memref<16384x32xf32, #tpu.memory_space<hbm>> -> memref<4x32xf32, #tpu.memory_space<hbm>>
        tpu.wait_dma2 semaphore(%arg19 : memref<!tpu.dma_semaphore, #tpu.memory_space<semaphore_mem>>) src(%dma_wait3A_1003 : memref<4x32xf32, #tpu.memory_space<hbm>>) dst(%arg12 : memref<4x32xf32, #tpu.memory_space<vmem>>)
      } else {
      }
      %dma_wait3A_506 = arith.constant 0 : i32
      %dma_wait3A_507 = arith.constant 0 : i32
      %dma_wait3A_508 = arith.constant 0 : i32
      %dma_wait3A_509 = tpu.memref_slice %arg8[%dma_wait3A_506, %dma_wait3A_507, %dma_wait3A_508] : memref<4x32x128xf32, #tpu.memory_space<vmem>> -> memref<1x32x128xf32, #tpu.memory_space<vmem>>
      %dma_wait3A_510 = tpu.memref_squeeze %dma_wait3A_509 : memref<1x32x128xf32, #tpu.memory_space<vmem>> -> memref<32x128xf32, #tpu.memory_space<vmem>>
      %dma_wait3A_511 = arith.constant 0 : i32
      %dma_wait3A_512 = arith.constant 0 : i32
      %dma_wait3A_513 = tpu.memref_slice %arg3[%dma_wait3A_511, %dma_wait3A_512] : memref<32x1000000xf32, #tpu.memory_space<hbm>> -> memref<32x128xf32, #tpu.memory_space<hbm>>
      %dma_wait3A_514 = arith.constant 0 : i32
      %dma_wait3A_515 = arith.constant 0 : i32
      %dma_wait3A_516 = tpu.memref_slice %arg8[%dma_wait3A_506, %dma_wait3A_514, %dma_wait3A_515] : memref<4x32x128xf32, #tpu.memory_space<vmem>> -> memref<1x32x128xf32, #tpu.memory_space<vmem>>
      %dma_wait3A_517 = tpu.memref_squeeze %dma_wait3A_516 : memref<1x32x128xf32, #tpu.memory_space<vmem>> -> memref<32x128xf32, #tpu.memory_space<vmem>>
      %dma_wait3A_518 = arith.constant 0 : i32
      %dma_wait3A_519 = arith.constant 0 : i32
      %dma_wait3A_520 = tpu.memref_slice %arg3[%dma_wait3A_518, %dma_wait3A_519] : memref<32x1000000xf32, #tpu.memory_space<hbm>> -> memref<32x128xf32, #tpu.memory_space<hbm>>
      tpu.wait_dma2 semaphore(%arg16 : memref<!tpu.dma_semaphore, #tpu.memory_space<semaphore_mem>>) src(%dma_wait3A_520 : memref<32x128xf32, #tpu.memory_space<hbm>>) dst(%dma_wait3A_517 : memref<32x128xf32, #tpu.memory_space<vmem>>)
      %dma_wait3A_521 = arith.constant 1 : i32
      %dma_wait3A_522 = arith.constant 0 : i32
      %dma_wait3A_523 = arith.constant 0 : i32
      %dma_wait3A_524 = tpu.memref_slice %arg8[%dma_wait3A_521, %dma_wait3A_522, %dma_wait3A_523] : memref<4x32x128xf32, #tpu.memory_space<vmem>> -> memref<1x32x128xf32, #tpu.memory_space<vmem>>
      %dma_wait3A_525 = tpu.memref_squeeze %dma_wait3A_524 : memref<1x32x128xf32, #tpu.memory_space<vmem>> -> memref<32x128xf32, #tpu.memory_space<vmem>>
      %dma_wait3A_526 = arith.constant 0 : i32
      %dma_wait3A_527 = arith.constant 0 : i32
      %dma_wait3A_528 = tpu.memref_slice %arg3[%dma_wait3A_526, %dma_wait3A_527] : memref<32x1000000xf32, #tpu.memory_space<hbm>> -> memref<32x128xf32, #tpu.memory_space<hbm>>
      %dma_wait3A_529 = arith.constant 0 : i32
      %dma_wait3A_530 = arith.constant 0 : i32
      %dma_wait3A_531 = tpu.memref_slice %arg8[%dma_wait3A_521, %dma_wait3A_529, %dma_wait3A_530] : memref<4x32x128xf32, #tpu.memory_space<vmem>> -> memref<1x32x128xf32, #tpu.memory_space<vmem>>
      %dma_wait3A_532 = tpu.memref_squeeze %dma_wait3A_531 : memref<1x32x128xf32, #tpu.memory_space<vmem>> -> memref<32x128xf32, #tpu.memory_space<vmem>>
      %dma_wait3A_533 = arith.constant 0 : i32
      %dma_wait3A_534 = arith.constant 0 : i32
      %dma_wait3A_535 = tpu.memref_slice %arg3[%dma_wait3A_533, %dma_wait3A_534] : memref<32x1000000xf32, #tpu.memory_space<hbm>> -> memref<32x128xf32, #tpu.memory_space<hbm>>
      tpu.wait_dma2 semaphore(%arg16 : memref<!tpu.dma_semaphore, #tpu.memory_space<semaphore_mem>>) src(%dma_wait3A_535 : memref<32x128xf32, #tpu.memory_space<hbm>>) dst(%dma_wait3A_532 : memref<32x128xf32, #tpu.memory_space<vmem>>)
      %dma_wait3A_536 = arith.constant 2 : i32
      %dma_wait3A_537 = arith.constant 0 : i32
      %dma_wait3A_538 = arith.constant 0 : i32
      %dma_wait3A_539 = tpu.memref_slice %arg8[%dma_wait3A_536, %dma_wait3A_537, %dma_wait3A_538] : memref<4x32x128xf32, #tpu.memory_space<vmem>> -> memref<1x32x128xf32, #tpu.memory_space<vmem>>
      %dma_wait3A_540 = tpu.memref_squeeze %dma_wait3A_539 : memref<1x32x128xf32, #tpu.memory_space<vmem>> -> memref<32x128xf32, #tpu.memory_space<vmem>>
      %dma_wait3A_541 = arith.constant 0 : i32
      %dma_wait3A_542 = arith.constant 0 : i32
      %dma_wait3A_543 = tpu.memref_slice %arg3[%dma_wait3A_541, %dma_wait3A_542] : memref<32x1000000xf32, #tpu.memory_space<hbm>> -> memref<32x128xf32, #tpu.memory_space<hbm>>
      %dma_wait3A_544 = arith.constant 0 : i32
      %dma_wait3A_545 = arith.constant 0 : i32
      %dma_wait3A_546 = tpu.memref_slice %arg8[%dma_wait3A_536, %dma_wait3A_544, %dma_wait3A_545] : memref<4x32x128xf32, #tpu.memory_space<vmem>> -> memref<1x32x128xf32, #tpu.memory_space<vmem>>
      %dma_wait3A_547 = tpu.memref_squeeze %dma_wait3A_546 : memref<1x32x128xf32, #tpu.memory_space<vmem>> -> memref<32x128xf32, #tpu.memory_space<vmem>>
      %dma_wait3A_548 = arith.constant 0 : i32
      %dma_wait3A_549 = arith.constant 0 : i32
      %dma_wait3A_550 = tpu.memref_slice %arg3[%dma_wait3A_548, %dma_wait3A_549] : memref<32x1000000xf32, #tpu.memory_space<hbm>> -> memref<32x128xf32, #tpu.memory_space<hbm>>
      tpu.wait_dma2 semaphore(%arg16 : memref<!tpu.dma_semaphore, #tpu.memory_space<semaphore_mem>>) src(%dma_wait3A_550 : memref<32x128xf32, #tpu.memory_space<hbm>>) dst(%dma_wait3A_547 : memref<32x128xf32, #tpu.memory_space<vmem>>)
      %dma_wait3A_551 = arith.constant 3 : i32
      %dma_wait3A_552 = arith.constant 0 : i32
      %dma_wait3A_553 = arith.constant 0 : i32
      %dma_wait3A_554 = tpu.memref_slice %arg8[%dma_wait3A_551, %dma_wait3A_552, %dma_wait3A_553] : memref<4x32x128xf32, #tpu.memory_space<vmem>> -> memref<1x32x128xf32, #tpu.memory_space<vmem>>
      %dma_wait3A_555 = tpu.memref_squeeze %dma_wait3A_554 : memref<1x32x128xf32, #tpu.memory_space<vmem>> -> memref<32x128xf32, #tpu.memory_space<vmem>>
      %dma_wait3A_556 = arith.constant 0 : i32
      %dma_wait3A_557 = arith.constant 0 : i32
      %dma_wait3A_558 = tpu.memref_slice %arg3[%dma_wait3A_556, %dma_wait3A_557] : memref<32x1000000xf32, #tpu.memory_space<hbm>> -> memref<32x128xf32, #tpu.memory_space<hbm>>
      %dma_wait3A_559 = arith.constant 0 : i32
      %dma_wait3A_560 = arith.constant 0 : i32
      %dma_wait3A_561 = tpu.memref_slice %arg8[%dma_wait3A_551, %dma_wait3A_559, %dma_wait3A_560] : memref<4x32x128xf32, #tpu.memory_space<vmem>> -> memref<1x32x128xf32, #tpu.memory_space<vmem>>
      %dma_wait3A_562 = tpu.memref_squeeze %dma_wait3A_561 : memref<1x32x128xf32, #tpu.memory_space<vmem>> -> memref<32x128xf32, #tpu.memory_space<vmem>>
      %dma_wait3A_563 = arith.constant 0 : i32
      %dma_wait3A_564 = arith.constant 0 : i32
      %dma_wait3A_565 = tpu.memref_slice %arg3[%dma_wait3A_563, %dma_wait3A_564] : memref<32x1000000xf32, #tpu.memory_space<hbm>> -> memref<32x128xf32, #tpu.memory_space<hbm>>
      tpu.wait_dma2 semaphore(%arg16 : memref<!tpu.dma_semaphore, #tpu.memory_space<semaphore_mem>>) src(%dma_wait3A_565 : memref<32x128xf32, #tpu.memory_space<hbm>>) dst(%dma_wait3A_562 : memref<32x128xf32, #tpu.memory_space<vmem>>)
      %mul3A_566 = arith.constant 16 : i32
      %mul3A_567 = arith.muli %add3A_500, %mul3A_566 : i32
      %get3A_568 = arith.index_cast %mul3A_567 : i32 to index
      %get3A_569 = tpu.vector_load %arg6[%get3A_568] {strides = array<i32>} : memref<2048xi32, #tpu.memory_space<vmem>>, vector<16xi32>,
      %slice3A_570 = vector.extract_strided_slice %get3A_569 {offsets = [0], sizes = [1], strides = [1]} : vector<16xi32> to vector<1xi32>
      %squeeze3A_571 = vector.extract %slice3A_570[0] : i32 from vector<1xi32>
      %and3A_572 = arith.constant 127 : i32
      %and3A_573 = arith.andi %squeeze3A_571, %and3A_572 : i32
      %broadcast_in_dim3A_574 = vector.broadcast %and3A_573 : i32 to vector<16xi32>
      %broadcast_in_dim3A_575 = arith.constant 0 : i32
      %broadcast_in_dim3A_576 = vector.broadcast %broadcast_in_dim3A_575 : i32 to vector<16xi32>
      %gather3A_577 = tpu.vector_load_idx %arg8[%broadcast_in_dim3A_576, %iota3A, %broadcast_in_dim3A_574] : memref<4x32x128xf32, #tpu.memory_space<vmem>>[vector<16xi32>, vector<16xi32>, vector<16xi32>], vector<16xf32>,
      %add3A_578 = arith.constant 16 : i32
      %add3A_579 = vector.broadcast %add3A_578 : i32 to vector<16xi32>
      %add3A_580 = arith.addi %iota3A, %add3A_579 : vector<16xi32>
      %gather3A_581 = tpu.vector_load_idx %arg8[%broadcast_in_dim3A_576, %add3A_580, %broadcast_in_dim3A_574] : memref<4x32x128xf32, #tpu.memory_space<vmem>>[vector<16xi32>, vector<16xi32>, vector<16xi32>], vector<16xf32>,
      %swap3A_582 = arith.constant 0 : i32
      %swap3A_583 = arith.index_cast %swap3A_582 : i32 to index
      %swap3A_584 = arith.constant 0 : index
      %swap3A_585 = tpu.vector_load %arg12[%swap3A_583, %swap3A_584] {strides = array<i32>} : memref<4x32xf32, #tpu.memory_space<vmem>>, vector<16xf32>,
      tpu.vector_store %arg12[%swap3A_583, %swap3A_584], %gather3A_577 {strides = array<i32>} : memref<4x32xf32, #tpu.memory_space<vmem>>, vector<16xf32>,
      %swap3A_586 = arith.constant 0 : i32
      %swap3A_587 = arith.index_cast %swap3A_586 : i32 to index
      %swap3A_588 = arith.constant 16 : index
      %swap3A_589 = tpu.vector_load %arg12[%swap3A_587, %swap3A_588] {strides = array<i32>} : memref<4x32xf32, #tpu.memory_space<vmem>>, vector<16xf32>,
      tpu.vector_store %arg12[%swap3A_587, %swap3A_588], %gather3A_581 {strides = array<i32>} : memref<4x32xf32, #tpu.memory_space<vmem>>, vector<16xf32>,
      %slice3A_590 = vector.extract_strided_slice %get3A_569 {offsets = [1], sizes = [1], strides = [1]} : vector<16xi32> to vector<1xi32>
      %squeeze3A_591 = vector.extract %slice3A_590[0] : i32 from vector<1xi32>
      %and3A_592 = arith.constant 127 : i32
      %and3A_593 = arith.andi %squeeze3A_591, %and3A_592 : i32
      %broadcast_in_dim3A_594 = vector.broadcast %and3A_593 : i32 to vector<16xi32>
      %broadcast_in_dim3A_595 = arith.constant 1 : i32
      %broadcast_in_dim3A_596 = vector.broadcast %broadcast_in_dim3A_595 : i32 to vector<16xi32>
      %gather3A_597 = tpu.vector_load_idx %arg8[%broadcast_in_dim3A_596, %iota3A, %broadcast_in_dim3A_594] : memref<4x32x128xf32, #tpu.memory_space<vmem>>[vector<16xi32>, vector<16xi32>, vector<16xi32>], vector<16xf32>,
      %add3A_598 = arith.constant 16 : i32
      %add3A_599 = vector.broadcast %add3A_598 : i32 to vector<16xi32>
      %add3A_600 = arith.addi %iota3A, %add3A_599 : vector<16xi32>
      %gather3A_601 = tpu.vector_load_idx %arg8[%broadcast_in_dim3A_596, %add3A_600, %broadcast_in_dim3A_594] : memref<4x32x128xf32, #tpu.memory_space<vmem>>[vector<16xi32>, vector<16xi32>, vector<16xi32>], vector<16xf32>,
      %swap3A_602 = arith.constant 1 : i32
      %swap3A_603 = arith.index_cast %swap3A_602 : i32 to index
      %swap3A_604 = arith.constant 0 : index
      %swap3A_605 = tpu.vector_load %arg12[%swap3A_603, %swap3A_604] {strides = array<i32>} : memref<4x32xf32, #tpu.memory_space<vmem>>, vector<16xf32>,
      tpu.vector_store %arg12[%swap3A_603, %swap3A_604], %gather3A_597 {strides = array<i32>} : memref<4x32xf32, #tpu.memory_space<vmem>>, vector<16xf32>,
      %swap3A_606 = arith.constant 1 : i32
      %swap3A_607 = arith.index_cast %swap3A_606 : i32 to index
      %swap3A_608 = arith.constant 16 : index
      %swap3A_609 = tpu.vector_load %arg12[%swap3A_607, %swap3A_608] {strides = array<i32>} : memref<4x32xf32, #tpu.memory_space<vmem>>, vector<16xf32>,
      tpu.vector_store %arg12[%swap3A_607, %swap3A_608], %gather3A_601 {strides = array<i32>} : memref<4x32xf32, #tpu.memory_space<vmem>>, vector<16xf32>,
      %slice3A_610 = vector.extract_strided_slice %get3A_569 {offsets = [2], sizes = [1], strides = [1]} : vector<16xi32> to vector<1xi32>
      %squeeze3A_611 = vector.extract %slice3A_610[0] : i32 from vector<1xi32>
      %and3A_612 = arith.constant 127 : i32
      %and3A_613 = arith.andi %squeeze3A_611, %and3A_612 : i32
      %broadcast_in_dim3A_614 = vector.broadcast %and3A_613 : i32 to vector<16xi32>
      %broadcast_in_dim3A_615 = arith.constant 2 : i32
      %broadcast_in_dim3A_616 = vector.broadcast %broadcast_in_dim3A_615 : i32 to vector<16xi32>
      %gather3A_617 = tpu.vector_load_idx %arg8[%broadcast_in_dim3A_616, %iota3A, %broadcast_in_dim3A_614] : memref<4x32x128xf32, #tpu.memory_space<vmem>>[vector<16xi32>, vector<16xi32>, vector<16xi32>], vector<16xf32>,
      %add3A_618 = arith.constant 16 : i32
      %add3A_619 = vector.broadcast %add3A_618 : i32 to vector<16xi32>
      %add3A_620 = arith.addi %iota3A, %add3A_619 : vector<16xi32>
      %gather3A_621 = tpu.vector_load_idx %arg8[%broadcast_in_dim3A_616, %add3A_620, %broadcast_in_dim3A_614] : memref<4x32x128xf32, #tpu.memory_space<vmem>>[vector<16xi32>, vector<16xi32>, vector<16xi32>], vector<16xf32>,
      %swap3A_622 = arith.constant 2 : i32
      %swap3A_623 = arith.index_cast %swap3A_622 : i32 to index
      %swap3A_624 = arith.constant 0 : index
      %swap3A_625 = tpu.vector_load %arg12[%swap3A_623, %swap3A_624] {strides = array<i32>} : memref<4x32xf32, #tpu.memory_space<vmem>>, vector<16xf32>,
      tpu.vector_store %arg12[%swap3A_623, %swap3A_624], %gather3A_617 {strides = array<i32>} : memref<4x32xf32, #tpu.memory_space<vmem>>, vector<16xf32>,
      %swap3A_626 = arith.constant 2 : i32
      %swap3A_627 = arith.index_cast %swap3A_626 : i32 to index
      %swap3A_628 = arith.constant 16 : index
      %swap3A_629 = tpu.vector_load %arg12[%swap3A_627, %swap3A_628] {strides = array<i32>} : memref<4x32xf32, #tpu.memory_space<vmem>>, vector<16xf32>,
      tpu.vector_store %arg12[%swap3A_627, %swap3A_628], %gather3A_621 {strides = array<i32>} : memref<4x32xf32, #tpu.memory_space<vmem>>, vector<16xf32>,
      %slice3A_630 = vector.extract_strided_slice %get3A_569 {offsets = [3], sizes = [1], strides = [1]} : vector<16xi32> to vector<1xi32>
      %squeeze3A_631 = vector.extract %slice3A_630[0] : i32 from vector<1xi32>
      %and3A_632 = arith.constant 127 : i32
      %and3A_633 = arith.andi %squeeze3A_631, %and3A_632 : i32
      %broadcast_in_dim3A_634 = vector.broadcast %and3A_633 : i32 to vector<16xi32>
      %broadcast_in_dim3A_635 = arith.constant 3 : i32
      %broadcast_in_dim3A_636 = vector.broadcast %broadcast_in_dim3A_635 : i32 to vector<16xi32>
      %gather3A_637 = tpu.vector_load_idx %arg8[%broadcast_in_dim3A_636, %iota3A, %broadcast_in_dim3A_634] : memref<4x32x128xf32, #tpu.memory_space<vmem>>[vector<16xi32>, vector<16xi32>, vector<16xi32>], vector<16xf32>,
      %add3A_638 = arith.constant 16 : i32
      %add3A_639 = vector.broadcast %add3A_638 : i32 to vector<16xi32>
      %add3A_640 = arith.addi %iota3A, %add3A_639 : vector<16xi32>
      %gather3A_641 = tpu.vector_load_idx %arg8[%broadcast_in_dim3A_636, %add3A_640, %broadcast_in_dim3A_634] : memref<4x32x128xf32, #tpu.memory_space<vmem>>[vector<16xi32>, vector<16xi32>, vector<16xi32>], vector<16xf32>,
      %swap3A_642 = arith.constant 3 : i32
      %swap3A_643 = arith.index_cast %swap3A_642 : i32 to index
      %swap3A_644 = arith.constant 0 : index
      %swap3A_645 = tpu.vector_load %arg12[%swap3A_643, %swap3A_644] {strides = array<i32>} : memref<4x32xf32, #tpu.memory_space<vmem>>, vector<16xf32>,
      tpu.vector_store %arg12[%swap3A_643, %swap3A_644], %gather3A_637 {strides = array<i32>} : memref<4x32xf32, #tpu.memory_space<vmem>>, vector<16xf32>,
      %swap3A_646 = arith.constant 3 : i32
      %swap3A_647 = arith.index_cast %swap3A_646 : i32 to index
      %swap3A_648 = arith.constant 16 : index
      %swap3A_649 = tpu.vector_load %arg12[%swap3A_647, %swap3A_648] {strides = array<i32>} : memref<4x32xf32, #tpu.memory_space<vmem>>, vector<16xf32>,
      tpu.vector_store %arg12[%swap3A_647, %swap3A_648], %gather3A_641 {strides = array<i32>} : memref<4x32xf32, #tpu.memory_space<vmem>>, vector<16xf32>,
      %mul3A_650 = arith.constant 4 : i32
      %mul3A_651 = arith.muli %add3A_500, %mul3A_650 : i32
      %add3A_652 = arith.addi %mul3A_2, %mul3A_651 : i32
      %dma_start3A_653 = arith.constant 0 : i32
      %dma_start3A_654 = tpu.memref_slice %arg4[%add3A_652, %dma_start3A_653] : memref<16384x32xf32, #tpu.memory_space<hbm>> -> memref<4x32xf32, #tpu.memory_space<hbm>>
      %dma_start3A_655 = arith.constant 0 : i32
      %dma_start3A_656 = tpu.memref_slice %arg4[%add3A_652, %dma_start3A_655] : memref<16384x32xf32, #tpu.memory_space<hbm>> -> memref<4x32xf32, #tpu.memory_space<hbm>>
      tpu.enqueue_dma source(%arg12 : memref<4x32xf32, #tpu.memory_space<vmem>>) target(%dma_start3A_656 : memref<4x32xf32, #tpu.memory_space<hbm>>) target_semaphore(%arg19 : memref<!tpu.dma_semaphore, #tpu.memory_space<semaphore_mem>>)
      %add3A_657 = arith.constant 4 : i32
      %add3A_658 = arith.addi %add3A_500, %add3A_657 : i32
      %lt3A_659 = arith.constant 128 : i32
      %lt3A_660 = arith.cmpi slt, %add3A_658, %lt3A_659 : i32
      %convert_element_type3A_661 = arith.extui %lt3A_660 : i1 to i32
      %cond3A_662 = arith.constant 0 : i32
      %cond3A_663 = arith.cmpi ne, %convert_element_type3A_661, %cond3A_662 : i32
      scf.if %cond3A_663 {
        %add3A_998 = arith.constant 4 : i32
        %add3A_999 = arith.addi %add3A_500, %add3A_998 : i32
        %mul3A_1000 = arith.constant 16 : i32
        %mul3A_1001 = arith.muli %add3A_999, %mul3A_1000 : i32
        %get3A_1002 = arith.index_cast %mul3A_1001 : i32 to index
        %get3A_1003 = tpu.vector_load %arg6[%get3A_1002] {strides = array<i32>} : memref<2048xi32, #tpu.memory_space<vmem>>, vector<16xi32>,
        %slice3A_1004 = vector.extract_strided_slice %get3A_1003 {offsets = [0], sizes = [1], strides = [1]} : vector<16xi32> to vector<1xi32>
        %squeeze3A_1005 = vector.extract %slice3A_1004[0] : i32 from vector<1xi32>
        %and3A_1006 = arith.constant -128 : i32
        %and3A_1007 = arith.andi %squeeze3A_1005, %and3A_1006 : i32
        %multiple_of3A_1008 = tpu.assume_multiple %and3A_1007, 128 : i32
        %dma_start3A_1009 = arith.constant 0 : i32
        %dma_start3A_1010 = arith.constant 0 : i32
        %dma_start3A_1011 = arith.constant 0 : i32
        %dma_start3A_1012 = tpu.memref_slice %arg8[%dma_start3A_1009, %dma_start3A_1010, %dma_start3A_1011] : memref<4x32x128xf32, #tpu.memory_space<vmem>> -> memref<1x32x128xf32, #tpu.memory_space<vmem>>
        %dma_start3A_1013 = tpu.memref_squeeze %dma_start3A_1012 : memref<1x32x128xf32, #tpu.memory_space<vmem>> -> memref<32x128xf32, #tpu.memory_space<vmem>>
        %dma_start3A_1014 = arith.constant 0 : i32
        %dma_start3A_1015 = tpu.memref_slice %arg3[%dma_start3A_1014, %multiple_of3A_1008] : memref<32x1000000xf32, #tpu.memory_space<hbm>> -> memref<32x128xf32, #tpu.memory_space<hbm>>
        %dma_start3A_1016 = arith.constant 0 : i32
        %dma_start3A_1017 = arith.constant 0 : i32
        %dma_start3A_1018 = tpu.memref_slice %arg8[%dma_start3A_1009, %dma_start3A_1016, %dma_start3A_1017] : memref<4x32x128xf32, #tpu.memory_space<vmem>> -> memref<1x32x128xf32, #tpu.memory_space<vmem>>
        %dma_start3A_1019 = tpu.memref_squeeze %dma_start3A_1018 : memref<1x32x128xf32, #tpu.memory_space<vmem>> -> memref<32x128xf32, #tpu.memory_space<vmem>>
        %dma_start3A_1020 = arith.constant 0 : i32
        %dma_start3A_1021 = tpu.memref_slice %arg3[%dma_start3A_1020, %multiple_of3A_1008] : memref<32x1000000xf32, #tpu.memory_space<hbm>> -> memref<32x128xf32, #tpu.memory_space<hbm>>
        tpu.enqueue_dma source(%dma_start3A_1021 : memref<32x128xf32, #tpu.memory_space<hbm>>) target(%dma_start3A_1019 : memref<32x128xf32, #tpu.memory_space<vmem>>) target_semaphore(%arg16 : memref<!tpu.dma_semaphore, #tpu.memory_space<semaphore_mem>>)
        %slice3A_1022 = vector.extract_strided_slice %get3A_1003 {offsets = [1], sizes = [1], strides = [1]} : vector<16xi32> to vector<1xi32>
        %squeeze3A_1023 = vector.extract %slice3A_1022[0] : i32 from vector<1xi32>
        %and3A_1024 = arith.constant -128 : i32
        %and3A_1025 = arith.andi %squeeze3A_1023, %and3A_1024 : i32
        %multiple_of3A_1026 = tpu.assume_multiple %and3A_1025, 128 : i32
        %dma_start3A_1027 = arith.constant 1 : i32
        %dma_start3A_1028 = arith.constant 0 : i32
        %dma_start3A_1029 = arith.constant 0 : i32
        %dma_start3A_1030 = tpu.memref_slice %arg8[%dma_start3A_1027, %dma_start3A_1028, %dma_start3A_1029] : memref<4x32x128xf32, #tpu.memory_space<vmem>> -> memref<1x32x128xf32, #tpu.memory_space<vmem>>
        %dma_start3A_1031 = tpu.memref_squeeze %dma_start3A_1030 : memref<1x32x128xf32, #tpu.memory_space<vmem>> -> memref<32x128xf32, #tpu.memory_space<vmem>>
        %dma_start3A_1032 = arith.constant 0 : i32
        %dma_start3A_1033 = tpu.memref_slice %arg3[%dma_start3A_1032, %multiple_of3A_1026] : memref<32x1000000xf32, #tpu.memory_space<hbm>> -> memref<32x128xf32, #tpu.memory_space<hbm>>
        %dma_start3A_1034 = arith.constant 0 : i32
        %dma_start3A_1035 = arith.constant 0 : i32
        %dma_start3A_1036 = tpu.memref_slice %arg8[%dma_start3A_1027, %dma_start3A_1034, %dma_start3A_1035] : memref<4x32x128xf32, #tpu.memory_space<vmem>> -> memref<1x32x128xf32, #tpu.memory_space<vmem>>
        %dma_start3A_1037 = tpu.memref_squeeze %dma_start3A_1036 : memref<1x32x128xf32, #tpu.memory_space<vmem>> -> memref<32x128xf32, #tpu.memory_space<vmem>>
        %dma_start3A_1038 = arith.constant 0 : i32
        %dma_start3A_1039 = tpu.memref_slice %arg3[%dma_start3A_1038, %multiple_of3A_1026] : memref<32x1000000xf32, #tpu.memory_space<hbm>> -> memref<32x128xf32, #tpu.memory_space<hbm>>
        tpu.enqueue_dma source(%dma_start3A_1039 : memref<32x128xf32, #tpu.memory_space<hbm>>) target(%dma_start3A_1037 : memref<32x128xf32, #tpu.memory_space<vmem>>) target_semaphore(%arg16 : memref<!tpu.dma_semaphore, #tpu.memory_space<semaphore_mem>>)
        %slice3A_1040 = vector.extract_strided_slice %get3A_1003 {offsets = [2], sizes = [1], strides = [1]} : vector<16xi32> to vector<1xi32>
        %squeeze3A_1041 = vector.extract %slice3A_1040[0] : i32 from vector<1xi32>
        %and3A_1042 = arith.constant -128 : i32
        %and3A_1043 = arith.andi %squeeze3A_1041, %and3A_1042 : i32
        %multiple_of3A_1044 = tpu.assume_multiple %and3A_1043, 128 : i32
        %dma_start3A_1045 = arith.constant 2 : i32
        %dma_start3A_1046 = arith.constant 0 : i32
        %dma_start3A_1047 = arith.constant 0 : i32
        %dma_start3A_1048 = tpu.memref_slice %arg8[%dma_start3A_1045, %dma_start3A_1046, %dma_start3A_1047] : memref<4x32x128xf32, #tpu.memory_space<vmem>> -> memref<1x32x128xf32, #tpu.memory_space<vmem>>
        %dma_start3A_1049 = tpu.memref_squeeze %dma_start3A_1048 : memref<1x32x128xf32, #tpu.memory_space<vmem>> -> memref<32x128xf32, #tpu.memory_space<vmem>>
        %dma_start3A_1050 = arith.constant 0 : i32
        %dma_start3A_1051 = tpu.memref_slice %arg3[%dma_start3A_1050, %multiple_of3A_1044] : memref<32x1000000xf32, #tpu.memory_space<hbm>> -> memref<32x128xf32, #tpu.memory_space<hbm>>
        %dma_start3A_1052 = arith.constant 0 : i32
        %dma_start3A_1053 = arith.constant 0 : i32
        %dma_start3A_1054 = tpu.memref_slice %arg8[%dma_start3A_1045, %dma_start3A_1052, %dma_start3A_1053] : memref<4x32x128xf32, #tpu.memory_space<vmem>> -> memref<1x32x128xf32, #tpu.memory_space<vmem>>
        %dma_start3A_1055 = tpu.memref_squeeze %dma_start3A_1054 : memref<1x32x128xf32, #tpu.memory_space<vmem>> -> memref<32x128xf32, #tpu.memory_space<vmem>>
        %dma_start3A_1056 = arith.constant 0 : i32
        %dma_start3A_1057 = tpu.memref_slice %arg3[%dma_start3A_1056, %multiple_of3A_1044] : memref<32x1000000xf32, #tpu.memory_space<hbm>> -> memref<32x128xf32, #tpu.memory_space<hbm>>
        tpu.enqueue_dma source(%dma_start3A_1057 : memref<32x128xf32, #tpu.memory_space<hbm>>) target(%dma_start3A_1055 : memref<32x128xf32, #tpu.memory_space<vmem>>) target_semaphore(%arg16 : memref<!tpu.dma_semaphore, #tpu.memory_space<semaphore_mem>>)
        %slice3A_1058 = vector.extract_strided_slice %get3A_1003 {offsets = [3], sizes = [1], strides = [1]} : vector<16xi32> to vector<1xi32>
        %squeeze3A_1059 = vector.extract %slice3A_1058[0] : i32 from vector<1xi32>
        %and3A_1060 = arith.constant -128 : i32
        %and3A_1061 = arith.andi %squeeze3A_1059, %and3A_1060 : i32
        %multiple_of3A_1062 = tpu.assume_multiple %and3A_1061, 128 : i32
        %dma_start3A_1063 = arith.constant 3 : i32
        %dma_start3A_1064 = arith.constant 0 : i32
        %dma_start3A_1065 = arith.constant 0 : i32
        %dma_start3A_1066 = tpu.memref_slice %arg8[%dma_start3A_1063, %dma_start3A_1064, %dma_start3A_1065] : memref<4x32x128xf32, #tpu.memory_space<vmem>> -> memref<1x32x128xf32, #tpu.memory_space<vmem>>
        %dma_start3A_1067 = tpu.memref_squeeze %dma_start3A_1066 : memref<1x32x128xf32, #tpu.memory_space<vmem>> -> memref<32x128xf32, #tpu.memory_space<vmem>>
        %dma_start3A_1068 = arith.constant 0 : i32
        %dma_start3A_1069 = tpu.memref_slice %arg3[%dma_start3A_1068, %multiple_of3A_1062] : memref<32x1000000xf32, #tpu.memory_space<hbm>> -> memref<32x128xf32, #tpu.memory_space<hbm>>
        %dma_start3A_1070 = arith.constant 0 : i32
        %dma_start3A_1071 = arith.constant 0 : i32
        %dma_start3A_1072 = tpu.memref_slice %arg8[%dma_start3A_1063, %dma_start3A_1070, %dma_start3A_1071] : memref<4x32x128xf32, #tpu.memory_space<vmem>> -> memref<1x32x128xf32, #tpu.memory_space<vmem>>
        %dma_start3A_1073 = tpu.memref_squeeze %dma_start3A_1072 : memref<1x32x128xf32, #tpu.memory_space<vmem>> -> memref<32x128xf32, #tpu.memory_space<vmem>>
        %dma_start3A_1074 = arith.constant 0 : i32
        %dma_start3A_1075 = tpu.memref_slice %arg3[%dma_start3A_1074, %multiple_of3A_1062] : memref<32x1000000xf32, #tpu.memory_space<hbm>> -> memref<32x128xf32, #tpu.memory_space<hbm>>
        tpu.enqueue_dma source(%dma_start3A_1075 : memref<32x128xf32, #tpu.memory_space<hbm>>) target(%dma_start3A_1073 : memref<32x128xf32, #tpu.memory_space<vmem>>) target_semaphore(%arg16 : memref<!tpu.dma_semaphore, #tpu.memory_space<semaphore_mem>>)
      } else {
      }
      %mul3A_664 = arith.constant 4 : i32
      %mul3A_665 = arith.muli %mul3A_664, %scan3A_336 : i32
      %add3A_666 = arith.constant 2 : i32
      %add3A_667 = arith.addi %mul3A_665, %add3A_666 : i32
      %ge3A_668 = arith.constant 4 : i32
      %ge3A_669 = arith.cmpi sge, %add3A_667, %ge3A_668 : i32
      %convert_element_type3A_670 = arith.extui %ge3A_669 : i1 to i32
      %cond3A_671 = arith.constant 0 : i32
      %cond3A_672 = arith.cmpi ne, %convert_element_type3A_670, %cond3A_671 : i32
      scf.if %cond3A_672 {
        %dma_wait3A_998 = arith.constant 0 : i32
        %dma_wait3A_999 = arith.constant 0 : i32
        %dma_wait3A_1000 = tpu.memref_slice %arg4[%dma_wait3A_998, %dma_wait3A_999] : memref<16384x32xf32, #tpu.memory_space<hbm>> -> memref<4x32xf32, #tpu.memory_space<hbm>>
        %dma_wait3A_1001 = arith.constant 0 : i32
        %dma_wait3A_1002 = arith.constant 0 : i32
        %dma_wait3A_1003 = tpu.memref_slice %arg4[%dma_wait3A_1001, %dma_wait3A_1002] : memref<16384x32xf32, #tpu.memory_space<hbm>> -> memref<4x32xf32, #tpu.memory_space<hbm>>
        tpu.wait_dma2 semaphore(%arg19 : memref<!tpu.dma_semaphore, #tpu.memory_space<semaphore_mem>>) src(%dma_wait3A_1003 : memref<4x32xf32, #tpu.memory_space<hbm>>) dst(%arg13 : memref<4x32xf32, #tpu.memory_space<vmem>>)
      } else {
      }
      %dma_wait3A_673 = arith.constant 0 : i32
      %dma_wait3A_674 = arith.constant 0 : i32
      %dma_wait3A_675 = arith.constant 0 : i32
      %dma_wait3A_676 = tpu.memref_slice %arg9[%dma_wait3A_673, %dma_wait3A_674, %dma_wait3A_675] : memref<4x32x128xf32, #tpu.memory_space<vmem>> -> memref<1x32x128xf32, #tpu.memory_space<vmem>>
      %dma_wait3A_677 = tpu.memref_squeeze %dma_wait3A_676 : memref<1x32x128xf32, #tpu.memory_space<vmem>> -> memref<32x128xf32, #tpu.memory_space<vmem>>
      %dma_wait3A_678 = arith.constant 0 : i32
      %dma_wait3A_679 = arith.constant 0 : i32
      %dma_wait3A_680 = tpu.memref_slice %arg3[%dma_wait3A_678, %dma_wait3A_679] : memref<32x1000000xf32, #tpu.memory_space<hbm>> -> memref<32x128xf32, #tpu.memory_space<hbm>>
      %dma_wait3A_681 = arith.constant 0 : i32
      %dma_wait3A_682 = arith.constant 0 : i32
      %dma_wait3A_683 = tpu.memref_slice %arg9[%dma_wait3A_673, %dma_wait3A_681, %dma_wait3A_682] : memref<4x32x128xf32, #tpu.memory_space<vmem>> -> memref<1x32x128xf32, #tpu.memory_space<vmem>>
      %dma_wait3A_684 = tpu.memref_squeeze %dma_wait3A_683 : memref<1x32x128xf32, #tpu.memory_space<vmem>> -> memref<32x128xf32, #tpu.memory_space<vmem>>
      %dma_wait3A_685 = arith.constant 0 : i32
      %dma_wait3A_686 = arith.constant 0 : i32
      %dma_wait3A_687 = tpu.memref_slice %arg3[%dma_wait3A_685, %dma_wait3A_686] : memref<32x1000000xf32, #tpu.memory_space<hbm>> -> memref<32x128xf32, #tpu.memory_space<hbm>>
      tpu.wait_dma2 semaphore(%arg17 : memref<!tpu.dma_semaphore, #tpu.memory_space<semaphore_mem>>) src(%dma_wait3A_687 : memref<32x128xf32, #tpu.memory_space<hbm>>) dst(%dma_wait3A_684 : memref<32x128xf32, #tpu.memory_space<vmem>>)
      %dma_wait3A_688 = arith.constant 1 : i32
      %dma_wait3A_689 = arith.constant 0 : i32
      %dma_wait3A_690 = arith.constant 0 : i32
      %dma_wait3A_691 = tpu.memref_slice %arg9[%dma_wait3A_688, %dma_wait3A_689, %dma_wait3A_690] : memref<4x32x128xf32, #tpu.memory_space<vmem>> -> memref<1x32x128xf32, #tpu.memory_space<vmem>>
      %dma_wait3A_692 = tpu.memref_squeeze %dma_wait3A_691 : memref<1x32x128xf32, #tpu.memory_space<vmem>> -> memref<32x128xf32, #tpu.memory_space<vmem>>
      %dma_wait3A_693 = arith.constant 0 : i32
      %dma_wait3A_694 = arith.constant 0 : i32
      %dma_wait3A_695 = tpu.memref_slice %arg3[%dma_wait3A_693, %dma_wait3A_694] : memref<32x1000000xf32, #tpu.memory_space<hbm>> -> memref<32x128xf32, #tpu.memory_space<hbm>>
      %dma_wait3A_696 = arith.constant 0 : i32
      %dma_wait3A_697 = arith.constant 0 : i32
      %dma_wait3A_698 = tpu.memref_slice %arg9[%dma_wait3A_688, %dma_wait3A_696, %dma_wait3A_697] : memref<4x32x128xf32, #tpu.memory_space<vmem>> -> memref<1x32x128xf32, #tpu.memory_space<vmem>>
      %dma_wait3A_699 = tpu.memref_squeeze %dma_wait3A_698 : memref<1x32x128xf32, #tpu.memory_space<vmem>> -> memref<32x128xf32, #tpu.memory_space<vmem>>
      %dma_wait3A_700 = arith.constant 0 : i32
      %dma_wait3A_701 = arith.constant 0 : i32
      %dma_wait3A_702 = tpu.memref_slice %arg3[%dma_wait3A_700, %dma_wait3A_701] : memref<32x1000000xf32, #tpu.memory_space<hbm>> -> memref<32x128xf32, #tpu.memory_space<hbm>>
      tpu.wait_dma2 semaphore(%arg17 : memref<!tpu.dma_semaphore, #tpu.memory_space<semaphore_mem>>) src(%dma_wait3A_702 : memref<32x128xf32, #tpu.memory_space<hbm>>) dst(%dma_wait3A_699 : memref<32x128xf32, #tpu.memory_space<vmem>>)
      %dma_wait3A_703 = arith.constant 2 : i32
      %dma_wait3A_704 = arith.constant 0 : i32
      %dma_wait3A_705 = arith.constant 0 : i32
      %dma_wait3A_706 = tpu.memref_slice %arg9[%dma_wait3A_703, %dma_wait3A_704, %dma_wait3A_705] : memref<4x32x128xf32, #tpu.memory_space<vmem>> -> memref<1x32x128xf32, #tpu.memory_space<vmem>>
      %dma_wait3A_707 = tpu.memref_squeeze %dma_wait3A_706 : memref<1x32x128xf32, #tpu.memory_space<vmem>> -> memref<32x128xf32, #tpu.memory_space<vmem>>
      %dma_wait3A_708 = arith.constant 0 : i32
      %dma_wait3A_709 = arith.constant 0 : i32
      %dma_wait3A_710 = tpu.memref_slice %arg3[%dma_wait3A_708, %dma_wait3A_709] : memref<32x1000000xf32, #tpu.memory_space<hbm>> -> memref<32x128xf32, #tpu.memory_space<hbm>>
      %dma_wait3A_711 = arith.constant 0 : i32
      %dma_wait3A_712 = arith.constant 0 : i32
      %dma_wait3A_713 = tpu.memref_slice %arg9[%dma_wait3A_703, %dma_wait3A_711, %dma_wait3A_712] : memref<4x32x128xf32, #tpu.memory_space<vmem>> -> memref<1x32x128xf32, #tpu.memory_space<vmem>>
      %dma_wait3A_714 = tpu.memref_squeeze %dma_wait3A_713 : memref<1x32x128xf32, #tpu.memory_space<vmem>> -> memref<32x128xf32, #tpu.memory_space<vmem>>
      %dma_wait3A_715 = arith.constant 0 : i32
      %dma_wait3A_716 = arith.constant 0 : i32
      %dma_wait3A_717 = tpu.memref_slice %arg3[%dma_wait3A_715, %dma_wait3A_716] : memref<32x1000000xf32, #tpu.memory_space<hbm>> -> memref<32x128xf32, #tpu.memory_space<hbm>>
      tpu.wait_dma2 semaphore(%arg17 : memref<!tpu.dma_semaphore, #tpu.memory_space<semaphore_mem>>) src(%dma_wait3A_717 : memref<32x128xf32, #tpu.memory_space<hbm>>) dst(%dma_wait3A_714 : memref<32x128xf32, #tpu.memory_space<vmem>>)
      %dma_wait3A_718 = arith.constant 3 : i32
      %dma_wait3A_719 = arith.constant 0 : i32
      %dma_wait3A_720 = arith.constant 0 : i32
      %dma_wait3A_721 = tpu.memref_slice %arg9[%dma_wait3A_718, %dma_wait3A_719, %dma_wait3A_720] : memref<4x32x128xf32, #tpu.memory_space<vmem>> -> memref<1x32x128xf32, #tpu.memory_space<vmem>>
      %dma_wait3A_722 = tpu.memref_squeeze %dma_wait3A_721 : memref<1x32x128xf32, #tpu.memory_space<vmem>> -> memref<32x128xf32, #tpu.memory_space<vmem>>
      %dma_wait3A_723 = arith.constant 0 : i32
      %dma_wait3A_724 = arith.constant 0 : i32
      %dma_wait3A_725 = tpu.memref_slice %arg3[%dma_wait3A_723, %dma_wait3A_724] : memref<32x1000000xf32, #tpu.memory_space<hbm>> -> memref<32x128xf32, #tpu.memory_space<hbm>>
      %dma_wait3A_726 = arith.constant 0 : i32
      %dma_wait3A_727 = arith.constant 0 : i32
      %dma_wait3A_728 = tpu.memref_slice %arg9[%dma_wait3A_718, %dma_wait3A_726, %dma_wait3A_727] : memref<4x32x128xf32, #tpu.memory_space<vmem>> -> memref<1x32x128xf32, #tpu.memory_space<vmem>>
      %dma_wait3A_729 = tpu.memref_squeeze %dma_wait3A_728 : memref<1x32x128xf32, #tpu.memory_space<vmem>> -> memref<32x128xf32, #tpu.memory_space<vmem>>
      %dma_wait3A_730 = arith.constant 0 : i32
      %dma_wait3A_731 = arith.constant 0 : i32
      %dma_wait3A_732 = tpu.memref_slice %arg3[%dma_wait3A_730, %dma_wait3A_731] : memref<32x1000000xf32, #tpu.memory_space<hbm>> -> memref<32x128xf32, #tpu.memory_space<hbm>>
      tpu.wait_dma2 semaphore(%arg17 : memref<!tpu.dma_semaphore, #tpu.memory_space<semaphore_mem>>) src(%dma_wait3A_732 : memref<32x128xf32, #tpu.memory_space<hbm>>) dst(%dma_wait3A_729 : memref<32x128xf32, #tpu.memory_space<vmem>>)
      %mul3A_733 = arith.constant 16 : i32
      %mul3A_734 = arith.muli %add3A_667, %mul3A_733 : i32
      %get3A_735 = arith.index_cast %mul3A_734 : i32 to index
      %get3A_736 = tpu.vector_load %arg6[%get3A_735] {strides = array<i32>} : memref<2048xi32, #tpu.memory_space<vmem>>, vector<16xi32>,
      %slice3A_737 = vector.extract_strided_slice %get3A_736 {offsets = [0], sizes = [1], strides = [1]} : vector<16xi32> to vector<1xi32>
      %squeeze3A_738 = vector.extract %slice3A_737[0] : i32 from vector<1xi32>
      %and3A_739 = arith.constant 127 : i32
      %and3A_740 = arith.andi %squeeze3A_738, %and3A_739 : i32
      %broadcast_in_dim3A_741 = vector.broadcast %and3A_740 : i32 to vector<16xi32>
      %broadcast_in_dim3A_742 = arith.constant 0 : i32
      %broadcast_in_dim3A_743 = vector.broadcast %broadcast_in_dim3A_742 : i32 to vector<16xi32>
      %gather3A_744 = tpu.vector_load_idx %arg9[%broadcast_in_dim3A_743, %iota3A, %broadcast_in_dim3A_741] : memref<4x32x128xf32, #tpu.memory_space<vmem>>[vector<16xi32>, vector<16xi32>, vector<16xi32>], vector<16xf32>,
      %add3A_745 = arith.constant 16 : i32
      %add3A_746 = vector.broadcast %add3A_745 : i32 to vector<16xi32>
      %add3A_747 = arith.addi %iota3A, %add3A_746 : vector<16xi32>
      %gather3A_748 = tpu.vector_load_idx %arg9[%broadcast_in_dim3A_743, %add3A_747, %broadcast_in_dim3A_741] : memref<4x32x128xf32, #tpu.memory_space<vmem>>[vector<16xi32>, vector<16xi32>, vector<16xi32>], vector<16xf32>,
      %swap3A_749 = arith.constant 0 : i32
      %swap3A_750 = arith.index_cast %swap3A_749 : i32 to index
      %swap3A_751 = arith.constant 0 : index
      %swap3A_752 = tpu.vector_load %arg13[%swap3A_750, %swap3A_751] {strides = array<i32>} : memref<4x32xf32, #tpu.memory_space<vmem>>, vector<16xf32>,
      tpu.vector_store %arg13[%swap3A_750, %swap3A_751], %gather3A_744 {strides = array<i32>} : memref<4x32xf32, #tpu.memory_space<vmem>>, vector<16xf32>,
      %swap3A_753 = arith.constant 0 : i32
      %swap3A_754 = arith.index_cast %swap3A_753 : i32 to index
      %swap3A_755 = arith.constant 16 : index
      %swap3A_756 = tpu.vector_load %arg13[%swap3A_754, %swap3A_755] {strides = array<i32>} : memref<4x32xf32, #tpu.memory_space<vmem>>, vector<16xf32>,
      tpu.vector_store %arg13[%swap3A_754, %swap3A_755], %gather3A_748 {strides = array<i32>} : memref<4x32xf32, #tpu.memory_space<vmem>>, vector<16xf32>,
      %slice3A_757 = vector.extract_strided_slice %get3A_736 {offsets = [1], sizes = [1], strides = [1]} : vector<16xi32> to vector<1xi32>
      %squeeze3A_758 = vector.extract %slice3A_757[0] : i32 from vector<1xi32>
      %and3A_759 = arith.constant 127 : i32
      %and3A_760 = arith.andi %squeeze3A_758, %and3A_759 : i32
      %broadcast_in_dim3A_761 = vector.broadcast %and3A_760 : i32 to vector<16xi32>
      %broadcast_in_dim3A_762 = arith.constant 1 : i32
      %broadcast_in_dim3A_763 = vector.broadcast %broadcast_in_dim3A_762 : i32 to vector<16xi32>
      %gather3A_764 = tpu.vector_load_idx %arg9[%broadcast_in_dim3A_763, %iota3A, %broadcast_in_dim3A_761] : memref<4x32x128xf32, #tpu.memory_space<vmem>>[vector<16xi32>, vector<16xi32>, vector<16xi32>], vector<16xf32>,
      %add3A_765 = arith.constant 16 : i32
      %add3A_766 = vector.broadcast %add3A_765 : i32 to vector<16xi32>
      %add3A_767 = arith.addi %iota3A, %add3A_766 : vector<16xi32>
      %gather3A_768 = tpu.vector_load_idx %arg9[%broadcast_in_dim3A_763, %add3A_767, %broadcast_in_dim3A_761] : memref<4x32x128xf32, #tpu.memory_space<vmem>>[vector<16xi32>, vector<16xi32>, vector<16xi32>], vector<16xf32>,
      %swap3A_769 = arith.constant 1 : i32
      %swap3A_770 = arith.index_cast %swap3A_769 : i32 to index
      %swap3A_771 = arith.constant 0 : index
      %swap3A_772 = tpu.vector_load %arg13[%swap3A_770, %swap3A_771] {strides = array<i32>} : memref<4x32xf32, #tpu.memory_space<vmem>>, vector<16xf32>,
      tpu.vector_store %arg13[%swap3A_770, %swap3A_771], %gather3A_764 {strides = array<i32>} : memref<4x32xf32, #tpu.memory_space<vmem>>, vector<16xf32>,
      %swap3A_773 = arith.constant 1 : i32
      %swap3A_774 = arith.index_cast %swap3A_773 : i32 to index
      %swap3A_775 = arith.constant 16 : index
      %swap3A_776 = tpu.vector_load %arg13[%swap3A_774, %swap3A_775] {strides = array<i32>} : memref<4x32xf32, #tpu.memory_space<vmem>>, vector<16xf32>,
      tpu.vector_store %arg13[%swap3A_774, %swap3A_775], %gather3A_768 {strides = array<i32>} : memref<4x32xf32, #tpu.memory_space<vmem>>, vector<16xf32>,
      %slice3A_777 = vector.extract_strided_slice %get3A_736 {offsets = [2], sizes = [1], strides = [1]} : vector<16xi32> to vector<1xi32>
      %squeeze3A_778 = vector.extract %slice3A_777[0] : i32 from vector<1xi32>
      %and3A_779 = arith.constant 127 : i32
      %and3A_780 = arith.andi %squeeze3A_778, %and3A_779 : i32
      %broadcast_in_dim3A_781 = vector.broadcast %and3A_780 : i32 to vector<16xi32>
      %broadcast_in_dim3A_782 = arith.constant 2 : i32
      %broadcast_in_dim3A_783 = vector.broadcast %broadcast_in_dim3A_782 : i32 to vector<16xi32>
      %gather3A_784 = tpu.vector_load_idx %arg9[%broadcast_in_dim3A_783, %iota3A, %broadcast_in_dim3A_781] : memref<4x32x128xf32, #tpu.memory_space<vmem>>[vector<16xi32>, vector<16xi32>, vector<16xi32>], vector<16xf32>,
      %add3A_785 = arith.constant 16 : i32
      %add3A_786 = vector.broadcast %add3A_785 : i32 to vector<16xi32>
      %add3A_787 = arith.addi %iota3A, %add3A_786 : vector<16xi32>
      %gather3A_788 = tpu.vector_load_idx %arg9[%broadcast_in_dim3A_783, %add3A_787, %broadcast_in_dim3A_781] : memref<4x32x128xf32, #tpu.memory_space<vmem>>[vector<16xi32>, vector<16xi32>, vector<16xi32>], vector<16xf32>,
      %swap3A_789 = arith.constant 2 : i32
      %swap3A_790 = arith.index_cast %swap3A_789 : i32 to index
      %swap3A_791 = arith.constant 0 : index
      %swap3A_792 = tpu.vector_load %arg13[%swap3A_790, %swap3A_791] {strides = array<i32>} : memref<4x32xf32, #tpu.memory_space<vmem>>, vector<16xf32>,
      tpu.vector_store %arg13[%swap3A_790, %swap3A_791], %gather3A_784 {strides = array<i32>} : memref<4x32xf32, #tpu.memory_space<vmem>>, vector<16xf32>,
      %swap3A_793 = arith.constant 2 : i32
      %swap3A_794 = arith.index_cast %swap3A_793 : i32 to index
      %swap3A_795 = arith.constant 16 : index
      %swap3A_796 = tpu.vector_load %arg13[%swap3A_794, %swap3A_795] {strides = array<i32>} : memref<4x32xf32, #tpu.memory_space<vmem>>, vector<16xf32>,
      tpu.vector_store %arg13[%swap3A_794, %swap3A_795], %gather3A_788 {strides = array<i32>} : memref<4x32xf32, #tpu.memory_space<vmem>>, vector<16xf32>,
      %slice3A_797 = vector.extract_strided_slice %get3A_736 {offsets = [3], sizes = [1], strides = [1]} : vector<16xi32> to vector<1xi32>
      %squeeze3A_798 = vector.extract %slice3A_797[0] : i32 from vector<1xi32>
      %and3A_799 = arith.constant 127 : i32
      %and3A_800 = arith.andi %squeeze3A_798, %and3A_799 : i32
      %broadcast_in_dim3A_801 = vector.broadcast %and3A_800 : i32 to vector<16xi32>
      %broadcast_in_dim3A_802 = arith.constant 3 : i32
      %broadcast_in_dim3A_803 = vector.broadcast %broadcast_in_dim3A_802 : i32 to vector<16xi32>
      %gather3A_804 = tpu.vector_load_idx %arg9[%broadcast_in_dim3A_803, %iota3A, %broadcast_in_dim3A_801] : memref<4x32x128xf32, #tpu.memory_space<vmem>>[vector<16xi32>, vector<16xi32>, vector<16xi32>], vector<16xf32>,
      %add3A_805 = arith.constant 16 : i32
      %add3A_806 = vector.broadcast %add3A_805 : i32 to vector<16xi32>
      %add3A_807 = arith.addi %iota3A, %add3A_806 : vector<16xi32>
      %gather3A_808 = tpu.vector_load_idx %arg9[%broadcast_in_dim3A_803, %add3A_807, %broadcast_in_dim3A_801] : memref<4x32x128xf32, #tpu.memory_space<vmem>>[vector<16xi32>, vector<16xi32>, vector<16xi32>], vector<16xf32>,
      %swap3A_809 = arith.constant 3 : i32
      %swap3A_810 = arith.index_cast %swap3A_809 : i32 to index
      %swap3A_811 = arith.constant 0 : index
      %swap3A_812 = tpu.vector_load %arg13[%swap3A_810, %swap3A_811] {strides = array<i32>} : memref<4x32xf32, #tpu.memory_space<vmem>>, vector<16xf32>,
      tpu.vector_store %arg13[%swap3A_810, %swap3A_811], %gather3A_804 {strides = array<i32>} : memref<4x32xf32, #tpu.memory_space<vmem>>, vector<16xf32>,
      %swap3A_813 = arith.constant 3 : i32
      %swap3A_814 = arith.index_cast %swap3A_813 : i32 to index
      %swap3A_815 = arith.constant 16 : index
      %swap3A_816 = tpu.vector_load %arg13[%swap3A_814, %swap3A_815] {strides = array<i32>} : memref<4x32xf32, #tpu.memory_space<vmem>>, vector<16xf32>,
      tpu.vector_store %arg13[%swap3A_814, %swap3A_815], %gather3A_808 {strides = array<i32>} : memref<4x32xf32, #tpu.memory_space<vmem>>, vector<16xf32>,
      %mul3A_817 = arith.constant 4 : i32
      %mul3A_818 = arith.muli %add3A_667, %mul3A_817 : i32
      %add3A_819 = arith.addi %mul3A_2, %mul3A_818 : i32
      %dma_start3A_820 = arith.constant 0 : i32
      %dma_start3A_821 = tpu.memref_slice %arg4[%add3A_819, %dma_start3A_820] : memref<16384x32xf32, #tpu.memory_space<hbm>> -> memref<4x32xf32, #tpu.memory_space<hbm>>
      %dma_start3A_822 = arith.constant 0 : i32
      %dma_start3A_823 = tpu.memref_slice %arg4[%add3A_819, %dma_start3A_822] : memref<16384x32xf32, #tpu.memory_space<hbm>> -> memref<4x32xf32, #tpu.memory_space<hbm>>
      tpu.enqueue_dma source(%arg13 : memref<4x32xf32, #tpu.memory_space<vmem>>) target(%dma_start3A_823 : memref<4x32xf32, #tpu.memory_space<hbm>>) target_semaphore(%arg19 : memref<!tpu.dma_semaphore, #tpu.memory_space<semaphore_mem>>)
      %add3A_824 = arith.constant 4 : i32
      %add3A_825 = arith.addi %add3A_667, %add3A_824 : i32
      %lt3A_826 = arith.constant 128 : i32
      %lt3A_827 = arith.cmpi slt, %add3A_825, %lt3A_826 : i32
      %convert_element_type3A_828 = arith.extui %lt3A_827 : i1 to i32
      %cond3A_829 = arith.constant 0 : i32
      %cond3A_830 = arith.cmpi ne, %convert_element_type3A_828, %cond3A_829 : i32
      scf.if %cond3A_830 {
        %add3A_998 = arith.constant 4 : i32
        %add3A_999 = arith.addi %add3A_667, %add3A_998 : i32
        %mul3A_1000 = arith.constant 16 : i32
        %mul3A_1001 = arith.muli %add3A_999, %mul3A_1000 : i32
        %get3A_1002 = arith.index_cast %mul3A_1001 : i32 to index
        %get3A_1003 = tpu.vector_load %arg6[%get3A_1002] {strides = array<i32>} : memref<2048xi32, #tpu.memory_space<vmem>>, vector<16xi32>,
        %slice3A_1004 = vector.extract_strided_slice %get3A_1003 {offsets = [0], sizes = [1], strides = [1]} : vector<16xi32> to vector<1xi32>
        %squeeze3A_1005 = vector.extract %slice3A_1004[0] : i32 from vector<1xi32>
        %and3A_1006 = arith.constant -128 : i32
        %and3A_1007 = arith.andi %squeeze3A_1005, %and3A_1006 : i32
        %multiple_of3A_1008 = tpu.assume_multiple %and3A_1007, 128 : i32
        %dma_start3A_1009 = arith.constant 0 : i32
        %dma_start3A_1010 = arith.constant 0 : i32
        %dma_start3A_1011 = arith.constant 0 : i32
        %dma_start3A_1012 = tpu.memref_slice %arg9[%dma_start3A_1009, %dma_start3A_1010, %dma_start3A_1011] : memref<4x32x128xf32, #tpu.memory_space<vmem>> -> memref<1x32x128xf32, #tpu.memory_space<vmem>>
        %dma_start3A_1013 = tpu.memref_squeeze %dma_start3A_1012 : memref<1x32x128xf32, #tpu.memory_space<vmem>> -> memref<32x128xf32, #tpu.memory_space<vmem>>
        %dma_start3A_1014 = arith.constant 0 : i32
        %dma_start3A_1015 = tpu.memref_slice %arg3[%dma_start3A_1014, %multiple_of3A_1008] : memref<32x1000000xf32, #tpu.memory_space<hbm>> -> memref<32x128xf32, #tpu.memory_space<hbm>>
        %dma_start3A_1016 = arith.constant 0 : i32
        %dma_start3A_1017 = arith.constant 0 : i32
        %dma_start3A_1018 = tpu.memref_slice %arg9[%dma_start3A_1009, %dma_start3A_1016, %dma_start3A_1017] : memref<4x32x128xf32, #tpu.memory_space<vmem>> -> memref<1x32x128xf32, #tpu.memory_space<vmem>>
        %dma_start3A_1019 = tpu.memref_squeeze %dma_start3A_1018 : memref<1x32x128xf32, #tpu.memory_space<vmem>> -> memref<32x128xf32, #tpu.memory_space<vmem>>
        %dma_start3A_1020 = arith.constant 0 : i32
        %dma_start3A_1021 = tpu.memref_slice %arg3[%dma_start3A_1020, %multiple_of3A_1008] : memref<32x1000000xf32, #tpu.memory_space<hbm>> -> memref<32x128xf32, #tpu.memory_space<hbm>>
        tpu.enqueue_dma source(%dma_start3A_1021 : memref<32x128xf32, #tpu.memory_space<hbm>>) target(%dma_start3A_1019 : memref<32x128xf32, #tpu.memory_space<vmem>>) target_semaphore(%arg17 : memref<!tpu.dma_semaphore, #tpu.memory_space<semaphore_mem>>)
        %slice3A_1022 = vector.extract_strided_slice %get3A_1003 {offsets = [1], sizes = [1], strides = [1]} : vector<16xi32> to vector<1xi32>
        %squeeze3A_1023 = vector.extract %slice3A_1022[0] : i32 from vector<1xi32>
        %and3A_1024 = arith.constant -128 : i32
        %and3A_1025 = arith.andi %squeeze3A_1023, %and3A_1024 : i32
        %multiple_of3A_1026 = tpu.assume_multiple %and3A_1025, 128 : i32
        %dma_start3A_1027 = arith.constant 1 : i32
        %dma_start3A_1028 = arith.constant 0 : i32
        %dma_start3A_1029 = arith.constant 0 : i32
        %dma_start3A_1030 = tpu.memref_slice %arg9[%dma_start3A_1027, %dma_start3A_1028, %dma_start3A_1029] : memref<4x32x128xf32, #tpu.memory_space<vmem>> -> memref<1x32x128xf32, #tpu.memory_space<vmem>>
        %dma_start3A_1031 = tpu.memref_squeeze %dma_start3A_1030 : memref<1x32x128xf32, #tpu.memory_space<vmem>> -> memref<32x128xf32, #tpu.memory_space<vmem>>
        %dma_start3A_1032 = arith.constant 0 : i32
        %dma_start3A_1033 = tpu.memref_slice %arg3[%dma_start3A_1032, %multiple_of3A_1026] : memref<32x1000000xf32, #tpu.memory_space<hbm>> -> memref<32x128xf32, #tpu.memory_space<hbm>>
        %dma_start3A_1034 = arith.constant 0 : i32
        %dma_start3A_1035 = arith.constant 0 : i32
        %dma_start3A_1036 = tpu.memref_slice %arg9[%dma_start3A_1027, %dma_start3A_1034, %dma_start3A_1035] : memref<4x32x128xf32, #tpu.memory_space<vmem>> -> memref<1x32x128xf32, #tpu.memory_space<vmem>>
        %dma_start3A_1037 = tpu.memref_squeeze %dma_start3A_1036 : memref<1x32x128xf32, #tpu.memory_space<vmem>> -> memref<32x128xf32, #tpu.memory_space<vmem>>
        %dma_start3A_1038 = arith.constant 0 : i32
        %dma_start3A_1039 = tpu.memref_slice %arg3[%dma_start3A_1038, %multiple_of3A_1026] : memref<32x1000000xf32, #tpu.memory_space<hbm>> -> memref<32x128xf32, #tpu.memory_space<hbm>>
        tpu.enqueue_dma source(%dma_start3A_1039 : memref<32x128xf32, #tpu.memory_space<hbm>>) target(%dma_start3A_1037 : memref<32x128xf32, #tpu.memory_space<vmem>>) target_semaphore(%arg17 : memref<!tpu.dma_semaphore, #tpu.memory_space<semaphore_mem>>)
        %slice3A_1040 = vector.extract_strided_slice %get3A_1003 {offsets = [2], sizes = [1], strides = [1]} : vector<16xi32> to vector<1xi32>
        %squeeze3A_1041 = vector.extract %slice3A_1040[0] : i32 from vector<1xi32>
        %and3A_1042 = arith.constant -128 : i32
        %and3A_1043 = arith.andi %squeeze3A_1041, %and3A_1042 : i32
        %multiple_of3A_1044 = tpu.assume_multiple %and3A_1043, 128 : i32
        %dma_start3A_1045 = arith.constant 2 : i32
        %dma_start3A_1046 = arith.constant 0 : i32
        %dma_start3A_1047 = arith.constant 0 : i32
        %dma_start3A_1048 = tpu.memref_slice %arg9[%dma_start3A_1045, %dma_start3A_1046, %dma_start3A_1047] : memref<4x32x128xf32, #tpu.memory_space<vmem>> -> memref<1x32x128xf32, #tpu.memory_space<vmem>>
        %dma_start3A_1049 = tpu.memref_squeeze %dma_start3A_1048 : memref<1x32x128xf32, #tpu.memory_space<vmem>> -> memref<32x128xf32, #tpu.memory_space<vmem>>
        %dma_start3A_1050 = arith.constant 0 : i32
        %dma_start3A_1051 = tpu.memref_slice %arg3[%dma_start3A_1050, %multiple_of3A_1044] : memref<32x1000000xf32, #tpu.memory_space<hbm>> -> memref<32x128xf32, #tpu.memory_space<hbm>>
        %dma_start3A_1052 = arith.constant 0 : i32
        %dma_start3A_1053 = arith.constant 0 : i32
        %dma_start3A_1054 = tpu.memref_slice %arg9[%dma_start3A_1045, %dma_start3A_1052, %dma_start3A_1053] : memref<4x32x128xf32, #tpu.memory_space<vmem>> -> memref<1x32x128xf32, #tpu.memory_space<vmem>>
        %dma_start3A_1055 = tpu.memref_squeeze %dma_start3A_1054 : memref<1x32x128xf32, #tpu.memory_space<vmem>> -> memref<32x128xf32, #tpu.memory_space<vmem>>
        %dma_start3A_1056 = arith.constant 0 : i32
        %dma_start3A_1057 = tpu.memref_slice %arg3[%dma_start3A_1056, %multiple_of3A_1044] : memref<32x1000000xf32, #tpu.memory_space<hbm>> -> memref<32x128xf32, #tpu.memory_space<hbm>>
        tpu.enqueue_dma source(%dma_start3A_1057 : memref<32x128xf32, #tpu.memory_space<hbm>>) target(%dma_start3A_1055 : memref<32x128xf32, #tpu.memory_space<vmem>>) target_semaphore(%arg17 : memref<!tpu.dma_semaphore, #tpu.memory_space<semaphore_mem>>)
        %slice3A_1058 = vector.extract_strided_slice %get3A_1003 {offsets = [3], sizes = [1], strides = [1]} : vector<16xi32> to vector<1xi32>
        %squeeze3A_1059 = vector.extract %slice3A_1058[0] : i32 from vector<1xi32>
        %and3A_1060 = arith.constant -128 : i32
        %and3A_1061 = arith.andi %squeeze3A_1059, %and3A_1060 : i32
        %multiple_of3A_1062 = tpu.assume_multiple %and3A_1061, 128 : i32
        %dma_start3A_1063 = arith.constant 3 : i32
        %dma_start3A_1064 = arith.constant 0 : i32
        %dma_start3A_1065 = arith.constant 0 : i32
        %dma_start3A_1066 = tpu.memref_slice %arg9[%dma_start3A_1063, %dma_start3A_1064, %dma_start3A_1065] : memref<4x32x128xf32, #tpu.memory_space<vmem>> -> memref<1x32x128xf32, #tpu.memory_space<vmem>>
        %dma_start3A_1067 = tpu.memref_squeeze %dma_start3A_1066 : memref<1x32x128xf32, #tpu.memory_space<vmem>> -> memref<32x128xf32, #tpu.memory_space<vmem>>
        %dma_start3A_1068 = arith.constant 0 : i32
        %dma_start3A_1069 = tpu.memref_slice %arg3[%dma_start3A_1068, %multiple_of3A_1062] : memref<32x1000000xf32, #tpu.memory_space<hbm>> -> memref<32x128xf32, #tpu.memory_space<hbm>>
        %dma_start3A_1070 = arith.constant 0 : i32
        %dma_start3A_1071 = arith.constant 0 : i32
        %dma_start3A_1072 = tpu.memref_slice %arg9[%dma_start3A_1063, %dma_start3A_1070, %dma_start3A_1071] : memref<4x32x128xf32, #tpu.memory_space<vmem>> -> memref<1x32x128xf32, #tpu.memory_space<vmem>>
        %dma_start3A_1073 = tpu.memref_squeeze %dma_start3A_1072 : memref<1x32x128xf32, #tpu.memory_space<vmem>> -> memref<32x128xf32, #tpu.memory_space<vmem>>
        %dma_start3A_1074 = arith.constant 0 : i32
        %dma_start3A_1075 = tpu.memref_slice %arg3[%dma_start3A_1074, %multiple_of3A_1062] : memref<32x1000000xf32, #tpu.memory_space<hbm>> -> memref<32x128xf32, #tpu.memory_space<hbm>>
        tpu.enqueue_dma source(%dma_start3A_1075 : memref<32x128xf32, #tpu.memory_space<hbm>>) target(%dma_start3A_1073 : memref<32x128xf32, #tpu.memory_space<vmem>>) target_semaphore(%arg17 : memref<!tpu.dma_semaphore, #tpu.memory_space<semaphore_mem>>)
      } else {
      }
      %mul3A_831 = arith.constant 4 : i32
      %mul3A_832 = arith.muli %mul3A_831, %scan3A_336 : i32
      %add3A_833 = arith.constant 3 : i32
      %add3A_834 = arith.addi %mul3A_832, %add3A_833 : i32
      %ge3A_835 = arith.constant 4 : i32
      %ge3A_836 = arith.cmpi sge, %add3A_834, %ge3A_835 : i32
      %convert_element_type3A_837 = arith.extui %ge3A_836 : i1 to i32
      %cond3A_838 = arith.constant 0 : i32
      %cond3A_839 = arith.cmpi ne, %convert_element_type3A_837, %cond3A_838 : i32
      scf.if %cond3A_839 {
        %dma_wait3A_998 = arith.constant 0 : i32
        %dma_wait3A_999 = arith.constant 0 : i32
        %dma_wait3A_1000 = tpu.memref_slice %arg4[%dma_wait3A_998, %dma_wait3A_999] : memref<16384x32xf32, #tpu.memory_space<hbm>> -> memref<4x32xf32, #tpu.memory_space<hbm>>
        %dma_wait3A_1001 = arith.constant 0 : i32
        %dma_wait3A_1002 = arith.constant 0 : i32
        %dma_wait3A_1003 = tpu.memref_slice %arg4[%dma_wait3A_1001, %dma_wait3A_1002] : memref<16384x32xf32, #tpu.memory_space<hbm>> -> memref<4x32xf32, #tpu.memory_space<hbm>>
        tpu.wait_dma2 semaphore(%arg19 : memref<!tpu.dma_semaphore, #tpu.memory_space<semaphore_mem>>) src(%dma_wait3A_1003 : memref<4x32xf32, #tpu.memory_space<hbm>>) dst(%arg14 : memref<4x32xf32, #tpu.memory_space<vmem>>)
      } else {
      }
      %dma_wait3A_840 = arith.constant 0 : i32
      %dma_wait3A_841 = arith.constant 0 : i32
      %dma_wait3A_842 = arith.constant 0 : i32
      %dma_wait3A_843 = tpu.memref_slice %arg10[%dma_wait3A_840, %dma_wait3A_841, %dma_wait3A_842] : memref<4x32x128xf32, #tpu.memory_space<vmem>> -> memref<1x32x128xf32, #tpu.memory_space<vmem>>
      %dma_wait3A_844 = tpu.memref_squeeze %dma_wait3A_843 : memref<1x32x128xf32, #tpu.memory_space<vmem>> -> memref<32x128xf32, #tpu.memory_space<vmem>>
      %dma_wait3A_845 = arith.constant 0 : i32
      %dma_wait3A_846 = arith.constant 0 : i32
      %dma_wait3A_847 = tpu.memref_slice %arg3[%dma_wait3A_845, %dma_wait3A_846] : memref<32x1000000xf32, #tpu.memory_space<hbm>> -> memref<32x128xf32, #tpu.memory_space<hbm>>
      %dma_wait3A_848 = arith.constant 0 : i32
      %dma_wait3A_849 = arith.constant 0 : i32
      %dma_wait3A_850 = tpu.memref_slice %arg10[%dma_wait3A_840, %dma_wait3A_848, %dma_wait3A_849] : memref<4x32x128xf32, #tpu.memory_space<vmem>> -> memref<1x32x128xf32, #tpu.memory_space<vmem>>
      %dma_wait3A_851 = tpu.memref_squeeze %dma_wait3A_850 : memref<1x32x128xf32, #tpu.memory_space<vmem>> -> memref<32x128xf32, #tpu.memory_space<vmem>>
      %dma_wait3A_852 = arith.constant 0 : i32
      %dma_wait3A_853 = arith.constant 0 : i32
      %dma_wait3A_854 = tpu.memref_slice %arg3[%dma_wait3A_852, %dma_wait3A_853] : memref<32x1000000xf32, #tpu.memory_space<hbm>> -> memref<32x128xf32, #tpu.memory_space<hbm>>
      tpu.wait_dma2 semaphore(%arg18 : memref<!tpu.dma_semaphore, #tpu.memory_space<semaphore_mem>>) src(%dma_wait3A_854 : memref<32x128xf32, #tpu.memory_space<hbm>>) dst(%dma_wait3A_851 : memref<32x128xf32, #tpu.memory_space<vmem>>)
      %dma_wait3A_855 = arith.constant 1 : i32
      %dma_wait3A_856 = arith.constant 0 : i32
      %dma_wait3A_857 = arith.constant 0 : i32
      %dma_wait3A_858 = tpu.memref_slice %arg10[%dma_wait3A_855, %dma_wait3A_856, %dma_wait3A_857] : memref<4x32x128xf32, #tpu.memory_space<vmem>> -> memref<1x32x128xf32, #tpu.memory_space<vmem>>
      %dma_wait3A_859 = tpu.memref_squeeze %dma_wait3A_858 : memref<1x32x128xf32, #tpu.memory_space<vmem>> -> memref<32x128xf32, #tpu.memory_space<vmem>>
      %dma_wait3A_860 = arith.constant 0 : i32
      %dma_wait3A_861 = arith.constant 0 : i32
      %dma_wait3A_862 = tpu.memref_slice %arg3[%dma_wait3A_860, %dma_wait3A_861] : memref<32x1000000xf32, #tpu.memory_space<hbm>> -> memref<32x128xf32, #tpu.memory_space<hbm>>
      %dma_wait3A_863 = arith.constant 0 : i32
      %dma_wait3A_864 = arith.constant 0 : i32
      %dma_wait3A_865 = tpu.memref_slice %arg10[%dma_wait3A_855, %dma_wait3A_863, %dma_wait3A_864] : memref<4x32x128xf32, #tpu.memory_space<vmem>> -> memref<1x32x128xf32, #tpu.memory_space<vmem>>
      %dma_wait3A_866 = tpu.memref_squeeze %dma_wait3A_865 : memref<1x32x128xf32, #tpu.memory_space<vmem>> -> memref<32x128xf32, #tpu.memory_space<vmem>>
      %dma_wait3A_867 = arith.constant 0 : i32
      %dma_wait3A_868 = arith.constant 0 : i32
      %dma_wait3A_869 = tpu.memref_slice %arg3[%dma_wait3A_867, %dma_wait3A_868] : memref<32x1000000xf32, #tpu.memory_space<hbm>> -> memref<32x128xf32, #tpu.memory_space<hbm>>
      tpu.wait_dma2 semaphore(%arg18 : memref<!tpu.dma_semaphore, #tpu.memory_space<semaphore_mem>>) src(%dma_wait3A_869 : memref<32x128xf32, #tpu.memory_space<hbm>>) dst(%dma_wait3A_866 : memref<32x128xf32, #tpu.memory_space<vmem>>)
      %dma_wait3A_870 = arith.constant 2 : i32
      %dma_wait3A_871 = arith.constant 0 : i32
      %dma_wait3A_872 = arith.constant 0 : i32
      %dma_wait3A_873 = tpu.memref_slice %arg10[%dma_wait3A_870, %dma_wait3A_871, %dma_wait3A_872] : memref<4x32x128xf32, #tpu.memory_space<vmem>> -> memref<1x32x128xf32, #tpu.memory_space<vmem>>
      %dma_wait3A_874 = tpu.memref_squeeze %dma_wait3A_873 : memref<1x32x128xf32, #tpu.memory_space<vmem>> -> memref<32x128xf32, #tpu.memory_space<vmem>>
      %dma_wait3A_875 = arith.constant 0 : i32
      %dma_wait3A_876 = arith.constant 0 : i32
      %dma_wait3A_877 = tpu.memref_slice %arg3[%dma_wait3A_875, %dma_wait3A_876] : memref<32x1000000xf32, #tpu.memory_space<hbm>> -> memref<32x128xf32, #tpu.memory_space<hbm>>
      %dma_wait3A_878 = arith.constant 0 : i32
      %dma_wait3A_879 = arith.constant 0 : i32
      %dma_wait3A_880 = tpu.memref_slice %arg10[%dma_wait3A_870, %dma_wait3A_878, %dma_wait3A_879] : memref<4x32x128xf32, #tpu.memory_space<vmem>> -> memref<1x32x128xf32, #tpu.memory_space<vmem>>
      %dma_wait3A_881 = tpu.memref_squeeze %dma_wait3A_880 : memref<1x32x128xf32, #tpu.memory_space<vmem>> -> memref<32x128xf32, #tpu.memory_space<vmem>>
      %dma_wait3A_882 = arith.constant 0 : i32
      %dma_wait3A_883 = arith.constant 0 : i32
      %dma_wait3A_884 = tpu.memref_slice %arg3[%dma_wait3A_882, %dma_wait3A_883] : memref<32x1000000xf32, #tpu.memory_space<hbm>> -> memref<32x128xf32, #tpu.memory_space<hbm>>
      tpu.wait_dma2 semaphore(%arg18 : memref<!tpu.dma_semaphore, #tpu.memory_space<semaphore_mem>>) src(%dma_wait3A_884 : memref<32x128xf32, #tpu.memory_space<hbm>>) dst(%dma_wait3A_881 : memref<32x128xf32, #tpu.memory_space<vmem>>)
      %dma_wait3A_885 = arith.constant 3 : i32
      %dma_wait3A_886 = arith.constant 0 : i32
      %dma_wait3A_887 = arith.constant 0 : i32
      %dma_wait3A_888 = tpu.memref_slice %arg10[%dma_wait3A_885, %dma_wait3A_886, %dma_wait3A_887] : memref<4x32x128xf32, #tpu.memory_space<vmem>> -> memref<1x32x128xf32, #tpu.memory_space<vmem>>
      %dma_wait3A_889 = tpu.memref_squeeze %dma_wait3A_888 : memref<1x32x128xf32, #tpu.memory_space<vmem>> -> memref<32x128xf32, #tpu.memory_space<vmem>>
      %dma_wait3A_890 = arith.constant 0 : i32
      %dma_wait3A_891 = arith.constant 0 : i32
      %dma_wait3A_892 = tpu.memref_slice %arg3[%dma_wait3A_890, %dma_wait3A_891] : memref<32x1000000xf32, #tpu.memory_space<hbm>> -> memref<32x128xf32, #tpu.memory_space<hbm>>
      %dma_wait3A_893 = arith.constant 0 : i32
      %dma_wait3A_894 = arith.constant 0 : i32
      %dma_wait3A_895 = tpu.memref_slice %arg10[%dma_wait3A_885, %dma_wait3A_893, %dma_wait3A_894] : memref<4x32x128xf32, #tpu.memory_space<vmem>> -> memref<1x32x128xf32, #tpu.memory_space<vmem>>
      %dma_wait3A_896 = tpu.memref_squeeze %dma_wait3A_895 : memref<1x32x128xf32, #tpu.memory_space<vmem>> -> memref<32x128xf32, #tpu.memory_space<vmem>>
      %dma_wait3A_897 = arith.constant 0 : i32
      %dma_wait3A_898 = arith.constant 0 : i32
      %dma_wait3A_899 = tpu.memref_slice %arg3[%dma_wait3A_897, %dma_wait3A_898] : memref<32x1000000xf32, #tpu.memory_space<hbm>> -> memref<32x128xf32, #tpu.memory_space<hbm>>
      tpu.wait_dma2 semaphore(%arg18 : memref<!tpu.dma_semaphore, #tpu.memory_space<semaphore_mem>>) src(%dma_wait3A_899 : memref<32x128xf32, #tpu.memory_space<hbm>>) dst(%dma_wait3A_896 : memref<32x128xf32, #tpu.memory_space<vmem>>)
      %mul3A_900 = arith.constant 16 : i32
      %mul3A_901 = arith.muli %add3A_834, %mul3A_900 : i32
      %get3A_902 = arith.index_cast %mul3A_901 : i32 to index
      %get3A_903 = tpu.vector_load %arg6[%get3A_902] {strides = array<i32>} : memref<2048xi32, #tpu.memory_space<vmem>>, vector<16xi32>,
      %slice3A_904 = vector.extract_strided_slice %get3A_903 {offsets = [0], sizes = [1], strides = [1]} : vector<16xi32> to vector<1xi32>
      %squeeze3A_905 = vector.extract %slice3A_904[0] : i32 from vector<1xi32>
      %and3A_906 = arith.constant 127 : i32
      %and3A_907 = arith.andi %squeeze3A_905, %and3A_906 : i32
      %broadcast_in_dim3A_908 = vector.broadcast %and3A_907 : i32 to vector<16xi32>
      %broadcast_in_dim3A_909 = arith.constant 0 : i32
      %broadcast_in_dim3A_910 = vector.broadcast %broadcast_in_dim3A_909 : i32 to vector<16xi32>
      %gather3A_911 = tpu.vector_load_idx %arg10[%broadcast_in_dim3A_910, %iota3A, %broadcast_in_dim3A_908] : memref<4x32x128xf32, #tpu.memory_space<vmem>>[vector<16xi32>, vector<16xi32>, vector<16xi32>], vector<16xf32>,
      %add3A_912 = arith.constant 16 : i32
      %add3A_913 = vector.broadcast %add3A_912 : i32 to vector<16xi32>
      %add3A_914 = arith.addi %iota3A, %add3A_913 : vector<16xi32>
      %gather3A_915 = tpu.vector_load_idx %arg10[%broadcast_in_dim3A_910, %add3A_914, %broadcast_in_dim3A_908] : memref<4x32x128xf32, #tpu.memory_space<vmem>>[vector<16xi32>, vector<16xi32>, vector<16xi32>], vector<16xf32>,
      %swap3A_916 = arith.constant 0 : i32
      %swap3A_917 = arith.index_cast %swap3A_916 : i32 to index
      %swap3A_918 = arith.constant 0 : index
      %swap3A_919 = tpu.vector_load %arg14[%swap3A_917, %swap3A_918] {strides = array<i32>} : memref<4x32xf32, #tpu.memory_space<vmem>>, vector<16xf32>,
      tpu.vector_store %arg14[%swap3A_917, %swap3A_918], %gather3A_911 {strides = array<i32>} : memref<4x32xf32, #tpu.memory_space<vmem>>, vector<16xf32>,
      %swap3A_920 = arith.constant 0 : i32
      %swap3A_921 = arith.index_cast %swap3A_920 : i32 to index
      %swap3A_922 = arith.constant 16 : index
      %swap3A_923 = tpu.vector_load %arg14[%swap3A_921, %swap3A_922] {strides = array<i32>} : memref<4x32xf32, #tpu.memory_space<vmem>>, vector<16xf32>,
      tpu.vector_store %arg14[%swap3A_921, %swap3A_922], %gather3A_915 {strides = array<i32>} : memref<4x32xf32, #tpu.memory_space<vmem>>, vector<16xf32>,
      %slice3A_924 = vector.extract_strided_slice %get3A_903 {offsets = [1], sizes = [1], strides = [1]} : vector<16xi32> to vector<1xi32>
      %squeeze3A_925 = vector.extract %slice3A_924[0] : i32 from vector<1xi32>
      %and3A_926 = arith.constant 127 : i32
      %and3A_927 = arith.andi %squeeze3A_925, %and3A_926 : i32
      %broadcast_in_dim3A_928 = vector.broadcast %and3A_927 : i32 to vector<16xi32>
      %broadcast_in_dim3A_929 = arith.constant 1 : i32
      %broadcast_in_dim3A_930 = vector.broadcast %broadcast_in_dim3A_929 : i32 to vector<16xi32>
      %gather3A_931 = tpu.vector_load_idx %arg10[%broadcast_in_dim3A_930, %iota3A, %broadcast_in_dim3A_928] : memref<4x32x128xf32, #tpu.memory_space<vmem>>[vector<16xi32>, vector<16xi32>, vector<16xi32>], vector<16xf32>,
      %add3A_932 = arith.constant 16 : i32
      %add3A_933 = vector.broadcast %add3A_932 : i32 to vector<16xi32>
      %add3A_934 = arith.addi %iota3A, %add3A_933 : vector<16xi32>
      %gather3A_935 = tpu.vector_load_idx %arg10[%broadcast_in_dim3A_930, %add3A_934, %broadcast_in_dim3A_928] : memref<4x32x128xf32, #tpu.memory_space<vmem>>[vector<16xi32>, vector<16xi32>, vector<16xi32>], vector<16xf32>,
      %swap3A_936 = arith.constant 1 : i32
      %swap3A_937 = arith.index_cast %swap3A_936 : i32 to index
      %swap3A_938 = arith.constant 0 : index
      %swap3A_939 = tpu.vector_load %arg14[%swap3A_937, %swap3A_938] {strides = array<i32>} : memref<4x32xf32, #tpu.memory_space<vmem>>, vector<16xf32>,
      tpu.vector_store %arg14[%swap3A_937, %swap3A_938], %gather3A_931 {strides = array<i32>} : memref<4x32xf32, #tpu.memory_space<vmem>>, vector<16xf32>,
      %swap3A_940 = arith.constant 1 : i32
      %swap3A_941 = arith.index_cast %swap3A_940 : i32 to index
      %swap3A_942 = arith.constant 16 : index
      %swap3A_943 = tpu.vector_load %arg14[%swap3A_941, %swap3A_942] {strides = array<i32>} : memref<4x32xf32, #tpu.memory_space<vmem>>, vector<16xf32>,
      tpu.vector_store %arg14[%swap3A_941, %swap3A_942], %gather3A_935 {strides = array<i32>} : memref<4x32xf32, #tpu.memory_space<vmem>>, vector<16xf32>,
      %slice3A_944 = vector.extract_strided_slice %get3A_903 {offsets = [2], sizes = [1], strides = [1]} : vector<16xi32> to vector<1xi32>
      %squeeze3A_945 = vector.extract %slice3A_944[0] : i32 from vector<1xi32>
      %and3A_946 = arith.constant 127 : i32
      %and3A_947 = arith.andi %squeeze3A_945, %and3A_946 : i32
      %broadcast_in_dim3A_948 = vector.broadcast %and3A_947 : i32 to vector<16xi32>
      %broadcast_in_dim3A_949 = arith.constant 2 : i32
      %broadcast_in_dim3A_950 = vector.broadcast %broadcast_in_dim3A_949 : i32 to vector<16xi32>
      %gather3A_951 = tpu.vector_load_idx %arg10[%broadcast_in_dim3A_950, %iota3A, %broadcast_in_dim3A_948] : memref<4x32x128xf32, #tpu.memory_space<vmem>>[vector<16xi32>, vector<16xi32>, vector<16xi32>], vector<16xf32>,
      %add3A_952 = arith.constant 16 : i32
      %add3A_953 = vector.broadcast %add3A_952 : i32 to vector<16xi32>
      %add3A_954 = arith.addi %iota3A, %add3A_953 : vector<16xi32>
      %gather3A_955 = tpu.vector_load_idx %arg10[%broadcast_in_dim3A_950, %add3A_954, %broadcast_in_dim3A_948] : memref<4x32x128xf32, #tpu.memory_space<vmem>>[vector<16xi32>, vector<16xi32>, vector<16xi32>], vector<16xf32>,
      %swap3A_956 = arith.constant 2 : i32
      %swap3A_957 = arith.index_cast %swap3A_956 : i32 to index
      %swap3A_958 = arith.constant 0 : index
      %swap3A_959 = tpu.vector_load %arg14[%swap3A_957, %swap3A_958] {strides = array<i32>} : memref<4x32xf32, #tpu.memory_space<vmem>>, vector<16xf32>,
      tpu.vector_store %arg14[%swap3A_957, %swap3A_958], %gather3A_951 {strides = array<i32>} : memref<4x32xf32, #tpu.memory_space<vmem>>, vector<16xf32>,
      %swap3A_960 = arith.constant 2 : i32
      %swap3A_961 = arith.index_cast %swap3A_960 : i32 to index
      %swap3A_962 = arith.constant 16 : index
      %swap3A_963 = tpu.vector_load %arg14[%swap3A_961, %swap3A_962] {strides = array<i32>} : memref<4x32xf32, #tpu.memory_space<vmem>>, vector<16xf32>,
      tpu.vector_store %arg14[%swap3A_961, %swap3A_962], %gather3A_955 {strides = array<i32>} : memref<4x32xf32, #tpu.memory_space<vmem>>, vector<16xf32>,
      %slice3A_964 = vector.extract_strided_slice %get3A_903 {offsets = [3], sizes = [1], strides = [1]} : vector<16xi32> to vector<1xi32>
      %squeeze3A_965 = vector.extract %slice3A_964[0] : i32 from vector<1xi32>
      %and3A_966 = arith.constant 127 : i32
      %and3A_967 = arith.andi %squeeze3A_965, %and3A_966 : i32
      %broadcast_in_dim3A_968 = vector.broadcast %and3A_967 : i32 to vector<16xi32>
      %broadcast_in_dim3A_969 = arith.constant 3 : i32
      %broadcast_in_dim3A_970 = vector.broadcast %broadcast_in_dim3A_969 : i32 to vector<16xi32>
      %gather3A_971 = tpu.vector_load_idx %arg10[%broadcast_in_dim3A_970, %iota3A, %broadcast_in_dim3A_968] : memref<4x32x128xf32, #tpu.memory_space<vmem>>[vector<16xi32>, vector<16xi32>, vector<16xi32>], vector<16xf32>,
      %add3A_972 = arith.constant 16 : i32
      %add3A_973 = vector.broadcast %add3A_972 : i32 to vector<16xi32>
      %add3A_974 = arith.addi %iota3A, %add3A_973 : vector<16xi32>
      %gather3A_975 = tpu.vector_load_idx %arg10[%broadcast_in_dim3A_970, %add3A_974, %broadcast_in_dim3A_968] : memref<4x32x128xf32, #tpu.memory_space<vmem>>[vector<16xi32>, vector<16xi32>, vector<16xi32>], vector<16xf32>,
      %swap3A_976 = arith.constant 3 : i32
      %swap3A_977 = arith.index_cast %swap3A_976 : i32 to index
      %swap3A_978 = arith.constant 0 : index
      %swap3A_979 = tpu.vector_load %arg14[%swap3A_977, %swap3A_978] {strides = array<i32>} : memref<4x32xf32, #tpu.memory_space<vmem>>, vector<16xf32>,
      tpu.vector_store %arg14[%swap3A_977, %swap3A_978], %gather3A_971 {strides = array<i32>} : memref<4x32xf32, #tpu.memory_space<vmem>>, vector<16xf32>,
      %swap3A_980 = arith.constant 3 : i32
      %swap3A_981 = arith.index_cast %swap3A_980 : i32 to index
      %swap3A_982 = arith.constant 16 : index
      %swap3A_983 = tpu.vector_load %arg14[%swap3A_981, %swap3A_982] {strides = array<i32>} : memref<4x32xf32, #tpu.memory_space<vmem>>, vector<16xf32>,
      tpu.vector_store %arg14[%swap3A_981, %swap3A_982], %gather3A_975 {strides = array<i32>} : memref<4x32xf32, #tpu.memory_space<vmem>>, vector<16xf32>,
      %mul3A_984 = arith.constant 4 : i32
      %mul3A_985 = arith.muli %add3A_834, %mul3A_984 : i32
      %add3A_986 = arith.addi %mul3A_2, %mul3A_985 : i32
      %dma_start3A_987 = arith.constant 0 : i32
      %dma_start3A_988 = tpu.memref_slice %arg4[%add3A_986, %dma_start3A_987] : memref<16384x32xf32, #tpu.memory_space<hbm>> -> memref<4x32xf32, #tpu.memory_space<hbm>>
      %dma_start3A_989 = arith.constant 0 : i32
      %dma_start3A_990 = tpu.memref_slice %arg4[%add3A_986, %dma_start3A_989] : memref<16384x32xf32, #tpu.memory_space<hbm>> -> memref<4x32xf32, #tpu.memory_space<hbm>>
      tpu.enqueue_dma source(%arg14 : memref<4x32xf32, #tpu.memory_space<vmem>>) target(%dma_start3A_990 : memref<4x32xf32, #tpu.memory_space<hbm>>) target_semaphore(%arg19 : memref<!tpu.dma_semaphore, #tpu.memory_space<semaphore_mem>>)
      %add3A_991 = arith.constant 4 : i32
      %add3A_992 = arith.addi %add3A_834, %add3A_991 : i32
      %lt3A_993 = arith.constant 128 : i32
      %lt3A_994 = arith.cmpi slt, %add3A_992, %lt3A_993 : i32
      %convert_element_type3A_995 = arith.extui %lt3A_994 : i1 to i32
      %cond3A_996 = arith.constant 0 : i32
      %cond3A_997 = arith.cmpi ne, %convert_element_type3A_995, %cond3A_996 : i32
      scf.if %cond3A_997 {
        %add3A_998 = arith.constant 4 : i32
        %add3A_999 = arith.addi %add3A_834, %add3A_998 : i32
        %mul3A_1000 = arith.constant 16 : i32
        %mul3A_1001 = arith.muli %add3A_999, %mul3A_1000 : i32
        %get3A_1002 = arith.index_cast %mul3A_1001 : i32 to index
        %get3A_1003 = tpu.vector_load %arg6[%get3A_1002] {strides = array<i32>} : memref<2048xi32, #tpu.memory_space<vmem>>, vector<16xi32>,
        %slice3A_1004 = vector.extract_strided_slice %get3A_1003 {offsets = [0], sizes = [1], strides = [1]} : vector<16xi32> to vector<1xi32>
        %squeeze3A_1005 = vector.extract %slice3A_1004[0] : i32 from vector<1xi32>
        %and3A_1006 = arith.constant -128 : i32
        %and3A_1007 = arith.andi %squeeze3A_1005, %and3A_1006 : i32
        %multiple_of3A_1008 = tpu.assume_multiple %and3A_1007, 128 : i32
        %dma_start3A_1009 = arith.constant 0 : i32
        %dma_start3A_1010 = arith.constant 0 : i32
        %dma_start3A_1011 = arith.constant 0 : i32
        %dma_start3A_1012 = tpu.memref_slice %arg10[%dma_start3A_1009, %dma_start3A_1010, %dma_start3A_1011] : memref<4x32x128xf32, #tpu.memory_space<vmem>> -> memref<1x32x128xf32, #tpu.memory_space<vmem>>
        %dma_start3A_1013 = tpu.memref_squeeze %dma_start3A_1012 : memref<1x32x128xf32, #tpu.memory_space<vmem>> -> memref<32x128xf32, #tpu.memory_space<vmem>>
        %dma_start3A_1014 = arith.constant 0 : i32
        %dma_start3A_1015 = tpu.memref_slice %arg3[%dma_start3A_1014, %multiple_of3A_1008] : memref<32x1000000xf32, #tpu.memory_space<hbm>> -> memref<32x128xf32, #tpu.memory_space<hbm>>
        %dma_start3A_1016 = arith.constant 0 : i32
        %dma_start3A_1017 = arith.constant 0 : i32
        %dma_start3A_1018 = tpu.memref_slice %arg10[%dma_start3A_1009, %dma_start3A_1016, %dma_start3A_1017] : memref<4x32x128xf32, #tpu.memory_space<vmem>> -> memref<1x32x128xf32, #tpu.memory_space<vmem>>
        %dma_start3A_1019 = tpu.memref_squeeze %dma_start3A_1018 : memref<1x32x128xf32, #tpu.memory_space<vmem>> -> memref<32x128xf32, #tpu.memory_space<vmem>>
        %dma_start3A_1020 = arith.constant 0 : i32
        %dma_start3A_1021 = tpu.memref_slice %arg3[%dma_start3A_1020, %multiple_of3A_1008] : memref<32x1000000xf32, #tpu.memory_space<hbm>> -> memref<32x128xf32, #tpu.memory_space<hbm>>
        tpu.enqueue_dma source(%dma_start3A_1021 : memref<32x128xf32, #tpu.memory_space<hbm>>) target(%dma_start3A_1019 : memref<32x128xf32, #tpu.memory_space<vmem>>) target_semaphore(%arg18 : memref<!tpu.dma_semaphore, #tpu.memory_space<semaphore_mem>>)
        %slice3A_1022 = vector.extract_strided_slice %get3A_1003 {offsets = [1], sizes = [1], strides = [1]} : vector<16xi32> to vector<1xi32>
        %squeeze3A_1023 = vector.extract %slice3A_1022[0] : i32 from vector<1xi32>
        %and3A_1024 = arith.constant -128 : i32
        %and3A_1025 = arith.andi %squeeze3A_1023, %and3A_1024 : i32
        %multiple_of3A_1026 = tpu.assume_multiple %and3A_1025, 128 : i32
        %dma_start3A_1027 = arith.constant 1 : i32
        %dma_start3A_1028 = arith.constant 0 : i32
        %dma_start3A_1029 = arith.constant 0 : i32
        %dma_start3A_1030 = tpu.memref_slice %arg10[%dma_start3A_1027, %dma_start3A_1028, %dma_start3A_1029] : memref<4x32x128xf32, #tpu.memory_space<vmem>> -> memref<1x32x128xf32, #tpu.memory_space<vmem>>
        %dma_start3A_1031 = tpu.memref_squeeze %dma_start3A_1030 : memref<1x32x128xf32, #tpu.memory_space<vmem>> -> memref<32x128xf32, #tpu.memory_space<vmem>>
        %dma_start3A_1032 = arith.constant 0 : i32
        %dma_start3A_1033 = tpu.memref_slice %arg3[%dma_start3A_1032, %multiple_of3A_1026] : memref<32x1000000xf32, #tpu.memory_space<hbm>> -> memref<32x128xf32, #tpu.memory_space<hbm>>
        %dma_start3A_1034 = arith.constant 0 : i32
        %dma_start3A_1035 = arith.constant 0 : i32
        %dma_start3A_1036 = tpu.memref_slice %arg10[%dma_start3A_1027, %dma_start3A_1034, %dma_start3A_1035] : memref<4x32x128xf32, #tpu.memory_space<vmem>> -> memref<1x32x128xf32, #tpu.memory_space<vmem>>
        %dma_start3A_1037 = tpu.memref_squeeze %dma_start3A_1036 : memref<1x32x128xf32, #tpu.memory_space<vmem>> -> memref<32x128xf32, #tpu.memory_space<vmem>>
        %dma_start3A_1038 = arith.constant 0 : i32
        %dma_start3A_1039 = tpu.memref_slice %arg3[%dma_start3A_1038, %multiple_of3A_1026] : memref<32x1000000xf32, #tpu.memory_space<hbm>> -> memref<32x128xf32, #tpu.memory_space<hbm>>
        tpu.enqueue_dma source(%dma_start3A_1039 : memref<32x128xf32, #tpu.memory_space<hbm>>) target(%dma_start3A_1037 : memref<32x128xf32, #tpu.memory_space<vmem>>) target_semaphore(%arg18 : memref<!tpu.dma_semaphore, #tpu.memory_space<semaphore_mem>>)
        %slice3A_1040 = vector.extract_strided_slice %get3A_1003 {offsets = [2], sizes = [1], strides = [1]} : vector<16xi32> to vector<1xi32>
        %squeeze3A_1041 = vector.extract %slice3A_1040[0] : i32 from vector<1xi32>
        %and3A_1042 = arith.constant -128 : i32
        %and3A_1043 = arith.andi %squeeze3A_1041, %and3A_1042 : i32
        %multiple_of3A_1044 = tpu.assume_multiple %and3A_1043, 128 : i32
        %dma_start3A_1045 = arith.constant 2 : i32
        %dma_start3A_1046 = arith.constant 0 : i32
        %dma_start3A_1047 = arith.constant 0 : i32
        %dma_start3A_1048 = tpu.memref_slice %arg10[%dma_start3A_1045, %dma_start3A_1046, %dma_start3A_1047] : memref<4x32x128xf32, #tpu.memory_space<vmem>> -> memref<1x32x128xf32, #tpu.memory_space<vmem>>
        %dma_start3A_1049 = tpu.memref_squeeze %dma_start3A_1048 : memref<1x32x128xf32, #tpu.memory_space<vmem>> -> memref<32x128xf32, #tpu.memory_space<vmem>>
        %dma_start3A_1050 = arith.constant 0 : i32
        %dma_start3A_1051 = tpu.memref_slice %arg3[%dma_start3A_1050, %multiple_of3A_1044] : memref<32x1000000xf32, #tpu.memory_space<hbm>> -> memref<32x128xf32, #tpu.memory_space<hbm>>
        %dma_start3A_1052 = arith.constant 0 : i32
        %dma_start3A_1053 = arith.constant 0 : i32
        %dma_start3A_1054 = tpu.memref_slice %arg10[%dma_start3A_1045, %dma_start3A_1052, %dma_start3A_1053] : memref<4x32x128xf32, #tpu.memory_space<vmem>> -> memref<1x32x128xf32, #tpu.memory_space<vmem>>
        %dma_start3A_1055 = tpu.memref_squeeze %dma_start3A_1054 : memref<1x32x128xf32, #tpu.memory_space<vmem>> -> memref<32x128xf32, #tpu.memory_space<vmem>>
        %dma_start3A_1056 = arith.constant 0 : i32
        %dma_start3A_1057 = tpu.memref_slice %arg3[%dma_start3A_1056, %multiple_of3A_1044] : memref<32x1000000xf32, #tpu.memory_space<hbm>> -> memref<32x128xf32, #tpu.memory_space<hbm>>
        tpu.enqueue_dma source(%dma_start3A_1057 : memref<32x128xf32, #tpu.memory_space<hbm>>) target(%dma_start3A_1055 : memref<32x128xf32, #tpu.memory_space<vmem>>) target_semaphore(%arg18 : memref<!tpu.dma_semaphore, #tpu.memory_space<semaphore_mem>>)
        %slice3A_1058 = vector.extract_strided_slice %get3A_1003 {offsets = [3], sizes = [1], strides = [1]} : vector<16xi32> to vector<1xi32>
        %squeeze3A_1059 = vector.extract %slice3A_1058[0] : i32 from vector<1xi32>
        %and3A_1060 = arith.constant -128 : i32
        %and3A_1061 = arith.andi %squeeze3A_1059, %and3A_1060 : i32
        %multiple_of3A_1062 = tpu.assume_multiple %and3A_1061, 128 : i32
        %dma_start3A_1063 = arith.constant 3 : i32
        %dma_start3A_1064 = arith.constant 0 : i32
        %dma_start3A_1065 = arith.constant 0 : i32
        %dma_start3A_1066 = tpu.memref_slice %arg10[%dma_start3A_1063, %dma_start3A_1064, %dma_start3A_1065] : memref<4x32x128xf32, #tpu.memory_space<vmem>> -> memref<1x32x128xf32, #tpu.memory_space<vmem>>
        %dma_start3A_1067 = tpu.memref_squeeze %dma_start3A_1066 : memref<1x32x128xf32, #tpu.memory_space<vmem>> -> memref<32x128xf32, #tpu.memory_space<vmem>>
        %dma_start3A_1068 = arith.constant 0 : i32
        %dma_start3A_1069 = tpu.memref_slice %arg3[%dma_start3A_1068, %multiple_of3A_1062] : memref<32x1000000xf32, #tpu.memory_space<hbm>> -> memref<32x128xf32, #tpu.memory_space<hbm>>
        %dma_start3A_1070 = arith.constant 0 : i32
        %dma_start3A_1071 = arith.constant 0 : i32
        %dma_start3A_1072 = tpu.memref_slice %arg10[%dma_start3A_1063, %dma_start3A_1070, %dma_start3A_1071] : memref<4x32x128xf32, #tpu.memory_space<vmem>> -> memref<1x32x128xf32, #tpu.memory_space<vmem>>
        %dma_start3A_1073 = tpu.memref_squeeze %dma_start3A_1072 : memref<1x32x128xf32, #tpu.memory_space<vmem>> -> memref<32x128xf32, #tpu.memory_space<vmem>>
        %dma_start3A_1074 = arith.constant 0 : i32
        %dma_start3A_1075 = tpu.memref_slice %arg3[%dma_start3A_1074, %multiple_of3A_1062] : memref<32x1000000xf32, #tpu.memory_space<hbm>> -> memref<32x128xf32, #tpu.memory_space<hbm>>
        tpu.enqueue_dma source(%dma_start3A_1075 : memref<32x128xf32, #tpu.memory_space<hbm>>) target(%dma_start3A_1073 : memref<32x128xf32, #tpu.memory_space<vmem>>) target_semaphore(%arg18 : memref<!tpu.dma_semaphore, #tpu.memory_space<semaphore_mem>>)
      } else {
      }
    }
    %scan3A_312 = arith.constant 32 : i32
    %dma_wait3A = arith.constant 0 : i32
    %dma_wait3A_313 = arith.constant 0 : i32
    %dma_wait3A_314 = tpu.memref_slice %arg4[%dma_wait3A, %dma_wait3A_313] : memref<16384x32xf32, #tpu.memory_space<hbm>> -> memref<4x32xf32, #tpu.memory_space<hbm>>
    %dma_wait3A_315 = arith.constant 0 : i32
    %dma_wait3A_316 = arith.constant 0 : i32
    %dma_wait3A_317 = tpu.memref_slice %arg4[%dma_wait3A_315, %dma_wait3A_316] : memref<16384x32xf32, #tpu.memory_space<hbm>> -> memref<4x32xf32, #tpu.memory_space<hbm>>
    tpu.wait_dma2 semaphore(%arg19 : memref<!tpu.dma_semaphore, #tpu.memory_space<semaphore_mem>>) src(%dma_wait3A_317 : memref<4x32xf32, #tpu.memory_space<hbm>>) dst(%arg11 : memref<4x32xf32, #tpu.memory_space<vmem>>)
    %dma_wait3A_318 = arith.constant 0 : i32
    %dma_wait3A_319 = arith.constant 0 : i32
    %dma_wait3A_320 = tpu.memref_slice %arg4[%dma_wait3A_318, %dma_wait3A_319] : memref<16384x32xf32, #tpu.memory_space<hbm>> -> memref<4x32xf32, #tpu.memory_space<hbm>>
    %dma_wait3A_321 = arith.constant 0 : i32
    %dma_wait3A_322 = arith.constant 0 : i32
    %dma_wait3A_323 = tpu.memref_slice %arg4[%dma_wait3A_321, %dma_wait3A_322] : memref<16384x32xf32, #tpu.memory_space<hbm>> -> memref<4x32xf32, #tpu.memory_space<hbm>>
    tpu.wait_dma2 semaphore(%arg19 : memref<!tpu.dma_semaphore, #tpu.memory_space<semaphore_mem>>) src(%dma_wait3A_323 : memref<4x32xf32, #tpu.memory_space<hbm>>) dst(%arg12 : memref<4x32xf32, #tpu.memory_space<vmem>>)
    %dma_wait3A_324 = arith.constant 0 : i32
    %dma_wait3A_325 = arith.constant 0 : i32
    %dma_wait3A_326 = tpu.memref_slice %arg4[%dma_wait3A_324, %dma_wait3A_325] : memref<16384x32xf32, #tpu.memory_space<hbm>> -> memref<4x32xf32, #tpu.memory_space<hbm>>
    %dma_wait3A_327 = arith.constant 0 : i32
    %dma_wait3A_328 = arith.constant 0 : i32
    %dma_wait3A_329 = tpu.memref_slice %arg4[%dma_wait3A_327, %dma_wait3A_328] : memref<16384x32xf32, #tpu.memory_space<hbm>> -> memref<4x32xf32, #tpu.memory_space<hbm>>
    tpu.wait_dma2 semaphore(%arg19 : memref<!tpu.dma_semaphore, #tpu.memory_space<semaphore_mem>>) src(%dma_wait3A_329 : memref<4x32xf32, #tpu.memory_space<hbm>>) dst(%arg13 : memref<4x32xf32, #tpu.memory_space<vmem>>)
    %dma_wait3A_330 = arith.constant 0 : i32
    %dma_wait3A_331 = arith.constant 0 : i32
    %dma_wait3A_332 = tpu.memref_slice %arg4[%dma_wait3A_330, %dma_wait3A_331] : memref<16384x32xf32, #tpu.memory_space<hbm>> -> memref<4x32xf32, #tpu.memory_space<hbm>>
    %dma_wait3A_333 = arith.constant 0 : i32
    %dma_wait3A_334 = arith.constant 0 : i32
    %dma_wait3A_335 = tpu.memref_slice %arg4[%dma_wait3A_333, %dma_wait3A_334] : memref<16384x32xf32, #tpu.memory_space<hbm>> -> memref<4x32xf32, #tpu.memory_space<hbm>>
    tpu.wait_dma2 semaphore(%arg19 : memref<!tpu.dma_semaphore, #tpu.memory_space<semaphore_mem>>) src(%dma_wait3A_335 : memref<4x32xf32, #tpu.memory_space<hbm>>) dst(%arg14 : memref<4x32xf32, #tpu.memory_space<vmem>>)
    return
  }
}

module attributes {stable_mosaic.version = 14 : i64} {
  func.func @_proj_body(%arg0: i32, %arg1: memref<32x12800xf32, #tpu.memory_space<vmem>>, %arg2: memref<32x128xf32, #tpu.memory_space<vmem>>, %arg3: memref<12800x128xf32, #tpu.memory_space<vmem>>) attributes {dimension_semantics = [#tpu.dimension_semantics<arbitrary>], iteration_bounds = array<i64: 8>, scalar_prefetch = 0 : i64, scratch_operands = 0 : i64, tpu.core_type = #tpu.core_type<tc>, window_params = [{transform_indices = @transform_0, window_bounds = array<i64: 32, 12800>}, {pipeline_mode = #tpu.pipeline_mode<synchronous>, transform_indices = @transform_1, window_bounds = array<i64: 32, 128>}, {transform_indices = @transform_2, window_bounds = array<i64: 12800, 128>}]} {
    %get3A = arith.constant 0 : index
    %get3A_0 = arith.constant 0 : index
    %get3A_1 = vector.load %arg1[%get3A, %get3A_0] : memref<32x12800xf32, #tpu.memory_space<vmem>>, vector<32x12800xf32>
    %get3A_2 = arith.constant 0 : index
    %get3A_3 = arith.constant 0 : index
    %get3A_4 = vector.load %arg2[%get3A_2, %get3A_3] : memref<32x128xf32, #tpu.memory_space<vmem>>, vector<32x128xf32>
    %dot_general3A = arith.constant dense<0.000000e+00> : vector<12800x128xf32>
    %dot_general3A_5 = tpu.matmul %get3A_1, %get3A_4, %dot_general3A {dimension_numbers = #tpu.dot_dimension_numbers<[0], [0], [1], [1], [0, 1, 1, 1], [], []>, transpose_lhs_hint = false} : vector<32x12800xf32>, vector<32x128xf32>, vector<12800x128xf32> -> vector<12800x128xf32>
    %swap3A = arith.constant 0 : index
    %swap3A_6 = arith.constant 0 : index
    %swap3A_7 = vector.load %arg3[%swap3A, %swap3A_6] : memref<12800x128xf32, #tpu.memory_space<vmem>>, vector<12800x128xf32>
    tpu.vector_store %arg3[%swap3A, %swap3A_6], %dot_general3A_5 {strides = array<i32>} : memref<12800x128xf32, #tpu.memory_space<vmem>>, vector<12800x128xf32>,
    return
  }
  func.func @transform_0(%arg0: i32) -> (i32, i32) {
    %c0_i32 = arith.constant 0 : i32
    %c0_i32_0 = arith.constant 0 : i32
    return %c0_i32, %arg0 : i32, i32
  }
  func.func @transform_1(%arg0: i32) -> (i32, i32) {
    %c0_i32 = arith.constant 0 : i32
    %c0_i32_0 = arith.constant 0 : i32
    %c0_i32_1 = arith.constant 0 : i32
    return %c0_i32, %c0_i32_0 : i32, i32
  }
  func.func @transform_2(%arg0: i32) -> (i32, i32) {
    %c0_i32 = arith.constant 0 : i32
    %c0_i32_0 = arith.constant 0 : i32
    return %arg0, %c0_i32 : i32, i32
  }
}

module attributes {stable_mosaic.version = 14 : i64} {
  func.func @_mlp_body(%arg0: i32, %arg1: memref<2048x32xf32, #tpu.memory_space<vmem>>, %arg2: memref<2048x128xf32, #tpu.memory_space<vmem>>, %arg3: memref<32x128xf32, #tpu.memory_space<vmem>>, %arg4: memref<1x128xf32, #tpu.memory_space<vmem>>, %arg5: memref<128x1xf32, #tpu.memory_space<vmem>>, %arg6: memref<1x1xf32, #tpu.memory_space<vmem>>, %arg7: memref<2048x1xf32, #tpu.memory_space<vmem>>) attributes {dimension_semantics = [#tpu.dimension_semantics<arbitrary>], iteration_bounds = array<i64: 4>, scalar_prefetch = 0 : i64, scratch_operands = 0 : i64, tpu.core_type = #tpu.core_type<tc>, window_params = [{transform_indices = @transform_0, window_bounds = array<i64: 2048, 32>}, {transform_indices = @transform_1, window_bounds = array<i64: 2048, 128>}, {pipeline_mode = #tpu.pipeline_mode<synchronous>, transform_indices = @transform_2, window_bounds = array<i64: 32, 128>}, {pipeline_mode = #tpu.pipeline_mode<synchronous>, transform_indices = @transform_3, window_bounds = array<i64: 1, 128>}, {pipeline_mode = #tpu.pipeline_mode<synchronous>, transform_indices = @transform_4, window_bounds = array<i64: 128, 1>}, {pipeline_mode = #tpu.pipeline_mode<synchronous>, transform_indices = @transform_5, window_bounds = array<i64: 1, 1>}, {transform_indices = @transform_6, window_bounds = array<i64: 2048, 1>}]} {
    %get3A = arith.constant 0 : index
    %get3A_0 = arith.constant 0 : index
    %get3A_1 = vector.load %arg1[%get3A, %get3A_0] : memref<2048x32xf32, #tpu.memory_space<vmem>>, vector<2048x32xf32>
    %get3A_2 = arith.constant 0 : index
    %get3A_3 = arith.constant 0 : index
    %get3A_4 = vector.load %arg3[%get3A_2, %get3A_3] : memref<32x128xf32, #tpu.memory_space<vmem>>, vector<32x128xf32>
    %dot_general3A = arith.constant dense<0.000000e+00> : vector<2048x128xf32>
    %dot_general3A_5 = tpu.matmul %get3A_1, %get3A_4, %dot_general3A {dimension_numbers = #tpu.dot_dimension_numbers<[1], [0], [0], [1], [0, 0, 1, 1], [], []>, transpose_lhs_hint = false} : vector<2048x32xf32>, vector<32x128xf32>, vector<2048x128xf32> -> vector<2048x128xf32>
    %get3A_6 = arith.constant 0 : index
    %get3A_7 = arith.constant 0 : index
    %get3A_8 = vector.load %arg2[%get3A_6, %get3A_7] : memref<2048x128xf32, #tpu.memory_space<vmem>>, vector<2048x128xf32>
    %add3A = arith.addf %dot_general3A_5, %get3A_8 : vector<2048x128xf32>
    %get3A_9 = arith.constant 0 : index
    %get3A_10 = arith.constant 0 : index
    %get3A_11 = vector.load %arg4[%get3A_9, %get3A_10] : memref<1x128xf32, #tpu.memory_space<vmem>>, vector<1x128xf32>
    %add3A_12 = vector.broadcast %get3A_11 : vector<1x128xf32> to vector<2048x128xf32>
    %add3A_13 = arith.addf %add3A, %add3A_12 : vector<2048x128xf32>
    %max3A = arith.constant 0.000000e+00 : f32
    %max3A_14 = vector.broadcast %max3A : f32 to vector<2048x128xf32>
    %max3A_15 = arith.maximumf %add3A_13, %max3A_14 : vector<2048x128xf32>
    %get3A_16 = arith.constant 0 : index
    %get3A_17 = arith.constant 0 : index
    %get3A_18 = vector.load %arg5[%get3A_16, %get3A_17] : memref<128x1xf32, #tpu.memory_space<vmem>>, vector<128x1xf32>
    %dot_general3A_19 = arith.constant dense<0.000000e+00> : vector<2048x1xf32>
    %dot_general3A_20 = tpu.matmul %max3A_15, %get3A_18, %dot_general3A_19 {dimension_numbers = #tpu.dot_dimension_numbers<[1], [0], [0], [1], [0, 0, 1, 1], [], []>, transpose_lhs_hint = false} : vector<2048x128xf32>, vector<128x1xf32>, vector<2048x1xf32> -> vector<2048x1xf32>
    %get3A_21 = arith.constant 0 : index
    %get3A_22 = arith.constant 0 : index
    %get3A_23 = vector.load %arg6[%get3A_21, %get3A_22] : memref<1x1xf32, #tpu.memory_space<vmem>>, vector<1x1xf32>
    %add3A_24 = vector.broadcast %get3A_23 : vector<1x1xf32> to vector<2048x1xf32>
    %add3A_25 = arith.addf %dot_general3A_20, %add3A_24 : vector<2048x1xf32>
    %swap3A = arith.constant 0 : index
    %swap3A_26 = arith.constant 0 : index
    %swap3A_27 = vector.load %arg7[%swap3A, %swap3A_26] : memref<2048x1xf32, #tpu.memory_space<vmem>>, vector<2048x1xf32>
    tpu.vector_store %arg7[%swap3A, %swap3A_26], %add3A_25 {strides = array<i32>} : memref<2048x1xf32, #tpu.memory_space<vmem>>, vector<2048x1xf32>,
    return
  }
  func.func @transform_0(%arg0: i32) -> (i32, i32) {
    %c0_i32 = arith.constant 0 : i32
    %c0_i32_0 = arith.constant 0 : i32
    return %arg0, %c0_i32 : i32, i32
  }
  func.func @transform_1(%arg0: i32) -> (i32, i32) {
    %c0_i32 = arith.constant 0 : i32
    %c0_i32_0 = arith.constant 0 : i32
    return %arg0, %c0_i32 : i32, i32
  }
  func.func @transform_2(%arg0: i32) -> (i32, i32) {
    %c0_i32 = arith.constant 0 : i32
    %c0_i32_0 = arith.constant 0 : i32
    %c0_i32_1 = arith.constant 0 : i32
    return %c0_i32, %c0_i32_0 : i32, i32
  }
  func.func @transform_3(%arg0: i32) -> (i32, i32) {
    %c0_i32 = arith.constant 0 : i32
    %c0_i32_0 = arith.constant 0 : i32
    %c0_i32_1 = arith.constant 0 : i32
    return %c0_i32, %c0_i32_0 : i32, i32
  }
  func.func @transform_4(%arg0: i32) -> (i32, i32) {
    %c0_i32 = arith.constant 0 : i32
    %c0_i32_0 = arith.constant 0 : i32
    %c0_i32_1 = arith.constant 0 : i32
    return %c0_i32, %c0_i32_0 : i32, i32
  }
  func.func @transform_5(%arg0: i32) -> (i32, i32) {
    %c0_i32 = arith.constant 0 : i32
    %c0_i32_0 = arith.constant 0 : i32
    %c0_i32_1 = arith.constant 0 : i32
    return %c0_i32, %c0_i32_0 : i32, i32
  }
  func.func @transform_6(%arg0: i32) -> (i32, i32) {
    %c0_i32 = arith.constant 0 : i32
    %c0_i32_0 = arith.constant 0 : i32
    return %arg0, %c0_i32 : i32, i32
  }
}

</mosaic_0001>

<sc_bundles>
// kernel: kernel.11.cloned.1.call-start
scs
__scs_entry_jumppad:
0x0: {  	(pc) =	sbr.rel $0x88, $3  }
0x1: {  	(tag) =	ssettag $0x0;
	lr =	simm.s32 $0x1  }
0x2: {  	[smem:$0x3F99] =	sst lr;
	_ =	strace $0xD0000000  }
0x3: {  	_ = 	snop  }
0x4: {  	_ = 	snop  }
0x5: {  	_ = 	snop  }
0x6: {  	_ = 	snop  }
0x7: {  	_ = 	snop  }
__scs_overlays_trampoline_lowered:
0x8: {  	[smem:$0x3FA8] =	sst s0  }
0x9: {  	[smem:$0x3FA9] =	sst s1  }
0xa: {  	[smem:$0x3FAA] =	sst s2  }
0xb: {  	[smem:$0x3FAB] =	sst s3  }
0xc: {  	[smem:$0x3FAC] =	sst s4  }
0xd: {  	[smem:$0x3FAD] =	sst s5  }
0xe: {  	[smem:$0x3FAE] =	sst s6  }
0xf: {  	[smem:$0x3FAF] =	sst s7  }
0x10: {  	[smem:$0x3FB0] =	sst s8  }
0x11: {  	[smem:$0x3FB1] =	sst s9;
	s0 =	simm.s32 @!p0 $0x0  }
0x12: {  	s1 =	sld [smem:$0x3F97];
	s0 =	simm.s32 @p0 $0x1  }
0x13: {  	[smem:$0x3FB2] =	sst s0;
	s0 =	simm.s32 @!p1 $0x0  }
0x14: {  	s2 =	sld [smem:$0x3F96];
	s0 =	simm.s32 @p1 $0x1  }
0x15: {  	[smem:$0x3FB3] =	sst s0;
	s0 =	simm.s32 @!p2 $0x0  }
0x16: {  	s3 =	sld [smem:$0x3FDB];
	s0 =	simm.s32 @p2 $0x1  }
0x17: {  	s4 =	simm.s32 $0x1BF5;
	[smem:$0x3FB5] =	sst s0  }
0x18: {  	s0 =	sld [smem:$0x3F98];
	_ =	swait.ge [sflag:s4], $0x0  }
0x19: {  	s7 =	sld [smem:$0x3F99]  }
0x1a: {  	s8 =	sadd.s32 $0xFFFFE003, lr  }
0x1b: {  	s9 =	sadd.s32 $0xFFFFFEF7, lr;
	s5 =	simm.s32 $0xFFFFFFFF;
	p2 =	slt.u32 s8, $0xFFFFF086  }
0x1c: {  	p1 =	slt.u32 s9, $0xF7A;
	s5 =	simm.s32 @!p2 $0x0  }
0x1d: {  	s5 =	simm.s32 @p1 $0x1;
	p0 =	seq.s32 s7, s2  }
0x1e: {  	s7 =	smul.u32 @!p0 $0xF7A, s2;
	p2 =	seq.s32 @!p0 s5, $0x0  }
0x1f: {  	s9 =	smul.u32 $0xF7A, s1;
	s8 =	simm.s32 @!p0 $0x1BF5;
	p2 =	por !p2, p0  }
0x20: {  	[sflag:s8] =	ssyncset.s32 @!p0 $0xFFFFF086;
	s6 =	sadd.s32 @!p0 s3, s7;
	s7 =	simm.s32 @!p0 $0x108  }
0x21: {  	s3 =	sadd.s32 s3, s9;
	s6 =	sadd.s32 @!p0 $0x88, s6;
	s7 =	simm.s32 @p2 $0x1082  }
0x22: {  	[simem:s7], [sflag:s8] =	dma.local @!p0 [hbm:s6], $0xF7A  }
0x23: {  	s9 =	sor.u32 $0xD0000000, s2;
	s6 =	simm.s32 $0x108;
	_ =	swait.ge @!p0 [sflag:s8], $0x0  }
0x24: {  	s3 =	sadd.s32 $0x88, s3;
	s6 =	simm.s32 @!p1 $0x1082;
	[sflag:s4] =	ssyncset.s32 $0xFFFFF086  }
0x25: {  	[simem:s6], [sflag:s4] =	dma.local [hbm:s3], $0xF7A  }
0x26: {  	[smem:$0x3F99] =	sst s1;
	(tag) =	ssettag s2;
	_ =	strace s9  }
0x27: {  	s1 =	sld [smem:$0x3FA9]  }
0x28: {  	s2 =	sld [smem:$0x3FAA]  }
0x29: {  	s4 =	sld [smem:$0x3FAC]  }
0x2a: {  	p0 =	seq.s32 s5, $0x0;
	s5 =	sld [smem:$0x3FAD]  }
0x2b: {  	s6 =	sld [smem:$0x3FAE]  }
0x2c: {  	s7 =	sld [smem:$0x3FAF]  }
0x2d: {  	s3 =	simm.s32 $0x108;
	s8 =	sld [smem:$0x3FB0]  }
0x2e: {  	s3 =	simm.s32 @!p0 $0x1082;
	s9 =	sld [smem:$0x3FB1]  }
0x2f: {  	lr =	sadd.s32 s0, s3;
	s0 =	sld [smem:$0x3FA8]  }
0x30: {  	s3 =	sld [smem:$0x3FAB]  }
0x31: {  	[smem:$0x3FB4] =	sst s10  }
0x32: {  	s10 =	sld [smem:$0x3FB2];
	_ =	sdelay $0x3  }
0x33: {  	p0 =	seq.s32 s10, $0x1;
	s10 =	sld [smem:$0x3FB4];
	_ =	sdelay $0x3  }
0x34: {  	[smem:$0x3FB4] =	sst s10  }
0x35: {  	s10 =	sld [smem:$0x3FB3];
	_ =	sdelay $0x3  }
0x36: {  	p1 =	seq.s32 s10, $0x1;
	s10 =	sld [smem:$0x3FB4];
	_ =	sdelay $0x3  }
0x37: {  	[smem:$0x3FB4] =	sst s10  }
0x38: {  	s10 =	sld [smem:$0x3FB5]  }
0x39: {  	_ = 	snop;
	(pc) =	sbr.ind lr, $3  }
0x3a: {  	_ = 	snop  }
0x3b: {  	_ = 	snop  }
0x3c: {  	p2 =	seq.s32 s10, $0x1;
	s10 =	sld [smem:$0x3FB4]  }
0x3d: {  	_ =	shalt  }
0x3e: {  	_ =	shalt  }
0x3f: {  	_ =	shalt  }
0x40: {  	_ =	shalt  }
0x41: {  	_ =	shalt  }
0x42: {  	_ =	shalt  }
0x43: {  	_ =	shalt  }
0x44: {  	_ =	shalt  }
0x45: {  	_ =	shalt  }
0x46: {  	_ =	shalt  }
0x47: {  	_ =	shalt  }
0x48: {  	_ =	shalt  }
0x49: {  	_ =	shalt  }
0x4a: {  	_ =	shalt  }
0x4b: {  	_ =	shalt  }
0x4c: {  	_ =	shalt  }
0x4d: {  	_ =	shalt  }
0x4e: {  	_ =	shalt  }
0x4f: {  	_ =	shalt  }
0x50: {  	_ =	shalt  }
0x51: {  	_ =	shalt  }
0x52: {  	_ =	shalt  }
0x53: {  	_ =	shalt  }
0x54: {  	_ =	shalt  }
0x55: {  	_ =	shalt  }
0x56: {  	_ =	shalt  }
0x57: {  	_ =	shalt  }
0x58: {  	_ =	shalt  }
0x59: {  	_ =	shalt  }
0x5a: {  	_ =	shalt  }
0x5b: {  	_ =	shalt  }
0x5c: {  	_ =	shalt  }
0x5d: {  	_ =	shalt  }
0x5e: {  	_ =	shalt  }
0x5f: {  	_ =	shalt  }
0x60: {  	_ =	shalt  }
0x61: {  	_ =	shalt  }
0x62: {  	_ =	shalt  }
0x63: {  	_ =	shalt  }
0x64: {  	_ =	shalt  }
0x65: {  	_ =	shalt  }
0x66: {  	_ =	shalt  }
0x67: {  	_ =	shalt  }
0x68: {  	_ =	shalt  }
0x69: {  	_ =	shalt  }
0x6a: {  	_ =	shalt  }
0x6b: {  	_ =	shalt  }
0x6c: {  	_ =	shalt  }
0x6d: {  	_ =	shalt  }
0x6e: {  	_ =	shalt  }
0x6f: {  	_ =	shalt  }
0x70: {  	_ =	shalt  }
0x71: {  	_ =	shalt  }
0x72: {  	_ =	shalt  }
0x73: {  	_ =	shalt  }
0x74: {  	_ =	shalt  }
0x75: {  	_ =	shalt  }
0x76: {  	_ =	shalt  }
0x77: {  	_ =	shalt  }
0x78: {  	_ =	shalt  }
0x79: {  	_ =	shalt  }
0x7a: {  	_ =	shalt  }
0x7b: {  	_ =	shalt  }
0x7c: {  	_ =	shalt  }
0x7d: {  	_ =	shalt  }
0x7e: {  	_ =	shalt  }
0x7f: {  	_ =	shalt  }
0x80: {  	_ =	shalt  }
0x81: {  	_ =	shalt  }
0x82: {  	_ =	shalt  }
0x83: {  	_ =	shalt  }
0x84: {  	_ =	shalt  }
0x85: {  	_ =	shalt  }
0x86: {  	_ =	shalt  }
0x87: {  	_ =	shalt  }
.Lfunc_end0:
.L_simem_size_0:
called_computation.1_lowered:
.L_overlay_start_0:
0x88: {  	s2 =	sld [smem:$0x3FD9]  }
0x89: {  	s3 =	sld [smem:$0x3FFE];
	_ =	sdelay $0x1  }
0x8a: {  	s1 =	srdreg.scid  }
0x8b: {  	s0 =	sand.u32 $0x1, s1  }
0x8c: {  	s17 =	sshll.u32 s0, $0xA;
	s2 =	sadd.s32 s3, s2  }
0x8d: {  	s2 =	sadd.s32 s2, s17  }
0x8e: {  	[smem:$0x3FC0] =	sst s2  }
0x8f: {  	_ = 	snop  }
0x90: {  	s2 =	sld [smem:$0x3FD0];
	(tm) =	ssettm $0x1  }
0x91: {  	s18 =	sld [smem:$0x3FFB];
	_ =	sdelay $0x3  }
0x92: {  	_ =	strace s18  }
0x93: {  	s3 =	sld [smem:$0x3FFC];
	_ =	sdelay $0x3  }
0x94: {  	_ =	strace s3  }
0x95: {  	s3 =	sld [smem:$0x3FFD];
	_ =	sdelay $0x3  }
0x96: {  	_ =	strace s3  }
0x97: {  	_ =	strace $0x8FFFFFFF  }
0x98: {  	s19 =	sld [smem:$0x3FDB];
	_ =	sdelay $0x1  }
0x99: {  	s4 =	simm.s32 $_scs_section_size  }
0x9a: {  	s5 =	simm.s32 $_size__tile_overlayer_lowered;
	s6 =	simm.s32 $_tile_overlayer_lowered  }
0x9b: {  	s22 =	simm.s32 $0x1BFF;
	s21 =	sshll.u32 s6, $0x1;
	s3 =	sadd.s32 s4, s19  }
0x9c: {  	s7 =	simm.s32 $0x0;
	s20 =	sshll.u32 s5, $0x1;
	s5 =	sadd.s32 s21, s3  }
0x9d: {  	[timem:s7], [sflag:s22] =	dma.local [hbm:s5], s20  }
0x9e: {  	_ =	swait.ge [sflag:s22], s20  }
0x9f: {  	s4 =	ssub.s32 $0x0, s20;
	[sflag:s22] =	ssyncset.done $0x0  }
0xa0: {  	[sflag:s22] =	ssyncadd.s32 s4;
	_ =	sdelay $0x1  }
0xa1: {  	s23 =	simm.s32 $0x1B8B  }
0xa2: {  	_ =	swait.ge [sflag:s23], $0x1  }
0xa3: {  	[sflag:s23] =	ssyncset.done $0x0  }
0xa4: {  	s25 =	simm.s32 $0x1B8E;
	s24 =	sld [smem:$0x3FFE];
	[sflag:s23] =	ssyncadd.s32 $0xFFFFFFFF  }
0xa5: {  	s26 =	simm.s32 $execute0_lowered;
	[smem:$0x3FD2] =	sst s25  }
0xa6: {  	s5 =	sshll.u32 s26, $0x1;
	_ =	strace $0x80000049;
	[dreg:$0x1] =	wrdreg $0xFFFFFFFF  }
0xa7: {  	s28 =	simm.s32 $_size_execute0_lowered;
	s3 =	sadd.s32 s3, s5;
	[dreg:$0x0] =	wrdreg $0x0  }
0xa8: {  	s5 =	sshll.u32 s28, $0x1;
	[dreg:$0x2] =	wrdreg s3  }
0xa9: {  	[dreg:$0x3] =	wrdreg s5  }
0xaa: {  	[dreg:$0x4] =	wrdreg $0xC0  }
0xab: {  	_ =	task [dreg:s7], $0x5FFFF  }
0xac: {  	[dreg:$0x1] =	wrdreg $0xFFFFFFFF  }
0xad: {  	[dreg:$0x0] =	wrdreg $0x60  }
0xae: {  	[dreg:$0x2] =	wrdreg s2  }
0xaf: {  	[dreg:$0x3] =	wrdreg s24  }
0xb0: {  	[dreg:$0x4] =	wrdreg $0x9  }
0xb1: {  	_ =	task.clear_ibuf [dreg:s7], $0x5FFFF;
	_ =	strace $0x90000049  }
0xb2: {  	s29 =	simm.s32 $0x9;
	_ =	strace $0x8000004B  }
0xb3: {  	_ =	swait.ge [sflag:s29], $0x1  }
0xb4: {  	[sflag:s29] =	ssyncadd.s32 $0xFFFFFFFF  }
0xb5: {  	_ =	strace $0x9000004B  }
0xb6: {  	_ =	sfence  }
0xb7: {  	s30 =	sld [smem:$0x0];
	_ =	sdelay $0x2  }
0xb8: {  	s31 =	sshll.u32 s1, $0xD;
	s1 =	sshrl.u32 s1, $0x2  }
0xb9: {  	s3 =	sand.u32 $0x4000, s31;
	s1 =	sadd.s32 s1, s30  }
0xba: {  	s0 =	sor.u32 s3, s0;
	s1 =	sshll.u32 s1, $0x11  }
0xbb: {  	s0 =	sor.u32 s1, s0  }
0xbc: {  	s0 =	sadd.s32 $0x8F2B, s0  }
0xbd: {  	[sflag:s0] =	ssyncadd.remote.s32 $0x1  }
0xbe: {  	_ =	sfence.sel $0xFFFF  }
0xbf: {  	[dreg:$0x0] =	wrdreg $0xFFFFFFFF;
	(pc) =	sbr.abs _section_cstart, $3  }
0xc0: {  	[dreg:$0x1] =	wrdreg $0xFFFFFFFF  }
0xc1: {  	_ =	task.clear_ibuf [dreg:s7], $0x2FFFF;
	_ =	strace $0x9FFFFFFF  }
0xc2: {  	(tm) =	ssettm $0x7FFFFFFF  }
0xc3: {  	_ =	shalt  }
tec
execute0_lowered:
.L_overlay_start_1:
0x0: {  	(tag) =	ssettag $0x1  }
0x1: {  	s1 =	srdreg.scid  }
0x2: {  	s3 =	rddreg [dreg:$0x0];
	s0 =	stileid.u32;
	s10 =	sand.u32 $0x1, s1  }
0x3: {  	s11 =	rddreg [dreg:$0x1];
	s4 =	sshll.u32 s0, $0x9;
	s5 =	sshll.u32 s10, $0x8  }
0x4: {  	s2 =	simm.s32 $0x0;
	s1 =	rddreg [dreg:$0x2];
	s12 =	sor.u32 s5, s4  }
0x5: {  	[smem:$0x7FF] =	sst s2;
	s4 =	sshrl.u32 s12, $0x3  }
0x6: {  	_ =	strace $0x8000004A;
	s4 =	sadd.s32 s3, s4;
	s3 =	simm.s32 $0x2  }
0x7: {  	[tilespmem:s2], [sflag:$0x2] =	stream.linear.gather [hbm4b:s4+s2], $0x100, $0x38;
	[tilespmem:$0x8100] =	vst v63  }
0x8: {  	_ =	swait.ge [sflag:s3], $0x100  }
0x9: {  	s6 =	simm.s32 $0x80;
	[sflag:s3] =	ssyncset.done $0x0  }
0xa: {  	s7 =	simm.s32 $0x100;
	s5 =	sadd.s32 $0x43600, s11;
	[sflag:s3] =	ssyncadd.s32 $0xFFFFFF00  }
0xb: {  	[tilespmem:s7], [sflag:$0x1] =	stream.indirect.gather [hbm4b:s5+s6], $0x80, s2, s6, $0xb8;
	[tilespmem:$0x8100] =	vst v63  }
0xc: {  	s8 =	simm.s32 $0x4100;
	s9 =	simm.s32 $0x1;
	s10 =	ssub.s32 $0x2, s10  }
0xd: {  	[tilespmem:s8], [sflag:$0x1] =	stream.indirect.gather [hbm4b:s5+s6], $0x80, s6, s6, $0xb8;
	[tilespmem:$0x8100] =	vst v63  }
0xe: {  	s13 =	sshrl.u32 s10, $0x1;
	_ =	swait.ge [sflag:s9], $0x4000  }
0xf: {  	s30 =	ssub.s32 s10, s13;
	[sflag:s9] =	ssyncset.done $0x0  }
0x10: {  	s31 =	smax.u32 s30, $0x1;
	[sflag:s9] =	ssyncadd.s32 $0xFFFFC000  }
0x11: {  	s12 =	sshll.u32 s12, $0x4;
	p0 =	sne.s32 s31, $0x1;
	_ =	swait.ge [sflag:s9], $0x4000  }
.Ltmp0:
0x12: {  	s11 =	sadd.s32 s12, s11;
	[sflag:s9] =	ssyncset.done $0x0;
	(pc) =	sbr.rel @!p0 .LBB2_2-.Ltmp0, $4  }
0x13: {  	s10 =	sadd.s32 $0x1D3A00, s11;
	[sflag:s9] =	ssyncadd.s32 $0xFFFFC000  }
0x14: {  	[hbm4b:s10+s2] =	stream.linear.scatter [tilespmem:s7], [sflag:$0x2], $0x8000, $0x38;
	[tilespmem:$0x8100] =	vst v63  }
0x15: {  	_ =	swait.ge [sflag:s3], $0x8000  }
0x16: {  	s11 =	sadd.s32 $0xFFFFFFFF, s31;
	[sflag:s3] =	ssyncset.done $0x0  }
.LBB2_1:
0x17: {  	p0 =	sne.s32 s11, $0x1;
	s11 =	sadd.s32 $0xFFFFFFFF, s11;
	[sflag:s3] =	ssyncadd.s32 $0xFFFF8000  }
0x18: {  	[tilespmem:s2], [sflag:$0x2] =	stream.linear.gather [hbm4b:s4+s2], $0x100, $0x38;
	[tilespmem:$0x8100] =	vst v63  }
0x19: {  	_ =	swait.ge [sflag:s3], $0x100  }
0x1a: {  	[sflag:s3] =	ssyncset.done $0x0  }
0x1b: {  	[sflag:s3] =	ssyncadd.s32 $0xFFFFFF00  }
0x1c: {  	[tilespmem:s7], [sflag:$0x1] =	stream.indirect.gather [hbm4b:s5+s6], $0x80, s2, s6, $0xb8;
	[tilespmem:$0x8100] =	vst v63  }
0x1d: {  	_ = 	snop  }
0x1e: {  	[tilespmem:s8], [sflag:$0x1] =	stream.indirect.gather [hbm4b:s5+s6], $0x80, s6, s6, $0xb8;
	[tilespmem:$0x8100] =	vst v63  }
0x1f: {  	_ =	swait.ge [sflag:s9], $0x4000  }
0x20: {  	[sflag:s9] =	ssyncset.done $0x0  }
0x21: {  	[sflag:s9] =	ssyncadd.s32 $0xFFFFC000  }
0x22: {  	_ =	swait.ge [sflag:s9], $0x4000  }
.Ltmp1:
0x23: {  	[sflag:s9] =	ssyncset.done $0x0;
	(pc) =	sbr.rel @p0 .LBB2_1-.Ltmp1, $4  }
0x24: {  	[sflag:s9] =	ssyncadd.s32 $0xFFFFC000  }
0x25: {  	[hbm4b:s10+s2] =	stream.linear.scatter [tilespmem:s7], [sflag:$0x2], $0x8000, $0x38;
	[tilespmem:$0x8100] =	vst v63  }
0x26: {  	_ =	swait.ge [sflag:s3], $0x8000  }
0x27: {  	[sflag:s3] =	ssyncset.done $0x0  }
.LBB2_2:
0x28: {  	[sflag:s3] =	ssyncadd.s32 $0xFFFF8000  }
0x29: {  	_ =	sfence.sel $0x180000  }
0x2a: {  	[bflag:$0x0] =	sbarrier.arrive $0xFFFF  }
0x2b: {  	p0 =	sne.s32 s0, $0x0;
	_ =	strace $0x9000004A  }
0x2c: {  	s0 =	sadd.s32 @!p0 $0x100000, s1;
	[bflag:$0x2] =	sbarrier.arrive $0xFFFF  }
0x2d: {  	[sflag:s0] =	ssyncadd.tile.s32 @!p0 $0x1;
	_ =	shalt  }
.Lfunc_end2:
_tile_overlayer_lowered:
.L_overlay_start_2:
0x2e: {  	(tag) =	ssettag $0x2  }
0x2f: {  	s0 =	rddreg [dreg:$0x0];
	s2 =	stileid.u32  }
0x30: {  	s1 =	rddreg [dreg:$0x1];
	p0 =	sne.s32 s2, $0x0  }
0x31: {  	s3 =	rddreg [dreg:$0x2];
	[bflag:$0x3] =	sbarrier.arrive $0xFFFF;
	s2 =	simm.s32 @!p0 $0x1C02  }
0x32: {  	[timem:s3], [sflag:s2] =	dma.local @!p0 [hbm:s0], s1  }
0x33: {  	s0 =	simm.s32 @!p0 $0x2  }
0x34: {  	_ =	swait.ge @!p0 [sflag:s0], s1  }
0x35: {  	s1 =	ssub.s32 @!p0 $0x0, s1;
	[sflag:s0] =	ssyncset.done @!p0 $0x0  }
0x36: {  	[sflag:s0] =	ssyncadd.s32 @!p0 s1  }
0x37: {  	[bflag:$0x3] =	sbarrier.arrive $0xFFFF  }
0x38: {  	_ =	shalt  }

// kernel: kernel.14.cloned.1.call-start
scs
__scs_entry_jumppad:
0x0: {  	(pc) =	sbr.rel $0x88, $3  }
0x1: {  	(tag) =	ssettag $0x0;
	lr =	simm.s32 $0x1  }
0x2: {  	[smem:$0x3F99] =	sst lr;
	_ =	strace $0xD0000000  }
0x3: {  	_ = 	snop  }
0x4: {  	_ = 	snop  }
0x5: {  	_ = 	snop  }
0x6: {  	_ = 	snop  }
0x7: {  	_ = 	snop  }
__scs_overlays_trampoline_lowered:
0x8: {  	[smem:$0x3FA8] =	sst s0  }
0x9: {  	[smem:$0x3FA9] =	sst s1  }
0xa: {  	[smem:$0x3FAA] =	sst s2  }
0xb: {  	[smem:$0x3FAB] =	sst s3  }
0xc: {  	[smem:$0x3FAC] =	sst s4  }
0xd: {  	[smem:$0x3FAD] =	sst s5  }
0xe: {  	[smem:$0x3FAE] =	sst s6  }
0xf: {  	[smem:$0x3FAF] =	sst s7  }
0x10: {  	[smem:$0x3FB0] =	sst s8  }
0x11: {  	[smem:$0x3FB1] =	sst s9;
	s0 =	simm.s32 @!p0 $0x0  }
0x12: {  	s1 =	sld [smem:$0x3F97];
	s0 =	simm.s32 @p0 $0x1  }
0x13: {  	[smem:$0x3FB2] =	sst s0;
	s0 =	simm.s32 @!p1 $0x0  }
0x14: {  	s2 =	sld [smem:$0x3F96];
	s0 =	simm.s32 @p1 $0x1  }
0x15: {  	[smem:$0x3FB3] =	sst s0;
	s0 =	simm.s32 @!p2 $0x0  }
0x16: {  	s3 =	sld [smem:$0x3FDB];
	s0 =	simm.s32 @p2 $0x1  }
0x17: {  	s4 =	simm.s32 $0x1BF5;
	[smem:$0x3FB5] =	sst s0  }
0x18: {  	s0 =	sld [smem:$0x3F98];
	_ =	swait.ge [sflag:s4], $0x0  }
0x19: {  	s7 =	sld [smem:$0x3F99]  }
0x1a: {  	s8 =	sadd.s32 $0xFFFFE003, lr  }
0x1b: {  	s9 =	sadd.s32 $0xFFFFFEF7, lr;
	s5 =	simm.s32 $0xFFFFFFFF;
	p2 =	slt.u32 s8, $0xFFFFF086  }
0x1c: {  	p1 =	slt.u32 s9, $0xF7A;
	s5 =	simm.s32 @!p2 $0x0  }
0x1d: {  	s5 =	simm.s32 @p1 $0x1;
	p0 =	seq.s32 s7, s2  }
0x1e: {  	s7 =	smul.u32 @!p0 $0xF7A, s2;
	p2 =	seq.s32 @!p0 s5, $0x0  }
0x1f: {  	s9 =	smul.u32 $0xF7A, s1;
	s8 =	simm.s32 @!p0 $0x1BF5;
	p2 =	por !p2, p0  }
0x20: {  	[sflag:s8] =	ssyncset.s32 @!p0 $0xFFFFF086;
	s6 =	sadd.s32 @!p0 s3, s7;
	s7 =	simm.s32 @!p0 $0x108  }
0x21: {  	s3 =	sadd.s32 s3, s9;
	s6 =	sadd.s32 @!p0 $0x88, s6;
	s7 =	simm.s32 @p2 $0x1082  }
0x22: {  	[simem:s7], [sflag:s8] =	dma.local @!p0 [hbm:s6], $0xF7A  }
0x23: {  	s9 =	sor.u32 $0xD0000000, s2;
	s6 =	simm.s32 $0x108;
	_ =	swait.ge @!p0 [sflag:s8], $0x0  }
0x24: {  	s3 =	sadd.s32 $0x88, s3;
	s6 =	simm.s32 @!p1 $0x1082;
	[sflag:s4] =	ssyncset.s32 $0xFFFFF086  }
0x25: {  	[simem:s6], [sflag:s4] =	dma.local [hbm:s3], $0xF7A  }
0x26: {  	[smem:$0x3F99] =	sst s1;
	(tag) =	ssettag s2;
	_ =	strace s9  }
0x27: {  	s1 =	sld [smem:$0x3FA9]  }
0x28: {  	s2 =	sld [smem:$0x3FAA]  }
0x29: {  	s4 =	sld [smem:$0x3FAC]  }
0x2a: {  	p0 =	seq.s32 s5, $0x0;
	s5 =	sld [smem:$0x3FAD]  }
0x2b: {  	s6 =	sld [smem:$0x3FAE]  }
0x2c: {  	s7 =	sld [smem:$0x3FAF]  }
0x2d: {  	s3 =	simm.s32 $0x108;
	s8 =	sld [smem:$0x3FB0]  }
0x2e: {  	s3 =	simm.s32 @!p0 $0x1082;
	s9 =	sld [smem:$0x3FB1]  }
0x2f: {  	lr =	sadd.s32 s0, s3;
	s0 =	sld [smem:$0x3FA8]  }
0x30: {  	s3 =	sld [smem:$0x3FAB]  }
0x31: {  	[smem:$0x3FB4] =	sst s10  }
0x32: {  	s10 =	sld [smem:$0x3FB2];
	_ =	sdelay $0x3  }
0x33: {  	p0 =	seq.s32 s10, $0x1;
	s10 =	sld [smem:$0x3FB4];
	_ =	sdelay $0x3  }
0x34: {  	[smem:$0x3FB4] =	sst s10  }
0x35: {  	s10 =	sld [smem:$0x3FB3];
	_ =	sdelay $0x3  }
0x36: {  	p1 =	seq.s32 s10, $0x1;
	s10 =	sld [smem:$0x3FB4];
	_ =	sdelay $0x3  }
0x37: {  	[smem:$0x3FB4] =	sst s10  }
0x38: {  	s10 =	sld [smem:$0x3FB5]  }
0x39: {  	_ = 	snop;
	(pc) =	sbr.ind lr, $3  }
0x3a: {  	_ = 	snop  }
0x3b: {  	_ = 	snop  }
0x3c: {  	p2 =	seq.s32 s10, $0x1;
	s10 =	sld [smem:$0x3FB4]  }
0x3d: {  	_ =	shalt  }
0x3e: {  	_ =	shalt  }
0x3f: {  	_ =	shalt  }
0x40: {  	_ =	shalt  }
0x41: {  	_ =	shalt  }
0x42: {  	_ =	shalt  }
0x43: {  	_ =	shalt  }
0x44: {  	_ =	shalt  }
0x45: {  	_ =	shalt  }
0x46: {  	_ =	shalt  }
0x47: {  	_ =	shalt  }
0x48: {  	_ =	shalt  }
0x49: {  	_ =	shalt  }
0x4a: {  	_ =	shalt  }
0x4b: {  	_ =	shalt  }
0x4c: {  	_ =	shalt  }
0x4d: {  	_ =	shalt  }
0x4e: {  	_ =	shalt  }
0x4f: {  	_ =	shalt  }
0x50: {  	_ =	shalt  }
0x51: {  	_ =	shalt  }
0x52: {  	_ =	shalt  }
0x53: {  	_ =	shalt  }
0x54: {  	_ =	shalt  }
0x55: {  	_ =	shalt  }
0x56: {  	_ =	shalt  }
0x57: {  	_ =	shalt  }
0x58: {  	_ =	shalt  }
0x59: {  	_ =	shalt  }
0x5a: {  	_ =	shalt  }
0x5b: {  	_ =	shalt  }
0x5c: {  	_ =	shalt  }
0x5d: {  	_ =	shalt  }
0x5e: {  	_ =	shalt  }
0x5f: {  	_ =	shalt  }
0x60: {  	_ =	shalt  }
0x61: {  	_ =	shalt  }
0x62: {  	_ =	shalt  }
0x63: {  	_ =	shalt  }
0x64: {  	_ =	shalt  }
0x65: {  	_ =	shalt  }
0x66: {  	_ =	shalt  }
0x67: {  	_ =	shalt  }
0x68: {  	_ =	shalt  }
0x69: {  	_ =	shalt  }
0x6a: {  	_ =	shalt  }
0x6b: {  	_ =	shalt  }
0x6c: {  	_ =	shalt  }
0x6d: {  	_ =	shalt  }
0x6e: {  	_ =	shalt  }
0x6f: {  	_ =	shalt  }
0x70: {  	_ =	shalt  }
0x71: {  	_ =	shalt  }
0x72: {  	_ =	shalt  }
0x73: {  	_ =	shalt  }
0x74: {  	_ =	shalt  }
0x75: {  	_ =	shalt  }
0x76: {  	_ =	shalt  }
0x77: {  	_ =	shalt  }
0x78: {  	_ =	shalt  }
0x79: {  	_ =	shalt  }
0x7a: {  	_ =	shalt  }
0x7b: {  	_ =	shalt  }
0x7c: {  	_ =	shalt  }
0x7d: {  	_ =	shalt  }
0x7e: {  	_ =	shalt  }
0x7f: {  	_ =	shalt  }
0x80: {  	_ =	shalt  }
0x81: {  	_ =	shalt  }
0x82: {  	_ =	shalt  }
0x83: {  	_ =	shalt  }
0x84: {  	_ =	shalt  }
0x85: {  	_ =	shalt  }
0x86: {  	_ =	shalt  }
0x87: {  	_ =	shalt  }
.Lfunc_end0:
.L_simem_size_0:
called_computation.2_lowered:
.L_overlay_start_0:
0x88: {  	s2 =	sld [smem:$0x3FD9]  }
0x89: {  	s3 =	sld [smem:$0x3FFE];
	_ =	sdelay $0x1  }
0x8a: {  	s1 =	srdreg.scid  }
0x8b: {  	s0 =	sand.u32 $0x1, s1  }
0x8c: {  	s17 =	sshll.u32 s0, $0xA;
	s2 =	sadd.s32 s3, s2  }
0x8d: {  	s2 =	sadd.s32 s2, s17  }
0x8e: {  	[smem:$0x3FC0] =	sst s2  }
0x8f: {  	_ = 	snop  }
0x90: {  	(tm) =	ssettm $0x1  }
0x91: {  	s18 =	sld [smem:$0x3FFB];
	_ =	sdelay $0x3  }
0x92: {  	_ =	strace s18  }
0x93: {  	s2 =	sld [smem:$0x3FFC];
	_ =	sdelay $0x3  }
0x94: {  	_ =	strace s2  }
0x95: {  	s2 =	sld [smem:$0x3FFD];
	_ =	sdelay $0x3  }
0x96: {  	_ =	strace s2  }
0x97: {  	_ =	strace $0x8FFFFFFF  }
0x98: {  	s19 =	sld [smem:$0x3FDB];
	_ =	sdelay $0x1  }
0x99: {  	s20 =	simm.s32 $_scs_section_size  }
0x9a: {  	s4 =	simm.s32 $_size__tile_overlayer_lowered;
	s5 =	simm.s32 $_tile_overlayer_lowered  }
0x9b: {  	s6 =	simm.s32 $0x1BFF;
	s21 =	sshll.u32 s5, $0x1;
	s3 =	sadd.s32 s20, s19  }
0x9c: {  	s22 =	simm.s32 $0x0;
	s4 =	sshll.u32 s4, $0x1;
	s5 =	sadd.s32 s21, s3  }
0x9d: {  	[timem:s22], [sflag:s6] =	dma.local [hbm:s5], s4  }
0x9e: {  	_ =	swait.ge [sflag:s6], s4  }
0x9f: {  	s4 =	ssub.s32 $0x0, s4;
	[sflag:s6] =	ssyncset.done $0x0  }
0xa0: {  	[sflag:s6] =	ssyncadd.s32 s4;
	_ =	sdelay $0x1  }
0xa1: {  	s23 =	simm.s32 $0x1B8B  }
0xa2: {  	_ =	swait.ge [sflag:s23], $0x1  }
0xa3: {  	[sflag:s23] =	ssyncset.done $0x0  }
0xa4: {  	[sflag:s23] =	ssyncadd.s32 $0xFFFFFFFF  }
0xa5: {  	s4 =	sld [smem:$0x0]  }
0xa6: {  	s5 =	sand.u32 $0xFFFFFFFE, s1  }
0xa7: {  	p0 =	sne.s32 s1, s5  }
0xa8: {  	s5 =	sshll.u32 @p0 s5, $0xE  }
0xa9: {  	s5 =	sadd.s32 @p0 $0x11B8D, s5;
	s6 =	sshll.u32 @p0 s4, $0x11  }
0xaa: {  	s5 =	sor.u32 @p0 s6, s5  }
0xab: {  	[sflag:s5] =	ssyncadd.remote.s32 @p0 $0x1;
	_ =	sdelay $0x1  }
0xac: {  	s5 =	simm.s32 @p0 $0x1B8D  }
0xad: {  	_ =	swait.eq @p0 [sflag:s5], $0x1  }
0xae: {  	[sflag:s5] =	ssyncadd.s32 @p0 $0xFFFFFFFF  }
0xaf: {  	s6 =	sshll.u32 @!p0 s1, $0xE  }
0xb0: {  	s6 =	sor.u32 @!p0 $0x4000, s6;
	s5 =	simm.s32 @!p0 $0x1B8D  }
0xb1: {  	s4 =	sshll.u32 @!p0 s4, $0x11;
	s6 =	sadd.s32 @!p0 $0x11B8D, s6;
	_ =	swait.eq @!p0 [sflag:s5], $0x1  }
0xb2: {  	s4 =	sor.u32 @!p0 s4, s6;
	[sflag:s5] =	ssyncadd.s32 @!p0 $0xFFFFFFFF  }
0xb3: {  	s25 =	simm.s32 $0x1B8E;
	s24 =	sld [smem:$0x3FFE];
	[sflag:s4] =	ssyncadd.remote.s32 @!p0 $0x1  }
0xb4: {  	s26 =	simm.s32 $execute0_lowered;
	[smem:$0x3FD2] =	sst s25  }
0xb5: {  	s5 =	sshll.u32 s26, $0x1;
	_ =	strace $0x8000004C;
	[dreg:$0x1] =	wrdreg $0xFFFFFFFF  }
0xb6: {  	s28 =	simm.s32 $_size_execute0_lowered;
	s3 =	sadd.s32 s3, s5;
	[dreg:$0x0] =	wrdreg $0x0  }
0xb7: {  	s5 =	sshll.u32 s28, $0x1;
	[dreg:$0x2] =	wrdreg s3  }
0xb8: {  	[dreg:$0x3] =	wrdreg s5  }
0xb9: {  	[dreg:$0x4] =	wrdreg $0xC0  }
0xba: {  	_ =	task [dreg:s22], $0x5FFFF  }
0xbb: {  	[dreg:$0x1] =	wrdreg $0xFFFFFFFF  }
0xbc: {  	[dreg:$0x0] =	wrdreg $0x60  }
0xbd: {  	[dreg:$0x2] =	wrdreg s24  }
0xbe: {  	[dreg:$0x3] =	wrdreg $0xA  }
0xbf: {  	_ =	task.clear_ibuf [dreg:s22], $0x4FFFF;
	_ =	strace $0x9000004C  }
0xc0: {  	s29 =	simm.s32 $0xA;
	_ =	strace $0x8000004E  }
0xc1: {  	_ =	swait.ge [sflag:s29], $0x1  }
0xc2: {  	[sflag:s29] =	ssyncadd.s32 $0xFFFFFFFF  }
0xc3: {  	_ =	strace $0x9000004E  }
0xc4: {  	_ =	sfence  }
0xc5: {  	s30 =	sld [smem:$0x0];
	_ =	sdelay $0x2  }
0xc6: {  	s31 =	sshll.u32 s1, $0xD;
	s1 =	sshrl.u32 s1, $0x2  }
0xc7: {  	s4 =	sand.u32 $0x4000, s31;
	s1 =	sadd.s32 s1, s30  }
0xc8: {  	s0 =	sor.u32 s4, s0;
	s1 =	sshll.u32 s1, $0x11  }
0xc9: {  	s0 =	sor.u32 s1, s0  }
0xca: {  	s0 =	sadd.s32 $0x8F2B, s0  }
0xcb: {  	[sflag:s0] =	ssyncadd.remote.s32 $0x1  }
0xcc: {  	_ =	sfence.sel $0xFFFF  }
0xcd: {  	[dreg:$0x0] =	wrdreg $0xFFFFFFFF;
	(pc) =	sbr.abs _section_cstart, $3  }
0xce: {  	[dreg:$0x1] =	wrdreg $0xFFFFFFFF  }
0xcf: {  	_ =	task.clear_ibuf [dreg:s22], $0x2FFFF;
	_ =	strace $0x9FFFFFFF  }
0xd0: {  	(tm) =	ssettm $0x7FFFFFFF  }
0xd1: {  	_ =	shalt  }
tec
execute0_lowered:
.L_overlay_start_1:
0x0: {  	(tag) =	ssettag $0x1  }
0x1: {  	s1 =	srdreg.scid  }
0x2: {  	s0 =	stileid.u32;
	s10 =	sand.u32 $0x1, s1  }
0x3: {  	s29 =	sshll.u32 s0, $0x9;
	s2 =	sshll.u32 s10, $0x8  }
0x4: {  	s11 =	rddreg [dreg:$0x0];
	s12 =	sor.u32 s2, s29  }
0x5: {  	s1 =	rddreg [dreg:$0x1];
	s2 =	simm.s32 $0x0;
	s3 =	sshrl.u32 s12, $0x3  }
0x6: {  	[smem:$0x7FF] =	sst s2;
	s3 =	sadd.s32 s3, s11  }
0x7: {  	_ =	strace $0x8000004D;
	s4 =	sadd.s32 $0x1D3600, s3;
	s3 =	simm.s32 $0x2  }
0x8: {  	[tilespmem:s2], [sflag:$0x2] =	stream.linear.gather [hbm4b:s4+s2], $0x100, $0x38;
	[tilespmem:$0x8100] =	vst v63  }
0x9: {  	_ =	swait.ge [sflag:s3], $0x100  }
0xa: {  	s6 =	simm.s32 $0x80;
	[sflag:s3] =	ssyncset.done $0x0  }
0xb: {  	s7 =	simm.s32 $0x100;
	s5 =	sadd.s32 $0x43600, s11;
	[sflag:s3] =	ssyncadd.s32 $0xFFFFFF00  }
0xc: {  	[tilespmem:s7], [sflag:$0x1] =	stream.indirect.gather [hbm4b:s5+s6], $0x80, s2, s6, $0xb8;
	[tilespmem:$0x8100] =	vst v63  }
0xd: {  	s8 =	simm.s32 $0x4100;
	s9 =	simm.s32 $0x1;
	s10 =	ssub.s32 $0x2, s10  }
0xe: {  	[tilespmem:s8], [sflag:$0x1] =	stream.indirect.gather [hbm4b:s5+s6], $0x80, s6, s6, $0xb8;
	[tilespmem:$0x8100] =	vst v63  }
0xf: {  	s13 =	sshrl.u32 s10, $0x1;
	_ =	swait.ge [sflag:s9], $0x4000  }
0x10: {  	s30 =	ssub.s32 s10, s13;
	[sflag:s9] =	ssyncset.done $0x0  }
0x11: {  	s31 =	smax.u32 s30, $0x1;
	[sflag:s9] =	ssyncadd.s32 $0xFFFFC000  }
0x12: {  	s12 =	sshll.u32 s12, $0x4;
	p0 =	sne.s32 s31, $0x1;
	_ =	swait.ge [sflag:s9], $0x4000  }
.Ltmp0:
0x13: {  	s11 =	sadd.s32 s12, s11;
	[sflag:s9] =	ssyncset.done $0x0;
	(pc) =	sbr.rel @!p0 .LBB2_2-.Ltmp0, $4  }
0x14: {  	s10 =	sadd.s32 $0x1F3A00, s11;
	[sflag:s9] =	ssyncadd.s32 $0xFFFFC000  }
0x15: {  	[hbm4b:s10+s2] =	stream.linear.scatter [tilespmem:s7], [sflag:$0x2], $0x8000, $0x38;
	[tilespmem:$0x8100] =	vst v63  }
0x16: {  	_ =	swait.ge [sflag:s3], $0x8000  }
0x17: {  	s11 =	sadd.s32 $0xFFFFFFFF, s31;
	[sflag:s3] =	ssyncset.done $0x0  }
.LBB2_1:
0x18: {  	p0 =	sne.s32 s11, $0x1;
	s11 =	sadd.s32 $0xFFFFFFFF, s11;
	[sflag:s3] =	ssyncadd.s32 $0xFFFF8000  }
0x19: {  	[tilespmem:s2], [sflag:$0x2] =	stream.linear.gather [hbm4b:s4+s2], $0x100, $0x38;
	[tilespmem:$0x8100] =	vst v63  }
0x1a: {  	_ =	swait.ge [sflag:s3], $0x100  }
0x1b: {  	[sflag:s3] =	ssyncset.done $0x0  }
0x1c: {  	[sflag:s3] =	ssyncadd.s32 $0xFFFFFF00  }
0x1d: {  	[tilespmem:s7], [sflag:$0x1] =	stream.indirect.gather [hbm4b:s5+s6], $0x80, s2, s6, $0xb8;
	[tilespmem:$0x8100] =	vst v63  }
0x1e: {  	_ = 	snop  }
0x1f: {  	[tilespmem:s8], [sflag:$0x1] =	stream.indirect.gather [hbm4b:s5+s6], $0x80, s6, s6, $0xb8;
	[tilespmem:$0x8100] =	vst v63  }
0x20: {  	_ =	swait.ge [sflag:s9], $0x4000  }
0x21: {  	[sflag:s9] =	ssyncset.done $0x0  }
0x22: {  	[sflag:s9] =	ssyncadd.s32 $0xFFFFC000  }
0x23: {  	_ =	swait.ge [sflag:s9], $0x4000  }
.Ltmp1:
0x24: {  	[sflag:s9] =	ssyncset.done $0x0;
	(pc) =	sbr.rel @p0 .LBB2_1-.Ltmp1, $4  }
0x25: {  	[sflag:s9] =	ssyncadd.s32 $0xFFFFC000  }
0x26: {  	[hbm4b:s10+s2] =	stream.linear.scatter [tilespmem:s7], [sflag:$0x2], $0x8000, $0x38;
	[tilespmem:$0x8100] =	vst v63  }
0x27: {  	_ =	swait.ge [sflag:s3], $0x8000  }
0x28: {  	[sflag:s3] =	ssyncset.done $0x0  }
.LBB2_2:
0x29: {  	[sflag:s3] =	ssyncadd.s32 $0xFFFF8000  }
0x2a: {  	_ =	sfence.sel $0x180000  }
0x2b: {  	[bflag:$0x0] =	sbarrier.arrive $0xFFFF  }
0x2c: {  	p0 =	sne.s32 s0, $0x0;
	_ =	strace $0x9000004D  }
0x2d: {  	s0 =	sadd.s32 @!p0 $0x100000, s1;
	[bflag:$0x2] =	sbarrier.arrive $0xFFFF  }
0x2e: {  	[sflag:s0] =	ssyncadd.tile.s32 @!p0 $0x1;
	_ =	shalt  }
.Lfunc_end2:
_tile_overlayer_lowered:
.L_overlay_start_2:
0x2f: {  	(tag) =	ssettag $0x2  }
0x30: {  	s0 =	rddreg [dreg:$0x0];
	s2 =	stileid.u32  }
0x31: {  	s1 =	rddreg [dreg:$0x1];
	p0 =	sne.s32 s2, $0x0  }
0x32: {  	s3 =	rddreg [dreg:$0x2];
	[bflag:$0x3] =	sbarrier.arrive $0xFFFF;
	s2 =	simm.s32 @!p0 $0x1C02  }
0x33: {  	[timem:s3], [sflag:s2] =	dma.local @!p0 [hbm:s0], s1  }
0x34: {  	s0 =	simm.s32 @!p0 $0x2  }
0x35: {  	_ =	swait.ge @!p0 [sflag:s0], s1  }
0x36: {  	s1 =	ssub.s32 @!p0 $0x0, s1;
	[sflag:s0] =	ssyncset.done @!p0 $0x0  }
0x37: {  	[sflag:s0] =	ssyncadd.s32 @!p0 s1  }
0x38: {  	[bflag:$0x3] =	sbarrier.arrive $0xFFFF  }
0x39: {  	_ =	shalt  }

// kernel: kernel.8.cloned.1.call-start
scs
__scs_entry_jumppad:
0x0: {  	(pc) =	sbr.rel $0x88, $3  }
0x1: {  	(tag) =	ssettag $0x0;
	lr =	simm.s32 $0x1  }
0x2: {  	[smem:$0x3F99] =	sst lr;
	_ =	strace $0xD0000000  }
0x3: {  	_ = 	snop  }
0x4: {  	_ = 	snop  }
0x5: {  	_ = 	snop  }
0x6: {  	_ = 	snop  }
0x7: {  	_ = 	snop  }
__scs_overlays_trampoline_lowered:
0x8: {  	[smem:$0x3FA8] =	sst s0  }
0x9: {  	[smem:$0x3FA9] =	sst s1  }
0xa: {  	[smem:$0x3FAA] =	sst s2  }
0xb: {  	[smem:$0x3FAB] =	sst s3  }
0xc: {  	[smem:$0x3FAC] =	sst s4  }
0xd: {  	[smem:$0x3FAD] =	sst s5  }
0xe: {  	[smem:$0x3FAE] =	sst s6  }
0xf: {  	[smem:$0x3FAF] =	sst s7  }
0x10: {  	[smem:$0x3FB0] =	sst s8  }
0x11: {  	[smem:$0x3FB1] =	sst s9;
	s0 =	simm.s32 @!p0 $0x0  }
0x12: {  	s1 =	sld [smem:$0x3F97];
	s0 =	simm.s32 @p0 $0x1  }
0x13: {  	[smem:$0x3FB2] =	sst s0;
	s0 =	simm.s32 @!p1 $0x0  }
0x14: {  	s2 =	sld [smem:$0x3F96];
	s0 =	simm.s32 @p1 $0x1  }
0x15: {  	[smem:$0x3FB3] =	sst s0;
	s0 =	simm.s32 @!p2 $0x0  }
0x16: {  	s3 =	sld [smem:$0x3FDB];
	s0 =	simm.s32 @p2 $0x1  }
0x17: {  	s4 =	simm.s32 $0x1BF5;
	[smem:$0x3FB5] =	sst s0  }
0x18: {  	s0 =	sld [smem:$0x3F98];
	_ =	swait.ge [sflag:s4], $0x0  }
0x19: {  	s7 =	sld [smem:$0x3F99]  }
0x1a: {  	s8 =	sadd.s32 $0xFFFFE003, lr  }
0x1b: {  	s9 =	sadd.s32 $0xFFFFFEF7, lr;
	s5 =	simm.s32 $0xFFFFFFFF;
	p2 =	slt.u32 s8, $0xFFFFF086  }
0x1c: {  	p1 =	slt.u32 s9, $0xF7A;
	s5 =	simm.s32 @!p2 $0x0  }
0x1d: {  	s5 =	simm.s32 @p1 $0x1;
	p0 =	seq.s32 s7, s2  }
0x1e: {  	s7 =	smul.u32 @!p0 $0xF7A, s2;
	p2 =	seq.s32 @!p0 s5, $0x0  }
0x1f: {  	s9 =	smul.u32 $0xF7A, s1;
	s8 =	simm.s32 @!p0 $0x1BF5;
	p2 =	por !p2, p0  }
0x20: {  	[sflag:s8] =	ssyncset.s32 @!p0 $0xFFFFF086;
	s6 =	sadd.s32 @!p0 s3, s7;
	s7 =	simm.s32 @!p0 $0x108  }
0x21: {  	s3 =	sadd.s32 s3, s9;
	s6 =	sadd.s32 @!p0 $0x88, s6;
	s7 =	simm.s32 @p2 $0x1082  }
0x22: {  	[simem:s7], [sflag:s8] =	dma.local @!p0 [hbm:s6], $0xF7A  }
0x23: {  	s9 =	sor.u32 $0xD0000000, s2;
	s6 =	simm.s32 $0x108;
	_ =	swait.ge @!p0 [sflag:s8], $0x0  }
0x24: {  	s3 =	sadd.s32 $0x88, s3;
	s6 =	simm.s32 @!p1 $0x1082;
	[sflag:s4] =	ssyncset.s32 $0xFFFFF086  }
0x25: {  	[simem:s6], [sflag:s4] =	dma.local [hbm:s3], $0xF7A  }
0x26: {  	[smem:$0x3F99] =	sst s1;
	(tag) =	ssettag s2;
	_ =	strace s9  }
0x27: {  	s1 =	sld [smem:$0x3FA9]  }
0x28: {  	s2 =	sld [smem:$0x3FAA]  }
0x29: {  	s4 =	sld [smem:$0x3FAC]  }
0x2a: {  	p0 =	seq.s32 s5, $0x0;
	s5 =	sld [smem:$0x3FAD]  }
0x2b: {  	s6 =	sld [smem:$0x3FAE]  }
0x2c: {  	s7 =	sld [smem:$0x3FAF]  }
0x2d: {  	s3 =	simm.s32 $0x108;
	s8 =	sld [smem:$0x3FB0]  }
0x2e: {  	s3 =	simm.s32 @!p0 $0x1082;
	s9 =	sld [smem:$0x3FB1]  }
0x2f: {  	lr =	sadd.s32 s0, s3;
	s0 =	sld [smem:$0x3FA8]  }
0x30: {  	s3 =	sld [smem:$0x3FAB]  }
0x31: {  	[smem:$0x3FB4] =	sst s10  }
0x32: {  	s10 =	sld [smem:$0x3FB2];
	_ =	sdelay $0x3  }
0x33: {  	p0 =	seq.s32 s10, $0x1;
	s10 =	sld [smem:$0x3FB4];
	_ =	sdelay $0x3  }
0x34: {  	[smem:$0x3FB4] =	sst s10  }
0x35: {  	s10 =	sld [smem:$0x3FB3];
	_ =	sdelay $0x3  }
0x36: {  	p1 =	seq.s32 s10, $0x1;
	s10 =	sld [smem:$0x3FB4];
	_ =	sdelay $0x3  }
0x37: {  	[smem:$0x3FB4] =	sst s10  }
0x38: {  	s10 =	sld [smem:$0x3FB5]  }
0x39: {  	_ = 	snop;
	(pc) =	sbr.ind lr, $3  }
0x3a: {  	_ = 	snop  }
0x3b: {  	_ = 	snop  }
0x3c: {  	p2 =	seq.s32 s10, $0x1;
	s10 =	sld [smem:$0x3FB4]  }
0x3d: {  	_ =	shalt  }
0x3e: {  	_ =	shalt  }
0x3f: {  	_ =	shalt  }
0x40: {  	_ =	shalt  }
0x41: {  	_ =	shalt  }
0x42: {  	_ =	shalt  }
0x43: {  	_ =	shalt  }
0x44: {  	_ =	shalt  }
0x45: {  	_ =	shalt  }
0x46: {  	_ =	shalt  }
0x47: {  	_ =	shalt  }
0x48: {  	_ =	shalt  }
0x49: {  	_ =	shalt  }
0x4a: {  	_ =	shalt  }
0x4b: {  	_ =	shalt  }
0x4c: {  	_ =	shalt  }
0x4d: {  	_ =	shalt  }
0x4e: {  	_ =	shalt  }
0x4f: {  	_ =	shalt  }
0x50: {  	_ =	shalt  }
0x51: {  	_ =	shalt  }
0x52: {  	_ =	shalt  }
0x53: {  	_ =	shalt  }
0x54: {  	_ =	shalt  }
0x55: {  	_ =	shalt  }
0x56: {  	_ =	shalt  }
0x57: {  	_ =	shalt  }
0x58: {  	_ =	shalt  }
0x59: {  	_ =	shalt  }
0x5a: {  	_ =	shalt  }
0x5b: {  	_ =	shalt  }
0x5c: {  	_ =	shalt  }
0x5d: {  	_ =	shalt  }
0x5e: {  	_ =	shalt  }
0x5f: {  	_ =	shalt  }
0x60: {  	_ =	shalt  }
0x61: {  	_ =	shalt  }
0x62: {  	_ =	shalt  }
0x63: {  	_ =	shalt  }
0x64: {  	_ =	shalt  }
0x65: {  	_ =	shalt  }
0x66: {  	_ =	shalt  }
0x67: {  	_ =	shalt  }
0x68: {  	_ =	shalt  }
0x69: {  	_ =	shalt  }
0x6a: {  	_ =	shalt  }
0x6b: {  	_ =	shalt  }
0x6c: {  	_ =	shalt  }
0x6d: {  	_ =	shalt  }
0x6e: {  	_ =	shalt  }
0x6f: {  	_ =	shalt  }
0x70: {  	_ =	shalt  }
0x71: {  	_ =	shalt  }
0x72: {  	_ =	shalt  }
0x73: {  	_ =	shalt  }
0x74: {  	_ =	shalt  }
0x75: {  	_ =	shalt  }
0x76: {  	_ =	shalt  }
0x77: {  	_ =	shalt  }
0x78: {  	_ =	shalt  }
0x79: {  	_ =	shalt  }
0x7a: {  	_ =	shalt  }
0x7b: {  	_ =	shalt  }
0x7c: {  	_ =	shalt  }
0x7d: {  	_ =	shalt  }
0x7e: {  	_ =	shalt  }
0x7f: {  	_ =	shalt  }
0x80: {  	_ =	shalt  }
0x81: {  	_ =	shalt  }
0x82: {  	_ =	shalt  }
0x83: {  	_ =	shalt  }
0x84: {  	_ =	shalt  }
0x85: {  	_ =	shalt  }
0x86: {  	_ =	shalt  }
0x87: {  	_ =	shalt  }
.Lfunc_end0:
.L_simem_size_0:
called_computation_lowered:
.L_overlay_start_0:
0x88: {  	s2 =	sld [smem:$0x3FD9]  }
0x89: {  	s3 =	sld [smem:$0x3FFE];
	_ =	sdelay $0x1  }
0x8a: {  	s1 =	srdreg.scid  }
0x8b: {  	s0 =	sand.u32 $0x1, s1  }
0x8c: {  	s17 =	sshll.u32 s0, $0xA;
	s2 =	sadd.s32 s3, s2  }
0x8d: {  	s2 =	sadd.s32 s2, s17  }
0x8e: {  	[smem:$0x3FC0] =	sst s2  }
0x8f: {  	_ = 	snop  }
0x90: {  	s2 =	sld [smem:$0x3FC9]  }
0x91: {  	s18 =	sld [smem:$0x3FC7];
	(tm) =	ssettm $0x1  }
0x92: {  	s4 =	sld [smem:$0x3FFB];
	_ =	sdelay $0x3  }
0x93: {  	_ =	strace s4  }
0x94: {  	s4 =	sld [smem:$0x3FFC];
	_ =	sdelay $0x3  }
0x95: {  	_ =	strace s4  }
0x96: {  	s4 =	sld [smem:$0x3FFD];
	_ =	sdelay $0x3  }
0x97: {  	_ =	strace s4  }
0x98: {  	_ =	strace $0x8FFFFFFF  }
0x99: {  	s19 =	sld [smem:$0x3FDB];
	_ =	sdelay $0x1  }
0x9a: {  	s5 =	simm.s32 $_scs_section_size  }
0x9b: {  	s6 =	simm.s32 $_size__tile_overlayer_lowered;
	s7 =	simm.s32 $_tile_overlayer_lowered  }
0x9c: {  	s22 =	simm.s32 $0x1BFF;
	s21 =	sshll.u32 s7, $0x1;
	s4 =	sadd.s32 s5, s19  }
0x9d: {  	s8 =	simm.s32 $0x0;
	s20 =	sshll.u32 s6, $0x1;
	s6 =	sadd.s32 s21, s4  }
0x9e: {  	[timem:s8], [sflag:s22] =	dma.local [hbm:s6], s20  }
0x9f: {  	_ =	swait.ge [sflag:s22], s20  }
0xa0: {  	s5 =	ssub.s32 $0x0, s20;
	[sflag:s22] =	ssyncset.done $0x0  }
0xa1: {  	[sflag:s22] =	ssyncadd.s32 s5;
	_ =	sdelay $0x1  }
0xa2: {  	s23 =	simm.s32 $0x1B8B  }
0xa3: {  	_ =	swait.ge [sflag:s23], $0x1  }
0xa4: {  	[sflag:s23] =	ssyncset.done $0x0  }
0xa5: {  	s25 =	simm.s32 $0x1B8E;
	s24 =	sld [smem:$0x3FFE];
	[sflag:s23] =	ssyncadd.s32 $0xFFFFFFFF  }
0xa6: {  	s26 =	simm.s32 $execute0_lowered;
	[smem:$0x3FD2] =	sst s25  }
0xa7: {  	s6 =	sshll.u32 s26, $0x1;
	_ =	strace $0x80000046;
	[dreg:$0x1] =	wrdreg $0xFFFFFFFF  }
0xa8: {  	s28 =	simm.s32 $_size_execute0_lowered;
	s4 =	sadd.s32 s4, s6;
	[dreg:$0x0] =	wrdreg $0x0  }
0xa9: {  	s6 =	sshll.u32 s28, $0x1;
	[dreg:$0x2] =	wrdreg s4  }
0xaa: {  	[dreg:$0x3] =	wrdreg s6  }
0xab: {  	[dreg:$0x4] =	wrdreg $0xC0  }
0xac: {  	_ =	task [dreg:s8], $0x5FFFF  }
0xad: {  	[dreg:$0x1] =	wrdreg $0xFFFFFFFF  }
0xae: {  	[dreg:$0x0] =	wrdreg $0x60  }
0xaf: {  	[dreg:$0x2] =	wrdreg s2  }
0xb0: {  	[dreg:$0x3] =	wrdreg s18  }
0xb1: {  	[dreg:$0x4] =	wrdreg s24  }
0xb2: {  	[dreg:$0x5] =	wrdreg $0x9  }
0xb3: {  	_ =	task.clear_ibuf [dreg:s8], $0x6FFFF;
	_ =	strace $0x90000046  }
0xb4: {  	s29 =	simm.s32 $0x9;
	_ =	strace $0x80000048  }
0xb5: {  	_ =	swait.ge [sflag:s29], $0x1  }
0xb6: {  	[sflag:s29] =	ssyncadd.s32 $0xFFFFFFFF  }
0xb7: {  	_ =	strace $0x90000048  }
0xb8: {  	_ =	sfence  }
0xb9: {  	s30 =	sld [smem:$0x0];
	_ =	sdelay $0x2  }
0xba: {  	s31 =	sshll.u32 s1, $0xD;
	s1 =	sshrl.u32 s1, $0x2  }
0xbb: {  	s3 =	sand.u32 $0x4000, s31;
	s1 =	sadd.s32 s1, s30  }
0xbc: {  	s0 =	sor.u32 s3, s0;
	s1 =	sshll.u32 s1, $0x11  }
0xbd: {  	s0 =	sor.u32 s1, s0  }
0xbe: {  	s0 =	sadd.s32 $0x8F2B, s0  }
0xbf: {  	[sflag:s0] =	ssyncadd.remote.s32 $0x1  }
0xc0: {  	_ =	sfence.sel $0xFFFF  }
0xc1: {  	[dreg:$0x0] =	wrdreg $0xFFFFFFFF;
	(pc) =	sbr.abs _section_cstart, $3  }
0xc2: {  	[dreg:$0x1] =	wrdreg $0xFFFFFFFF  }
0xc3: {  	_ =	task.clear_ibuf [dreg:s8], $0x2FFFF;
	_ =	strace $0x9FFFFFFF  }
0xc4: {  	(tm) =	ssettm $0x7FFFFFFF  }
0xc5: {  	_ =	shalt  }
tec
execute0_lowered:
.L_overlay_start_1:
0x0: {  	(tag) =	ssettag $0x1  }
0x1: {  	s0 =	rddreg [dreg:$0x0]  }
0x2: {  	s1 =	rddreg [dreg:$0x1]  }
0x3: {  	s2 =	rddreg [dreg:$0x2];
	s4 =	srdreg.scid;
	s3 =	simm.s32 $0x0  }
0x4: {  	s9 =	stileid.u32;
	s10 =	simm.s32 $0x400;
	s11 =	simm.s32 $0x7A1400  }
0x5: {  	s12 =	simm.s32 $0xA00;
	s16 =	simm.s32 $0x4A00;
	s20 =	simm.s32 $0x8A00  }
0x6: {  	s28 =	simm.s32 $0xFA00;
	s29 =	simm.s32 $0x1;
	s30 =	simm.s32 $0x10A00  }
0x7: {  	s31 =	simm.s32 $0x2;
	s13 =	simm.s32 $0x10E00;
	s14 =	simm.s32 $0x4  }
0x8: {  	v0 =	vimm.s32 $0x23222120;
	s15 =	simm.s32 $0x11000;
	s17 =	simm.s32 $0x5;
	s4 =	sand.u32 $0x1, s4  }
0x9: {  	v1 =	vimm.s32 $0x33323130;
	[smem:$0x7FF] =	sst s3;
	s5 =	sshll.u32 s9, $0xA;
	s2 =	sadd.s32 $0x3600, s2  }
0xa: {  	v2 =	vimm.s32 $0x3020100;
	s25 =	sshll.u32 s9, $0xE;
	s9 =	simm.s32 $0x200;
	s6 =	sshll.u32 s4, $0x9  }
0xb: {  	v3 =	vunpack.c.0.s8.s32 v0;
	v1 =	vunpack.c.0.s8.s32 v1;
	v0 =	vimm.s32 $0x13121110;
	_ =	strace $0x80000047;
	s7 =	ssub.s32 $0x2, s4;
	s5 =	sor.u32 s6, s5  }
0xc: {  	v2 =	vunpack.c.0.s8.s32 v2;
	s4 =	sshll.u32 s4, $0xD;
	v4 =	vunpack.c.0.s8.s32 v0;
	v0 =	vlaneseq.u32;
	s24 =	sshrl.u32 s7, $0x1;
	s8 =	sshrl.u32 s5, $0x3  }
.Ltmp0:
0xd: {  	vm0 =	vcmask $0x1F10;
	v0 =	vmul.u32 $0x80, v0;
	s6 =	ssub.s32 s7, s24;
	s5 =	sshll.u32 s5, $0x4;
	(pc) =	sbr.rel .LBB2_1-.Ltmp0, $4  }
0xe: {  	v1 =	vsel vm0, v1, v3;
	s24 =	simm.s32 $0xCA00;
	v2 =	vsel vm0, v4, v2;
	s0 =	sadd.s32 s0, s8;
	s5 =	sadd.s32 s2, s5  }
0xf: {  	s26 =	smax.u32 s6, $0x1;
	v1 =	vcombine.low v2, v1;
	v2 =	vor.u32 $0x800, v0;
	s6 =	simm.s32 $0x0;
	[dreg:$0x4] =	wrdreg s0  }
0x10: {  	v3 =	vor.u32 $0x1000, v0;
	v4 =	vor.u32 $0x1800, v0;
	v5 =	vor.u32 $0x2000, v0;
	s0 =	sadd.s32 s25, s2;
	[dreg:$0x5] =	wrdreg s26;
	s26 =	simm.s32 $0xEA00  }
0x11: {  	v6 =	vor.u32 $0x2800, v0;
	v7 =	vor.u32 $0x3000, v0;
	v8 =	vor.u32 $0x3800, v0;
	s2 =	simm.s32 $0x3;
	s7 =	sadd.s32 s4, s0;
	s0 =	simm.s32 $0x10C00  }
.LBB2_10:
0x12: {  	_ =	swait.ge [sflag:s17], $0x200  }
0x13: {  	[sflag:s17] =	ssyncset.done $0x0  }
0x14: {  	[sflag:s17] =	ssyncadd.s32 $0xFFFFFE00  }
0x15: {  	_ =	swait.ge [sflag:s17], $0x200  }
0x16: {  	[sflag:s17] =	ssyncset.done $0x0  }
0x17: {  	[sflag:s17] =	ssyncadd.s32 $0xFFFFFE00  }
0x18: {  	_ =	swait.ge [sflag:s17], $0x200  }
0x19: {  	[sflag:s17] =	ssyncset.done $0x0  }
0x1a: {  	[sflag:s17] =	ssyncadd.s32 $0xFFFFFE00  }
0x1b: {  	_ =	swait.ge [sflag:s17], $0x200  }
0x1c: {  	s6 =	rddreg [dreg:$0x6]  }
0x1d: {  	s4 =	rddreg [dreg:$0x5];
	s6 =	sadd.s32 $0x1, s6  }
0x1e: {  	p0 =	sne.s32 s6, s4  }
.Ltmp1:
0x1f: {  	_ = 	snop;
	(pc) =	sbr.rel @!p0 .LBB2_11-.Ltmp1, $3  }
0x20: {  	_ =	sdelay $0x1  }
0x21: {  	[sflag:s17] =	ssyncset.done $0x0  }
0x22: {  	[sflag:s17] =	ssyncadd.s32 $0xFFFFFE00  }
.LBB2_1:
0x23: {  	[dreg:$0x6] =	wrdreg s6  }
0x24: {  	s4 =	rddreg [dreg:$0x4];
	s23 =	simm.s32 $0x6  }
0x25: {  	[tilespmem:s3], [sflag:$0x6] =	stream.linear.gather [hbm4b:s4+s3], $0x200, $0x38;
	[tilespmem:$0x11200] =	vst v63  }
0x26: {  	_ =	swait.ge [sflag:s23], $0x200  }
0x27: {  	[sflag:s23] =	ssyncset.done $0x0  }
0x28: {  	s25 =	simm.s32 $0x0;
	[sflag:s23] =	ssyncadd.s32 $0xFFFFFE00  }
0x29: {  	v10 =	vor.u32 s3, v1;
	s4 =	simm.s32 $0x40;
	v9 =	vld [tilespmem:s25+$0x0]  }
.LBB2_2:
0x2a: {  	p0 =	sne.s32 s4, $0x7C0  }
.Ltmp2:
0x2b: {  	_ = 	snop;
	(pc) =	sbr.rel @p0 .LBB2_2-.Ltmp2, $3  }
0x2c: {  	_ =	sdelay $0x1  }
0x2d: {  	s6 =	sshra.s32 s4, $0x2;
	s8 =	smov.u32 s4;
	s4 =	sadd.s32 $0x40, s4;
	[tilespmem:v10+s9+$0x0] =	vst.idx.msk $0xffff, v9  }
0x2e: {  	v10 =	vor.u32 s8, v1;
	v9 =	vld [tilespmem:s6+$0x0]  }
0x2f: {  	_ =	sdelay $0x3  }
0x30: {  	[tilespmem:v10+s9+$0x0] =	vst.idx.msk $0xffff, v9  }
0x31: {  	v9 =	vld [tilespmem:$0x200];
	_ =	sdelay $0x4  }
0x32: {  	(v2sf) =	vpush v9, $0x0;
	_ =	sdelay $0x1  }
0x33: {  	(v2sf) =	vpush v9, $0x1;
	_ =	sdelay $0x2  }
0x34: {  	(v2sf) =	vpush v9, $0x2;
	_ =	sdelay $0x2  }
0x35: {  	(v2sf) =	vpush v9, $0x3;
	_ =	sdelay $0x6  }
0x36: {  	s4 =	spop (v2sf)  }
0x37: {  	s4 =	sand.u32 $0xFFFFF80, s4  }
0x38: {  	s22 =	spop (v2sf);
	s4 =	sadd.s32 s1, s4  }
0x39: {  	[tilespmem:s12], [sflag:$0x1] =	stream.strided.gather [hbm4b:s4+s10], $0x1000, s11, s10, $0x38;
	[tilespmem:$0x11200] =	vst v63  }
0x3a: {  	s4 =	sand.u32 $0xFFFFF80, s22  }
0x3b: {  	s6 =	simm.s32 $0x1A00;
	s23 =	spop (v2sf);
	s4 =	sadd.s32 s1, s4  }
0x3c: {  	[tilespmem:s6], [sflag:$0x1] =	stream.strided.gather [hbm4b:s4+s10], $0x1000, s11, s10, $0x38;
	[tilespmem:$0x11200] =	vst v63  }
0x3d: {  	s4 =	sand.u32 $0xFFFFF80, s23  }
0x3e: {  	s25 =	simm.s32 $0x2A00;
	s8 =	spop (v2sf);
	s4 =	sadd.s32 s1, s4  }
0x3f: {  	[tilespmem:s25], [sflag:$0x1] =	stream.strided.gather [hbm4b:s4+s10], $0x1000, s11, s10, $0x38;
	[tilespmem:$0x11200] =	vst v63  }
0x40: {  	s4 =	sand.u32 $0xFFFFF80, s8  }
0x41: {  	s18 =	simm.s32 $0x3A00;
	s4 =	sadd.s32 s1, s4  }
0x42: {  	[tilespmem:s18], [sflag:$0x1] =	stream.strided.gather [hbm4b:s4+s10], $0x1000, s11, s10, $0x38;
	[tilespmem:$0x11200] =	vst v63  }
0x43: {  	v9 =	vld [tilespmem:$0x210];
	_ =	sdelay $0x4  }
0x44: {  	(v2sf) =	vpush v9, $0x0;
	_ =	sdelay $0x1  }
0x45: {  	(v2sf) =	vpush v9, $0x1;
	_ =	sdelay $0x2  }
0x46: {  	(v2sf) =	vpush v9, $0x2;
	_ =	sdelay $0x2  }
0x47: {  	(v2sf) =	vpush v9, $0x3;
	_ =	sdelay $0x6  }
0x48: {  	s19 =	spop (v2sf)  }
0x49: {  	s4 =	sand.u32 $0xFFFFF80, s19  }
0x4a: {  	s21 =	spop (v2sf);
	s4 =	sadd.s32 s1, s4  }
0x4b: {  	[tilespmem:s16], [sflag:$0x2] =	stream.strided.gather [hbm4b:s4+s10], $0x1000, s11, s10, $0x38;
	[tilespmem:$0x11200] =	vst v63  }
0x4c: {  	s4 =	sand.u32 $0xFFFFF80, s21  }
0x4d: {  	s22 =	simm.s32 $0x5A00;
	s23 =	spop (v2sf);
	s4 =	sadd.s32 s1, s4  }
0x4e: {  	[tilespmem:s22], [sflag:$0x2] =	stream.strided.gather [hbm4b:s4+s10], $0x1000, s11, s10, $0x38;
	[tilespmem:$0x11200] =	vst v63  }
0x4f: {  	s4 =	sand.u32 $0xFFFFF80, s23  }
0x50: {  	s25 =	simm.s32 $0x6A00;
	s8 =	spop (v2sf);
	s4 =	sadd.s32 s1, s4  }
0x51: {  	[tilespmem:s25], [sflag:$0x2] =	stream.strided.gather [hbm4b:s4+s10], $0x1000, s11, s10, $0x38;
	[tilespmem:$0x11200] =	vst v63  }
0x52: {  	s4 =	sand.u32 $0xFFFFF80, s8  }
0x53: {  	s18 =	simm.s32 $0x7A00;
	s4 =	sadd.s32 s1, s4  }
0x54: {  	[tilespmem:s18], [sflag:$0x2] =	stream.strided.gather [hbm4b:s4+s10], $0x1000, s11, s10, $0x38;
	[tilespmem:$0x11200] =	vst v63  }
0x55: {  	v9 =	vld [tilespmem:$0x220];
	_ =	sdelay $0x4  }
0x56: {  	(v2sf) =	vpush v9, $0x0;
	_ =	sdelay $0x1  }
0x57: {  	(v2sf) =	vpush v9, $0x1;
	_ =	sdelay $0x2  }
0x58: {  	(v2sf) =	vpush v9, $0x2;
	_ =	sdelay $0x2  }
0x59: {  	(v2sf) =	vpush v9, $0x3;
	_ =	sdelay $0x6  }
0x5a: {  	s19 =	spop (v2sf)  }
0x5b: {  	s4 =	sand.u32 $0xFFFFF80, s19  }
0x5c: {  	s21 =	spop (v2sf);
	s4 =	sadd.s32 s1, s4  }
0x5d: {  	[tilespmem:s20], [sflag:$0x3] =	stream.strided.gather [hbm4b:s4+s10], $0x1000, s11, s10, $0x38;
	[tilespmem:$0x11200] =	vst v63  }
0x5e: {  	s4 =	sand.u32 $0xFFFFF80, s21  }
0x5f: {  	s22 =	simm.s32 $0x9A00;
	s23 =	spop (v2sf);
	s4 =	sadd.s32 s1, s4  }
0x60: {  	[tilespmem:s22], [sflag:$0x3] =	stream.strided.gather [hbm4b:s4+s10], $0x1000, s11, s10, $0x38;
	[tilespmem:$0x11200] =	vst v63  }
0x61: {  	s4 =	sand.u32 $0xFFFFF80, s23  }
0x62: {  	s25 =	simm.s32 $0xAA00;
	s6 =	spop (v2sf);
	s4 =	sadd.s32 s1, s4  }
0x63: {  	[tilespmem:s25], [sflag:$0x3] =	stream.strided.gather [hbm4b:s4+s10], $0x1000, s11, s10, $0x38;
	[tilespmem:$0x11200] =	vst v63  }
0x64: {  	s4 =	sand.u32 $0xFFFFF80, s6  }
0x65: {  	s8 =	simm.s32 $0xBA00;
	s4 =	sadd.s32 s1, s4  }
0x66: {  	[tilespmem:s8], [sflag:$0x3] =	stream.strided.gather [hbm4b:s4+s10], $0x1000, s11, s10, $0x38;
	[tilespmem:$0x11200] =	vst v63  }
0x67: {  	v9 =	vld [tilespmem:$0x230];
	_ =	sdelay $0x4  }
0x68: {  	(v2sf) =	vpush v9, $0x0  }
0x69: {  	(v2sf) =	vpush v9, $0x1  }
0x6a: {  	(v2sf) =	vpush v9, $0x2;
	_ =	sdelay $0x3  }
0x6b: {  	(v2sf) =	vpush v9, $0x3;
	_ =	sdelay $0x8  }
0x6c: {  	s18 =	spop (v2sf)  }
0x6d: {  	s4 =	sand.u32 $0xFFFFF80, s18;
	s19 =	spop (v2sf)  }
0x6e: {  	s4 =	sadd.s32 s1, s4;
	s21 =	sand.u32 $0xFFFFF80, s19;
	s22 =	spop (v2sf)  }
0x6f: {  	[tilespmem:s24], [sflag:$0x4] =	stream.strided.gather [hbm4b:s4+s10], $0x1000, s11, s10, $0x38;
	[tilespmem:$0x11200] =	vst v63  }
0x70: {  	s8 =	simm.s32 $0xDA00;
	s4 =	sadd.s32 s1, s21;
	s23 =	sand.u32 $0xFFFFF80, s22  }
0x71: {  	[tilespmem:s8], [sflag:$0x4] =	stream.strided.gather [hbm4b:s4+s10], $0x1000, s11, s10, $0x38;
	[tilespmem:$0x11200] =	vst v63  }
0x72: {  	s25 =	spop (v2sf);
	s4 =	sadd.s32 s1, s23  }
0x73: {  	[tilespmem:s26], [sflag:$0x4] =	stream.strided.gather [hbm4b:s4+s10], $0x1000, s11, s10, $0x38;
	[tilespmem:$0x11200] =	vst v63  }
0x74: {  	s4 =	sand.u32 $0xFFFFF80, s25  }
0x75: {  	s19 =	simm.s32 $0x0;
	s21 =	simm.s32 $0x3;
	s4 =	sadd.s32 s1, s4  }
0x76: {  	[tilespmem:s28], [sflag:$0x4] =	stream.strided.gather [hbm4b:s4+s10], $0x1000, s11, s10, $0x38;
	[tilespmem:$0x11200] =	vst v63  }
.LBB2_4:
0x77: {  	p0 =	seq.s32 s19, $0x0  }
0x78: {  	s4 =	simm.s32 @!p0 $0x5  }
0x79: {  	_ =	swait.ge @!p0 [sflag:s4], $0x200  }
0x7a: {  	[sflag:s4] =	ssyncset.done @!p0 $0x0  }
0x7b: {  	[sflag:s4] =	ssyncadd.s32 @!p0 $0xFFFFFE00  }
0x7c: {  	_ =	swait.ge [sflag:s29], $0x1000  }
0x7d: {  	[sflag:s29] =	ssyncset.done $0x0  }
0x7e: {  	[sflag:s29] =	ssyncadd.s32 $0xFFFFF000  }
0x7f: {  	_ =	swait.ge [sflag:s29], $0x1000  }
0x80: {  	[sflag:s29] =	ssyncset.done $0x0  }
0x81: {  	[sflag:s29] =	ssyncadd.s32 $0xFFFFF000  }
0x82: {  	_ =	swait.ge [sflag:s29], $0x1000  }
0x83: {  	[sflag:s29] =	ssyncset.done $0x0  }
0x84: {  	[sflag:s29] =	ssyncadd.s32 $0xFFFFF000  }
0x85: {  	_ =	swait.ge [sflag:s29], $0x1000  }
0x86: {  	[sflag:s29] =	ssyncset.done $0x0  }
0x87: {  	s22 =	sshra.s32 s19, $0x2;
	[sflag:s29] =	ssyncadd.s32 $0xFFFFF000  }
0x88: {  	v9 =	vld [tilespmem:s22+$0x200];
	_ =	sdelay $0x4  }
0x89: {  	(v2sf) =	vpush v9, $0x0;
	_ =	sdelay $0x6  }
0x8a: {  	(v2sf) =	vpush v9, $0x1;
	_ =	sdelay $0x6  }
0x8b: {  	(v2sf) =	vpush v9, $0x2  }
0x8c: {  	s6 =	spop (v2sf)  }
0x8d: {  	s4 =	sand.u32 $0x7F, s6  }
0x8e: {  	v10 =	vor.u32 s4, v0  }
0x8f: {  	v11 =	vor.u32 s4, v2;
	_ =	sdelay $0x2  }
0x90: {  	(v2sf) =	vpush v9, $0x3  }
0x91: {  	s8 =	spop (v2sf);
	v9 =	vld.idx.msk [tilespmem:v10+s12+$0x0], $0xffff  }
0x92: {  	s4 =	sand.u32 $0x7F, s8;
	v10 =	vld.idx.msk [tilespmem:v11+s12+$0x0], $0xffff  }
0x93: {  	v11 =	vor.u32 s4, v3  }
0x94: {  	v12 =	vor.u32 s4, v4;
	_ =	sdelay $0x1  }
0x95: {  	[tilespmem:$0x10A00] =	vst v9  }
0x96: {  	[tilespmem:$0x10A10] =	vst v10  }
0x97: {  	s18 =	spop (v2sf);
	v9 =	vld.idx.msk [tilespmem:v11+s12+$0x0], $0xffff  }
0x98: {  	s4 =	sand.u32 $0x7F, s18;
	v10 =	vld.idx.msk [tilespmem:v12+s12+$0x0], $0xffff  }
0x99: {  	v11 =	vor.u32 s4, v5  }
0x9a: {  	v59 =	vor.u32 s4, v6;
	_ =	sdelay $0x1  }
0x9b: {  	[tilespmem:$0x10A80] =	vst v9  }
0x9c: {  	[tilespmem:$0x10A90] =	vst v10  }
0x9d: {  	s23 =	spop (v2sf);
	v9 =	vld.idx.msk [tilespmem:v11+s12+$0x0], $0xffff  }
0x9e: {  	s4 =	sand.u32 $0x7F, s23;
	v10 =	vld.idx.msk [tilespmem:v59+s12+$0x0], $0xffff  }
0x9f: {  	v11 =	vor.u32 s4, v7  }
0xa0: {  	v60 =	vor.u32 s4, v8;
	_ =	sdelay $0x1  }
0xa1: {  	[tilespmem:$0x10B00] =	vst v9  }
0xa2: {  	[tilespmem:$0x10B10] =	vst v10  }
0xa3: {  	v9 =	vld.idx.msk [tilespmem:v11+s12+$0x0], $0xffff  }
0xa4: {  	v10 =	vld.idx.msk [tilespmem:v60+s12+$0x0], $0xffff;
	_ =	sdelay $0x3  }
0xa5: {  	p0 =	seq.s32 s19, $0x1F00;
	[tilespmem:$0x10B80] =	vst v9  }
0xa6: {  	s8 =	sadd.s32 s19, s7;
	s23 =	sshra.s32 @!p0 s19, $0x2;
	[tilespmem:$0x10B90] =	vst v10  }
0xa7: {  	[hbm4b:s8+s3] =	stream.linear.scatter [tilespmem:s30], [sflag:$0x5], $0x200, $0x38;
	[tilespmem:$0x11200] =	vst v63  }
0xa8: {  	v9 =	vld @!p0 [tilespmem:s23+$0x240];
	_ =	sdelay $0x4  }
0xa9: {  	(v2sf) =	vpush @!p0 v9, $0x0;
	_ =	sdelay $0x3  }
0xaa: {  	(v2sf) =	vpush @!p0 v9, $0x1;
	_ =	sdelay $0x3  }
0xab: {  	(v2sf) =	vpush @!p0 v9, $0x2;
	_ =	sdelay $0x3  }
0xac: {  	(v2sf) =	vpush @!p0 v9, $0x3;
	_ =	sdelay $0x2  }
0xad: {  	s4 =	spop @!p0 (v2sf)  }
0xae: {  	s25 =	simm.s32 @!p0 $0xA00;
	s4 =	sand.u32 @!p0 $0xFFFFF80, s4  }
0xaf: {  	s6 =	simm.s32 @!p0 $0x7A1400;
	s18 =	sadd.s32 @!p0 s1, s4;
	s4 =	simm.s32 @!p0 $0x400  }
0xb0: {  	[tilespmem:s25], [sflag:$0x1] =	stream.strided.gather @!p0 [hbm4b:s18+s4], $0x1000, s6, s4, $0x38;
	[tilespmem:$0x11200] =	vst v63  }
0xb1: {  	s18 =	spop @!p0 (v2sf)  }
0xb2: {  	s18 =	sand.u32 @!p0 $0xFFFFF80, s18  }
0xb3: {  	s25 =	simm.s32 @!p0 $0x1A00;
	s18 =	sadd.s32 @!p0 s1, s18  }
0xb4: {  	[tilespmem:s25], [sflag:$0x1] =	stream.strided.gather @!p0 [hbm4b:s18+s4], $0x1000, s6, s4, $0x38;
	[tilespmem:$0x11200] =	vst v63  }
0xb5: {  	s18 =	spop @!p0 (v2sf)  }
0xb6: {  	s18 =	sand.u32 @!p0 $0xFFFFF80, s18  }
0xb7: {  	s25 =	simm.s32 @!p0 $0x2A00;
	s18 =	sadd.s32 @!p0 s1, s18  }
0xb8: {  	[tilespmem:s25], [sflag:$0x1] =	stream.strided.gather @!p0 [hbm4b:s18+s4], $0x1000, s6, s4, $0x38;
	[tilespmem:$0x11200] =	vst v63  }
0xb9: {  	s18 =	spop @!p0 (v2sf)  }
0xba: {  	p1 =	seq.s32 @!p0 s19, $0x0;
	s18 =	sand.u32 @!p0 $0xFFFFF80, s18  }
0xbb: {  	p1 =	por p0, !p1;
	s25 =	simm.s32 @!p0 $0x3A00;
	s18 =	sadd.s32 @!p0 s1, s18  }
0xbc: {  	[tilespmem:s25], [sflag:$0x1] =	stream.strided.gather @!p0 [hbm4b:s18+s4], $0x1000, s6, s4, $0x38;
	[tilespmem:$0x11200] =	vst v63  }
0xbd: {  	_ =	swait.ge @p1 [sflag:s17], $0x200  }
0xbe: {  	[sflag:s17] =	ssyncset.done @p1 $0x0  }
0xbf: {  	[sflag:s17] =	ssyncadd.s32 @p1 $0xFFFFFE00  }
0xc0: {  	_ =	swait.ge [sflag:s31], $0x1000  }
0xc1: {  	[sflag:s31] =	ssyncset.done $0x0  }
0xc2: {  	[sflag:s31] =	ssyncadd.s32 $0xFFFFF000  }
0xc3: {  	_ =	swait.ge [sflag:s31], $0x1000  }
0xc4: {  	[sflag:s31] =	ssyncset.done $0x0  }
0xc5: {  	[sflag:s31] =	ssyncadd.s32 $0xFFFFF000  }
0xc6: {  	_ =	swait.ge [sflag:s31], $0x1000  }
0xc7: {  	[sflag:s31] =	ssyncset.done $0x0  }
0xc8: {  	[sflag:s31] =	ssyncadd.s32 $0xFFFFF000  }
0xc9: {  	_ =	swait.ge [sflag:s31], $0x1000  }
0xca: {  	[sflag:s31] =	ssyncset.done $0x0  }
0xcb: {  	[sflag:s31] =	ssyncadd.s32 $0xFFFFF000  }
0xcc: {  	v9 =	vld [tilespmem:s22+$0x210];
	_ =	sdelay $0x4  }
0xcd: {  	(v2sf) =	vpush v9, $0x0;
	_ =	sdelay $0x6  }
0xce: {  	(v2sf) =	vpush v9, $0x1;
	_ =	sdelay $0x6  }
0xcf: {  	(v2sf) =	vpush v9, $0x2  }
0xd0: {  	s25 =	spop (v2sf)  }
0xd1: {  	s18 =	sand.u32 $0x7F, s25  }
0xd2: {  	v10 =	vor.u32 s18, v0  }
0xd3: {  	v11 =	vor.u32 s18, v2;
	_ =	sdelay $0x2  }
0xd4: {  	(v2sf) =	vpush v9, $0x3  }
0xd5: {  	s25 =	spop (v2sf);
	v9 =	vld.idx.msk [tilespmem:v10+s16+$0x0], $0xffff  }
0xd6: {  	s18 =	sand.u32 $0x7F, s25;
	v10 =	vld.idx.msk [tilespmem:v11+s16+$0x0], $0xffff  }
0xd7: {  	v11 =	vor.u32 s18, v3  }
0xd8: {  	v61 =	vor.u32 s18, v4;
	_ =	sdelay $0x1  }
0xd9: {  	[tilespmem:$0x10C00] =	vst v9  }
0xda: {  	[tilespmem:$0x10C10] =	vst v10  }
0xdb: {  	s25 =	spop (v2sf);
	v9 =	vld.idx.msk [tilespmem:v11+s16+$0x0], $0xffff  }
0xdc: {  	s18 =	sand.u32 $0x7F, s25;
	v10 =	vld.idx.msk [tilespmem:v61+s16+$0x0], $0xffff  }
0xdd: {  	v11 =	vor.u32 s18, v5  }
0xde: {  	v62 =	vor.u32 s18, v6;
	_ =	sdelay $0x1  }
0xdf: {  	[tilespmem:$0x10C80] =	vst v9  }
0xe0: {  	[tilespmem:$0x10C90] =	vst v10  }
0xe1: {  	s25 =	spop (v2sf);
	v9 =	vld.idx.msk [tilespmem:v11+s16+$0x0], $0xffff  }
0xe2: {  	s18 =	sand.u32 $0x7F, s25;
	v10 =	vld.idx.msk [tilespmem:v62+s16+$0x0], $0xffff  }
0xe3: {  	v11 =	vor.u32 s18, v7  }
0xe4: {  	v63 =	vor.u32 s18, v8;
	_ =	sdelay $0x1  }
0xe5: {  	[tilespmem:$0x10D00] =	vst v9  }
0xe6: {  	[tilespmem:$0x10D10] =	vst v10  }
0xe7: {  	v9 =	vld.idx.msk [tilespmem:v11+s16+$0x0], $0xffff  }
0xe8: {  	v10 =	vld.idx.msk [tilespmem:v63+s16+$0x0], $0xffff;
	_ =	sdelay $0x3  }
0xe9: {  	[tilespmem:$0x10D80] =	vst v9  }
0xea: {  	s8 =	sadd.s32 $0x40, s8;
	[tilespmem:$0x10D90] =	vst v10  }
0xeb: {  	[hbm4b:s8+s3] =	stream.linear.scatter [tilespmem:s0], [sflag:$0x5], $0x200, $0x38;
	[tilespmem:$0x11200] =	vst v63  }
0xec: {  	v9 =	vld @!p0 [tilespmem:s23+$0x250];
	_ =	sdelay $0x4  }
0xed: {  	(v2sf) =	vpush @!p0 v9, $0x0;
	_ =	sdelay $0x3  }
0xee: {  	(v2sf) =	vpush @!p0 v9, $0x1;
	_ =	sdelay $0x3  }
0xef: {  	(v2sf) =	vpush @!p0 v9, $0x2;
	_ =	sdelay $0x3  }
0xf0: {  	(v2sf) =	vpush @!p0 v9, $0x3;
	_ =	sdelay $0x2  }
0xf1: {  	s8 =	spop @!p0 (v2sf)  }
0xf2: {  	s8 =	sand.u32 @!p0 $0xFFFFF80, s8  }
0xf3: {  	s18 =	simm.s32 @!p0 $0x4A00;
	s8 =	sadd.s32 @!p0 s1, s8  }
0xf4: {  	[tilespmem:s18], [sflag:$0x2] =	stream.strided.gather @!p0 [hbm4b:s8+s4], $0x1000, s6, s4, $0x38;
	[tilespmem:$0x11200] =	vst v63  }
0xf5: {  	s8 =	spop @!p0 (v2sf)  }
0xf6: {  	s8 =	sand.u32 @!p0 $0xFFFFF80, s8  }
0xf7: {  	s18 =	simm.s32 @!p0 $0x5A00;
	s8 =	sadd.s32 @!p0 s1, s8  }
0xf8: {  	[tilespmem:s18], [sflag:$0x2] =	stream.strided.gather @!p0 [hbm4b:s8+s4], $0x1000, s6, s4, $0x38;
	[tilespmem:$0x11200] =	vst v63  }
0xf9: {  	s8 =	spop @!p0 (v2sf)  }
0xfa: {  	s8 =	sand.u32 @!p0 $0xFFFFF80, s8  }
0xfb: {  	s18 =	simm.s32 @!p0 $0x6A00;
	s8 =	sadd.s32 @!p0 s1, s8  }
0xfc: {  	[tilespmem:s18], [sflag:$0x2] =	stream.strided.gather @!p0 [hbm4b:s8+s4], $0x1000, s6, s4, $0x38;
	[tilespmem:$0x11200] =	vst v63  }
.Ltmp3:
0xfd: {  	s8 =	spop @!p0 (v2sf);
	(pc) =	sbr.rel @!p1 .LBB2_6-.Ltmp3, $4  }
0xfe: {  	s8 =	sand.u32 @!p0 $0xFFFFF80, s8  }
0xff: {  	s18 =	simm.s32 @!p0 $0x7A00;
	s8 =	sadd.s32 @!p0 s1, s8  }
0x100: {  	[tilespmem:s18], [sflag:$0x2] =	stream.strided.gather @!p0 [hbm4b:s8+s4], $0x1000, s6, s4, $0x38;
	[tilespmem:$0x11200] =	vst v63  }
0x101: {  	s4 =	sadd.s32 @!p0 $0xFFFFFFFF, s21  }
0x102: {  	_ =	swait.ge [sflag:s17], $0x200  }
0x103: {  	[sflag:s17] =	ssyncset.done $0x0  }
0x104: {  	s4 =	simm.s32 @p0 $0x7E;
	[sflag:s17] =	ssyncadd.s32 $0xFFFFFE00  }
.LBB2_6:
0x105: {  	_ =	swait.ge [sflag:s2], $0x1000  }
0x106: {  	[sflag:s2] =	ssyncset.done $0x0  }
0x107: {  	[sflag:s2] =	ssyncadd.s32 $0xFFFFF000  }
0x108: {  	_ =	swait.ge [sflag:s2], $0x1000  }
0x109: {  	[sflag:s2] =	ssyncset.done $0x0  }
0x10a: {  	[sflag:s2] =	ssyncadd.s32 $0xFFFFF000  }
0x10b: {  	_ =	swait.ge [sflag:s2], $0x1000  }
0x10c: {  	[sflag:s2] =	ssyncset.done $0x0  }
0x10d: {  	[sflag:s2] =	ssyncadd.s32 $0xFFFFF000  }
0x10e: {  	_ =	swait.ge [sflag:s2], $0x1000  }
0x10f: {  	s4 =	sshll.u32 s4, $0x6;
	[sflag:s2] =	ssyncset.done $0x0  }
0x110: {  	s6 =	sshrl.u32 s4, $0x2;
	[sflag:s2] =	ssyncadd.s32 $0xFFFFF000  }
0x111: {  	v9 =	vld [tilespmem:s6+$0x200];
	_ =	sdelay $0x4  }
0x112: {  	(v2sf) =	vpush v9, $0x0;
	_ =	sdelay $0x6  }
0x113: {  	(v2sf) =	vpush v9, $0x1;
	_ =	sdelay $0x6  }
0x114: {  	(v2sf) =	vpush v9, $0x2  }
0x115: {  	s25 =	spop (v2sf)  }
0x116: {  	s6 =	sand.u32 $0x7F, s25  }
0x117: {  	v10 =	vor.u32 s6, v0  }
0x118: {  	v11 =	vor.u32 s6, v2;
	_ =	sdelay $0x2  }
0x119: {  	(v2sf) =	vpush v9, $0x3  }
0x11a: {  	s8 =	spop (v2sf);
	v9 =	vld.idx.msk [tilespmem:v10+s20+$0x0], $0xffff  }
0x11b: {  	s6 =	sand.u32 $0x7F, s8;
	v10 =	vld.idx.msk [tilespmem:v11+s20+$0x0], $0xffff  }
0x11c: {  	v11 =	vor.u32 s6, v3  }
0x11d: {  	v12 =	vor.u32 s6, v4;
	_ =	sdelay $0x1  }
0x11e: {  	[tilespmem:$0x10E00] =	vst v9  }
0x11f: {  	[tilespmem:$0x10E10] =	vst v10  }
0x120: {  	s18 =	spop (v2sf);
	v9 =	vld.idx.msk [tilespmem:v11+s20+$0x0], $0xffff  }
0x121: {  	s6 =	sand.u32 $0x7F, s18;
	v10 =	vld.idx.msk [tilespmem:v12+s20+$0x0], $0xffff  }
0x122: {  	v11 =	vor.u32 s6, v5  }
0x123: {  	v62 =	vor.u32 s6, v6;
	_ =	sdelay $0x1  }
0x124: {  	[tilespmem:$0x10E80] =	vst v9  }
0x125: {  	[tilespmem:$0x10E90] =	vst v10  }
0x126: {  	s25 =	spop (v2sf);
	v9 =	vld.idx.msk [tilespmem:v11+s20+$0x0], $0xffff  }
0x127: {  	s6 =	sand.u32 $0x7F, s25;
	v10 =	vld.idx.msk [tilespmem:v62+s20+$0x0], $0xffff  }
0x128: {  	v11 =	vor.u32 s6, v7  }
0x129: {  	v63 =	vor.u32 s6, v8;
	_ =	sdelay $0x1  }
0x12a: {  	[tilespmem:$0x10F00] =	vst v9  }
0x12b: {  	[tilespmem:$0x10F10] =	vst v10  }
0x12c: {  	v9 =	vld.idx.msk [tilespmem:v11+s20+$0x0], $0xffff  }
0x12d: {  	v10 =	vld.idx.msk [tilespmem:v63+s20+$0x0], $0xffff;
	_ =	sdelay $0x3  }
0x12e: {  	[tilespmem:$0x10F80] =	vst v9  }
0x12f: {  	s4 =	sadd.s32 s4, s5;
	[tilespmem:$0x10F90] =	vst v10  }
0x130: {  	[hbm4b:s4+s3] =	stream.linear.scatter [tilespmem:s13], [sflag:$0x5], $0x200, $0x38;
	[tilespmem:$0x11200] =	vst v63  }
0x131: {  	v9 =	vld @!p0 [tilespmem:s23+$0x260];
	_ =	sdelay $0x4  }
0x132: {  	(v2sf) =	vpush @!p0 v9, $0x0;
	_ =	sdelay $0x3  }
0x133: {  	(v2sf) =	vpush @!p0 v9, $0x1;
	_ =	sdelay $0x3  }
0x134: {  	(v2sf) =	vpush @!p0 v9, $0x2;
	_ =	sdelay $0x3  }
0x135: {  	(v2sf) =	vpush @!p0 v9, $0x3;
	_ =	sdelay $0x2  }
0x136: {  	s4 =	spop @!p0 (v2sf)  }
0x137: {  	s8 =	simm.s32 @!p0 $0x7A1400;
	s4 =	sand.u32 @!p0 $0xFFFFF80, s4  }
0x138: {  	s18 =	simm.s32 @!p0 $0x8A00;
	s6 =	simm.s32 @!p0 $0x400;
	s4 =	sadd.s32 @!p0 s1, s4  }
0x139: {  	[tilespmem:s18], [sflag:$0x3] =	stream.strided.gather @!p0 [hbm4b:s4+s6], $0x1000, s8, s6, $0x38;
	[tilespmem:$0x11200] =	vst v63  }
0x13a: {  	s4 =	spop @!p0 (v2sf)  }
0x13b: {  	s4 =	sand.u32 @!p0 $0xFFFFF80, s4  }
0x13c: {  	s18 =	simm.s32 @!p0 $0x9A00;
	s4 =	sadd.s32 @!p0 s1, s4  }
0x13d: {  	[tilespmem:s18], [sflag:$0x3] =	stream.strided.gather @!p0 [hbm4b:s4+s6], $0x1000, s8, s6, $0x38;
	[tilespmem:$0x11200] =	vst v63  }
0x13e: {  	s4 =	spop @!p0 (v2sf)  }
0x13f: {  	s4 =	sand.u32 @!p0 $0xFFFFF80, s4  }
0x140: {  	s18 =	simm.s32 @!p0 $0xAA00;
	s4 =	sadd.s32 @!p0 s1, s4  }
0x141: {  	[tilespmem:s18], [sflag:$0x3] =	stream.strided.gather @!p0 [hbm4b:s4+s6], $0x1000, s8, s6, $0x38;
	[tilespmem:$0x11200] =	vst v63  }
.Ltmp4:
0x142: {  	s4 =	spop @!p0 (v2sf);
	(pc) =	sbr.rel @!p1 .LBB2_8-.Ltmp4, $4  }
0x143: {  	s4 =	sand.u32 @!p0 $0xFFFFF80, s4  }
0x144: {  	s18 =	simm.s32 @!p0 $0xBA00;
	s4 =	sadd.s32 @!p0 s1, s4  }
0x145: {  	[tilespmem:s18], [sflag:$0x3] =	stream.strided.gather @!p0 [hbm4b:s4+s6], $0x1000, s8, s6, $0x38;
	[tilespmem:$0x11200] =	vst v63  }
0x146: {  	s4 =	smov.u32 s21  }
0x147: {  	_ =	swait.ge [sflag:s17], $0x200  }
0x148: {  	s4 =	smov.u32 s21;
	[sflag:s17] =	ssyncset.done $0x0  }
0x149: {  	s4 =	simm.s32 @p0 $0x7F;
	[sflag:s17] =	ssyncadd.s32 $0xFFFFFE00  }
.LBB2_8:
0x14a: {  	_ =	swait.ge [sflag:s14], $0x1000  }
0x14b: {  	[sflag:s14] =	ssyncset.done $0x0  }
0x14c: {  	[sflag:s14] =	ssyncadd.s32 $0xFFFFF000  }
0x14d: {  	_ =	swait.ge [sflag:s14], $0x1000  }
0x14e: {  	[sflag:s14] =	ssyncset.done $0x0  }
0x14f: {  	[sflag:s14] =	ssyncadd.s32 $0xFFFFF000  }
0x150: {  	_ =	swait.ge [sflag:s14], $0x1000  }
0x151: {  	[sflag:s14] =	ssyncset.done $0x0  }
0x152: {  	[sflag:s14] =	ssyncadd.s32 $0xFFFFF000  }
0x153: {  	_ =	swait.ge [sflag:s14], $0x1000  }
0x154: {  	s4 =	sshll.u32 s4, $0x6;
	[sflag:s14] =	ssyncset.done $0x0  }
0x155: {  	s6 =	sshrl.u32 s4, $0x2;
	[sflag:s14] =	ssyncadd.s32 $0xFFFFF000  }
0x156: {  	v9 =	vld [tilespmem:s6+$0x200];
	_ =	sdelay $0x4  }
0x157: {  	(v2sf) =	vpush v9, $0x0;
	_ =	sdelay $0x6  }
0x158: {  	(v2sf) =	vpush v9, $0x1;
	_ =	sdelay $0x6  }
0x159: {  	(v2sf) =	vpush v9, $0x2  }
0x15a: {  	s8 =	spop (v2sf)  }
0x15b: {  	s6 =	sand.u32 $0x7F, s8  }
0x15c: {  	v10 =	vor.u32 s6, v0  }
0x15d: {  	v11 =	vor.u32 s6, v2;
	_ =	sdelay $0x2  }
0x15e: {  	(v2sf) =	vpush v9, $0x3  }
0x15f: {  	s18 =	spop (v2sf);
	v9 =	vld.idx.msk [tilespmem:v10+s24+$0x0], $0xffff  }
0x160: {  	s6 =	sand.u32 $0x7F, s18;
	v10 =	vld.idx.msk [tilespmem:v11+s24+$0x0], $0xffff  }
0x161: {  	v11 =	vor.u32 s6, v3  }
0x162: {  	v12 =	vor.u32 s6, v4;
	_ =	sdelay $0x1  }
0x163: {  	[tilespmem:$0x11000] =	vst v9  }
0x164: {  	[tilespmem:$0x11010] =	vst v10  }
0x165: {  	s23 =	spop (v2sf);
	v9 =	vld.idx.msk [tilespmem:v11+s24+$0x0], $0xffff  }
0x166: {  	s6 =	sand.u32 $0x7F, s23;
	v10 =	vld.idx.msk [tilespmem:v12+s24+$0x0], $0xffff  }
0x167: {  	v11 =	vor.u32 s6, v5  }
0x168: {  	v62 =	vor.u32 s6, v6;
	_ =	sdelay $0x1  }
0x169: {  	[tilespmem:$0x11080] =	vst v9  }
0x16a: {  	[tilespmem:$0x11090] =	vst v10  }
0x16b: {  	s25 =	spop (v2sf);
	v9 =	vld.idx.msk [tilespmem:v11+s24+$0x0], $0xffff  }
0x16c: {  	s6 =	sand.u32 $0x7F, s25;
	v10 =	vld.idx.msk [tilespmem:v62+s24+$0x0], $0xffff  }
0x16d: {  	v11 =	vor.u32 s6, v7  }
0x16e: {  	v63 =	vor.u32 s6, v8;
	_ =	sdelay $0x1  }
0x16f: {  	[tilespmem:$0x11100] =	vst v9  }
0x170: {  	[tilespmem:$0x11110] =	vst v10  }
0x171: {  	v9 =	vld.idx.msk [tilespmem:v11+s24+$0x0], $0xffff  }
0x172: {  	v10 =	vld.idx.msk [tilespmem:v63+s24+$0x0], $0xffff;
	_ =	sdelay $0x1  }
.Ltmp5:
0x173: {  	_ = 	snop;
	(pc) =	sbr.rel @p0 .LBB2_10-.Ltmp5, $4  }
0x174: {  	_ = 	snop  }
0x175: {  	[tilespmem:$0x11180] =	vst v9  }
0x176: {  	s4 =	sadd.s32 s4, s5;
	[tilespmem:$0x11190] =	vst v10  }
0x177: {  	[hbm4b:s4+s3] =	stream.linear.scatter [tilespmem:s15], [sflag:$0x5], $0x200, $0x38;
	[tilespmem:$0x11200] =	vst v63  }
0x178: {  	v9 =	vld [tilespmem:s22+$0x270];
	_ =	sdelay $0x4  }
0x179: {  	(v2sf) =	vpush v9, $0x0;
	_ =	sdelay $0x1  }
0x17a: {  	(v2sf) =	vpush v9, $0x1;
	_ =	sdelay $0x2  }
0x17b: {  	(v2sf) =	vpush v9, $0x2;
	_ =	sdelay $0x2  }
0x17c: {  	(v2sf) =	vpush v9, $0x3;
	_ =	sdelay $0x6  }
0x17d: {  	s4 =	spop (v2sf)  }
0x17e: {  	s4 =	sand.u32 $0xFFFFF80, s4  }
0x17f: {  	s22 =	spop (v2sf);
	s4 =	sadd.s32 s1, s4  }
0x180: {  	[tilespmem:s24], [sflag:$0x4] =	stream.strided.gather [hbm4b:s4+s10], $0x1000, s11, s10, $0x38;
	[tilespmem:$0x11200] =	vst v63  }
0x181: {  	s4 =	sand.u32 $0xFFFFF80, s22  }
0x182: {  	s6 =	simm.s32 $0xDA00;
	s23 =	spop (v2sf);
	s4 =	sadd.s32 s1, s4  }
0x183: {  	[tilespmem:s6], [sflag:$0x4] =	stream.strided.gather [hbm4b:s4+s10], $0x1000, s11, s10, $0x38;
	[tilespmem:$0x11200] =	vst v63  }
0x184: {  	s4 =	sand.u32 $0xFFFFF80, s23  }
.Ltmp6:
0x185: {  	s25 =	spop (v2sf);
	s4 =	sadd.s32 s1, s4;
	(pc) =	sbr.rel .LBB2_4-.Ltmp6, $4  }
0x186: {  	[tilespmem:s26], [sflag:$0x4] =	stream.strided.gather [hbm4b:s4+s10], $0x1000, s11, s10, $0x38;
	[tilespmem:$0x11200] =	vst v63  }
0x187: {  	s4 =	sand.u32 $0xFFFFF80, s25  }
0x188: {  	s19 =	sadd.s32 $0x100, s19;
	s21 =	sadd.s32 $0x4, s21;
	s4 =	sadd.s32 s1, s4  }
0x189: {  	[tilespmem:s28], [sflag:$0x4] =	stream.strided.gather [hbm4b:s4+s10], $0x1000, s11, s10, $0x38;
	[tilespmem:$0x11200] =	vst v63  }
.LBB2_11:
0x18a: {  	_ =	sfence.sel $0x180000  }
0x18b: {  	[bflag:$0x0] =	sbarrier.arrive $0xFFFF  }
0x18c: {  	_ =	strace $0x90000047  }
0x18d: {  	s0 =	stileid.u32;
	[bflag:$0x2] =	sbarrier.arrive $0xFFFF  }
0x18e: {  	p0 =	sne.s32 s0, $0x0;
	s0 =	rddreg [dreg:$0x3]  }
0x18f: {  	s0 =	sadd.s32 @!p0 $0x100000, s0  }
0x190: {  	[sflag:s0] =	ssyncadd.tile.s32 @!p0 $0x1;
	_ =	shalt  }
.Lfunc_end2:
_tile_overlayer_lowered:
.L_overlay_start_2:
0x191: {  	(tag) =	ssettag $0x2  }
0x192: {  	s0 =	rddreg [dreg:$0x0];
	s2 =	stileid.u32  }
0x193: {  	s1 =	rddreg [dreg:$0x1];
	p0 =	sne.s32 s2, $0x0  }
0x194: {  	s3 =	rddreg [dreg:$0x2];
	[bflag:$0x3] =	sbarrier.arrive $0xFFFF;
	s2 =	simm.s32 @!p0 $0x1C06  }
0x195: {  	[timem:s3], [sflag:s2] =	dma.local @!p0 [hbm:s0], s1  }
0x196: {  	s0 =	simm.s32 @!p0 $0x6  }
0x197: {  	_ =	swait.ge @!p0 [sflag:s0], s1  }
0x198: {  	s1 =	ssub.s32 @!p0 $0x0, s1;
	[sflag:s0] =	ssyncset.done @!p0 $0x0  }
0x199: {  	[sflag:s0] =	ssyncadd.s32 @!p0 s1  }
0x19a: {  	[bflag:$0x3] =	sbarrier.arrive $0xFFFF  }
0x19b: {  	_ =	shalt  }

</sc_bundles>
